<compile_context>
chip_gen: v7x
topology: tpu7x:2x2x1
jax: 0.10.2.dev20260603
libtpu: 0.0.44.dev20260713+nightly
codegen_flags: <defaults>
</compile_context>

<pallas_src>
import functools

import jax
import jax.numpy as jnp
from jax import lax
from jax.experimental import pallas as pl
from jax.experimental.pallas import tpu as pltpu
from jax.experimental.pallas import tpu_sc as plsc

N = 10000
E = 320000
D = 128
DE = 16
MD = 64
ND = 64

NC = 2
NS = 16
NW = NC * NS
EPW = E // NW
CHUNK = 80
NCHUNK = EPW // CHUNK
NPAD = 10240
RPS = NPAD // NS

_SC_MESH = plsc.VectorSubcoreMesh(core_axis_name="c", subcore_axis_name="s")


def _edge_body(hw, ew, src3, dst3, zeros, out,
               src_all, dst_all, e0, e1, r0, r1, acc,
               se0, se1, sg0, sg1, ss0, ss1):
    rows = [r0, r1]
    ews = [e0, e1]
    se = [se0, se1]
    sg = [sg0, sg1]
    ss = [ss0, ss1]

    cid = lax.axis_index("c")
    sid = lax.axis_index("s")
    wid = sid * NC + cid
    base = wid * EPW

    pltpu.sync_copy(zeros.at[pl.ds(sid * RPS, RPS)], acc.at[pl.ds(sid * RPS, RPS)])
    pltpu.sync_copy(src3.at[wid], src_all)
    pltpu.sync_copy(dst3.at[wid], dst_all)
    plsc.subcore_barrier()

    def ew_start(k, bi):
        pltpu.async_copy(ew.at[pl.ds(base + k * CHUNK, CHUNK)], ews[bi], se[bi])

    def ew_wait(k, bi):
        pltpu.make_async_copy(ew.at[pl.ds(base + k * CHUNK, CHUNK)],
                              ews[bi], se[bi]).wait()

    def g_start(k, bi):
        pltpu.async_copy(hw.at[src_all.at[k]], rows[bi], sg[bi])

    def g_wait(k, bi):
        pltpu.make_async_copy(hw.at[src_all.at[k]], rows[bi], sg[bi]).wait()

    def s_start(k, bi):
        pltpu.async_copy(rows[bi], acc.at[dst_all.at[k]], ss[bi], add=True)

    def s_wait(k, bi):
        pltpu.make_async_copy(rows[bi], acc.at[dst_all.at[k]], ss[bi]).wait()

    def compute(bi):
        @plsc.parallel_loop(0, CHUNK, 1)
        def _(j):
            for q in range(MD // 16):
                v = rows[bi][j, pl.ds(q * 16, 16)] + ews[bi][j, pl.ds(q * 16, 16)]
                t = jnp.exp(v)
                rows[bi][j, pl.ds(q * 16, 16)] = 1.0 - 2.0 / (t + 1.0)

    ew_start(0, 0)
    g_start(0, 0)

    def pair_body(p, carry):
        for b in range(2):
            k = p * 2 + b
            ew_wait(k, b)
            g_wait(k, b)
            compute(b)
            s_start(k, b)

            @pl.when(k >= 1)
            def _():
                s_wait(k - 1, 1 - b)

            ew_start(k + 1, 1 - b)
            g_start(k + 1, 1 - b)
        return carry

    lax.fori_loop(0, (NCHUNK - 1) // 2, pair_body, 0)
    kt = NCHUNK - 1
    ew_wait(kt, 0)
    g_wait(kt, 0)
    compute(0)
    s_start(kt, 0)
    s_wait(kt - 1, 1)
    s_wait(kt, 0)

    plsc.subcore_barrier()
    pltpu.sync_copy(acc.at[pl.ds(sid * RPS, RPS)],
                    out.at[cid, pl.ds(sid * RPS, RPS)])


_edge_pass = pl.kernel(
    _edge_body,
    out_type=jax.ShapeDtypeStruct((NC, NPAD, MD), jnp.float32),
    mesh=_SC_MESH,
    scratch_types=[
        pltpu.VMEM((NCHUNK, CHUNK), jnp.int32),
        pltpu.VMEM((NCHUNK, CHUNK), jnp.int32),
        pltpu.VMEM((CHUNK, MD), jnp.float32),
        pltpu.VMEM((CHUNK, MD), jnp.float32),
        pltpu.VMEM((CHUNK, MD), jnp.float32),
        pltpu.VMEM((CHUNK, MD), jnp.float32),
        pltpu.VMEM_SHARED((NPAD, MD), jnp.float32),
        pltpu.SemaphoreType.DMA,
        pltpu.SemaphoreType.DMA,
        pltpu.SemaphoreType.DMA,
        pltpu.SemaphoreType.DMA,
        pltpu.SemaphoreType.DMA,
        pltpu.SemaphoreType.DMA,
    ],
    compiler_params=pltpu.CompilerParams(use_tc_tiling_on_sc=False),
)



_BE = 8000
_BN = 2000


def _pre_body(ea_ref, w1b_ref, x_ref, w1a_ref, b1_ref, ew1_ref, xw1_ref):
    ew1_ref[...] = jnp.dot(ea_ref[...], w1b_ref[...],
                           preferred_element_type=jnp.float32)
    xw1_ref[...] = jnp.dot(x_ref[...], w1a_ref[...],
                           preferred_element_type=jnp.float32) + b1_ref[...]


def _pre_call(edge_attr, w1b, x, w1a, b1):
    return pl.pallas_call(
        _pre_body,
        grid=(E // _BE,),
        in_specs=[
            pl.BlockSpec((_BE, DE), lambda i: (i, 0)),
            pl.BlockSpec((DE, MD), lambda i: (0, 0)),
            pl.BlockSpec((_BN, D), lambda i: (jnp.minimum(i, 4), 0)),
            pl.BlockSpec((D, MD), lambda i: (0, 0)),
            pl.BlockSpec((1, MD), lambda i: (0, 0)),
        ],
        out_specs=[
            pl.BlockSpec((_BE, MD), lambda i: (i, 0)),
            pl.BlockSpec((_BN, MD), lambda i: (jnp.minimum(i, 4), 0)),
        ],
        out_shape=[
            jax.ShapeDtypeStruct((E, MD), jnp.float32),
            jax.ShapeDtypeStruct((N, MD), jnp.float32),
        ],
    )(edge_attr, w1b, x, w1a, b1)


def _ew2_body(ea_ref, w2b_ref, ew2_ref):
    ew2_ref[...] = jnp.dot(ea_ref[...], w2b_ref[...],
                           preferred_element_type=jnp.float32)


def _ew2_call(edge_attr, w2b):
    return pl.pallas_call(
        _ew2_body,
        grid=(E // _BE,),
        in_specs=[
            pl.BlockSpec((_BE, DE), lambda i: (i, 0)),
            pl.BlockSpec((DE, MD), lambda i: (0, 0)),
        ],
        out_specs=pl.BlockSpec((_BE, MD), lambda i: (i, 0)),
        out_shape=jax.ShapeDtypeStruct((E, MD), jnp.float32),
    )(edge_attr, w2b)


def _h1_body(x_ref, pp_ref, wna_ref, wnb_ref, bn_ref, w2a_ref, b2_ref,
             h_ref, xw2_ref):
    pooled = pp_ref[0] + pp_ref[1]
    h = jnp.tanh(jnp.dot(x_ref[...], wna_ref[...], preferred_element_type=jnp.float32)
                 + jnp.dot(pooled, wnb_ref[...], preferred_element_type=jnp.float32)
                 + bn_ref[...])
    h_ref[...] = h
    xw2_ref[...] = jnp.dot(h, w2a_ref[...],
                           preferred_element_type=jnp.float32) + b2_ref[...]


def _h1_call(x, pp, wn1a, wn1b, bn1, w2a, b2):
    return pl.pallas_call(
        _h1_body,
        grid=(N // _BN,),
        in_specs=[
            pl.BlockSpec((_BN, D), lambda i: (i, 0)),
            pl.BlockSpec((NC, _BN, MD), lambda i: (0, i, 0)),
            pl.BlockSpec((D, ND), lambda i: (0, 0)),
            pl.BlockSpec((MD, ND), lambda i: (0, 0)),
            pl.BlockSpec((1, ND), lambda i: (0, 0)),
            pl.BlockSpec((ND, MD), lambda i: (0, 0)),
            pl.BlockSpec((1, MD), lambda i: (0, 0)),
        ],
        out_specs=[
            pl.BlockSpec((_BN, ND), lambda i: (i, 0)),
            pl.BlockSpec((_BN, MD), lambda i: (i, 0)),
        ],
        out_shape=[
            jax.ShapeDtypeStruct((N, ND), jnp.float32),
            jax.ShapeDtypeStruct((N, MD), jnp.float32),
        ],
    )(x, pp, wn1a, wn1b, bn1, w2a, b2)


def _out_body(h_ref, pp_ref, wna_ref, wnb_ref, bn_ref, wo_ref, bo_ref, o_ref):
    pooled = pp_ref[0] + pp_ref[1]
    h2 = jnp.tanh(jnp.dot(h_ref[...], wna_ref[...], preferred_element_type=jnp.float32)
                  + jnp.dot(pooled, wnb_ref[...], preferred_element_type=jnp.float32)
                  + bn_ref[...])
    o_ref[...] = jnp.dot(h2, wo_ref[...],
                         preferred_element_type=jnp.float32) + bo_ref[...]


def _out_call(h, pp, wn2a, wn2b, bn2, wo, bo):
    return pl.pallas_call(
        _out_body,
        grid=(N // _BN,),
        in_specs=[
            pl.BlockSpec((_BN, ND), lambda i: (i, 0)),
            pl.BlockSpec((NC, _BN, MD), lambda i: (0, i, 0)),
            pl.BlockSpec((ND, ND), lambda i: (0, 0)),
            pl.BlockSpec((MD, ND), lambda i: (0, 0)),
            pl.BlockSpec((1, ND), lambda i: (0, 0)),
            pl.BlockSpec((ND, 1), lambda i: (0, 0)),
            pl.BlockSpec((1, 1), lambda i: (0, 0)),
        ],
        out_specs=pl.BlockSpec((_BN, 1), lambda i: (i, 0)),
        out_shape=jax.ShapeDtypeStruct((N, 1), jnp.float32),
    )(h, pp, wn2a, wn2b, bn2, wo, bo)


def kernel(x, edge_index, edge_attr, W1, b1, Wn1, bn1, W2, b2, Wn2, bn2, Wo, bo):
    src3 = edge_index[0].reshape(NW, NCHUNK, CHUNK)
    dst3 = edge_index[1].reshape(NW, NCHUNK, CHUNK)
    zeros = jnp.zeros((NPAD, MD), jnp.float32)

    ew1, xw1 = _pre_call(edge_attr, 2.0 * W1[D:], x, 2.0 * W1[:D],
                         2.0 * b1.reshape(1, MD))
    ew2 = _ew2_call(edge_attr, 2.0 * W2[ND:])
    pp1 = _edge_pass(xw1, ew1, src3, dst3, zeros)
    h, xw2 = _h1_call(x, pp1, Wn1[:D], Wn1[D:], bn1.reshape(1, ND),
                      2.0 * W2[:ND], 2.0 * b2.reshape(1, MD))
    pp2 = _edge_pass(xw2, ew2, src3, dst3, zeros)
    return _out_call(h, pp2, Wn2[:ND], Wn2[ND:], bn2.reshape(1, ND),
                     Wo, bo.reshape(1, 1))

# --- scband reference (transcript-rebuilt; emitter-appended) ---
"""Pipeline reference for scband-mpnnmodel-69784628625437 (READ-ONLY COPY).

The authoritative reference and input builder live on the scoring server;
editing this copy changes nothing except your own understanding.
"""

import jax, jax.numpy as jnp
import numpy as np

N = 10000
E = 320000
D = 128
DE = 16
MD = 64
ND = 64
OUT = 1

def _glorot(k, shape):
    lim = np.sqrt(6.0 / (shape[0] + shape[1]))
    return jax.random.uniform(k, shape, jnp.float32, -lim, lim)

def setup_inputs(seed: int = 0) -> dict:
    key = jax.random.key(seed)
    ks = jax.random.split(key, 16)
    x = jax.random.normal(ks[0], (N, D), jnp.float32)
    edge_index = jax.random.randint(ks[1], (2, E), 0, N, dtype=jnp.int32)
    edge_attr = jax.random.normal(ks[2], (E, DE), jnp.float32)
    # MPNN layer 1: message dense over concat(sender_node, edge_feat), next-state dense over concat(node, pooled)
    W1 = _glorot(ks[3], (D + DE, MD)); b1 = jnp.zeros((MD,), jnp.float32)
    Wn1 = _glorot(ks[4], (D + MD, ND)); bn1 = jnp.zeros((ND,), jnp.float32)
    # MPNN layer 2 (hidden state dim is now ND)
    W2 = _glorot(ks[5], (ND + DE, MD)); b2 = jnp.zeros((MD,), jnp.float32)
    Wn2 = _glorot(ks[6], (ND + MD, ND)); bn2 = jnp.zeros((ND,), jnp.float32)
    # final readout dense
    Wo = _glorot(ks[7], (ND, OUT)); bo = jnp.zeros((OUT,), jnp.float32)
    return {"x": x, "edge_index": edge_index, "edge_attr": edge_attr,
            "W1": W1, "b1": b1, "Wn1": Wn1, "bn1": bn1,
            "W2": W2, "b2": b2, "Wn2": Wn2, "bn2": bn2,
            "Wo": Wo, "bo": bo}

def reference(x, edge_index, edge_attr, W1, b1, Wn1, bn1, W2, b2, Wn2, bn2, Wo, bo):
    src = edge_index[0]
    dst = edge_index[1]
    n = x.shape[0]
    def mpnn_layer(h, Wm, bm, Ws, bs):
        sender = jnp.take(h, src, axis=0)                      # gather sender node feats [E, dh]
        msg_in = jnp.concatenate([sender, edge_attr], axis=-1) # ConcatFeatures
        msg = jnp.tanh(msg_in @ Wm + bm)                       # message_fn Dense(tanh)
        pooled = jax.ops.segment_sum(msg, dst, num_segments=n) # reduce_type='sum' to TARGET
        nxt_in = jnp.concatenate([h, pooled], axis=-1)         # NextStateFromConcat
        return jnp.tanh(nxt_in @ Ws + bs)                      # Dense(tanh)
    h = mpnn_layer(x, W1, b1, Wn1, bn1)
    h = mpnn_layer(h, W2, b2, Wn2, bn2)
    return h @ Wo + bo

if __name__ == "__main__":
    import jax
    _d = setup_inputs()
    print(jax.jit(kernel)(*tuple(_d.values())))

</pallas_src>

<mosaic_0001>
#map = affine_map<(d0, d1) -> (0, 0)>
#map1 = affine_map<(d0, d1) -> (0, 0, 0)>
module attributes {stable_mosaic.version = 14 : i64} {
  func.func @_edge_body(%arg0: i32, %arg1: i32, %arg2: memref<10000x64xf32, #tpu.memory_space<hbm>>, %arg3: memref<320000x64xf32, #tpu.memory_space<hbm>>, %arg4: memref<32x125x80xi32, #tpu.memory_space<hbm>>, %arg5: memref<32x125x80xi32, #tpu.memory_space<hbm>>, %arg6: memref<10240x64xf32, #tpu.memory_space<hbm>>, %arg7: memref<2x10240x64xf32, #tpu.memory_space<hbm>>, %arg8: memref<125x80xi32, #tpu.memory_space<vmem>>, %arg9: memref<125x80xi32, #tpu.memory_space<vmem>>, %arg10: memref<80x64xf32, #tpu.memory_space<vmem>>, %arg11: memref<80x64xf32, #tpu.memory_space<vmem>>, %arg12: memref<80x64xf32, #tpu.memory_space<vmem>>, %arg13: memref<80x64xf32, #tpu.memory_space<vmem>>, %arg14: memref<10240x64xf32, #tpu.memory_space<vmem_shared>>, %arg15: memref<!tpu.dma_semaphore, #tpu.memory_space<semaphore_mem>>, %arg16: memref<!tpu.dma_semaphore, #tpu.memory_space<semaphore_mem>>, %arg17: memref<!tpu.dma_semaphore, #tpu.memory_space<semaphore_mem>>, %arg18: memref<!tpu.dma_semaphore, #tpu.memory_space<semaphore_mem>>, %arg19: memref<!tpu.dma_semaphore, #tpu.memory_space<semaphore_mem>>, %arg20: memref<!tpu.dma_semaphore, #tpu.memory_space<semaphore_mem>>) attributes {dimension_semantics = [#tpu.dimension_semantics<core_parallel>, #tpu.dimension_semantics<subcore_parallel>], iteration_bounds = array<i64: 2, 16>, scalar_prefetch = 0 : i64, scratch_operands = 13 : i64, tpu.core_type = #tpu.core_type<sc_vector_subcore>, window_params = [{transform_indices = #map}, {transform_indices = #map}, {transform_indices = #map1}, {transform_indices = #map1}, {transform_indices = #map}, {transform_indices = #map1}]} {
    %mul3A = arith.constant 2 : i32
    %mul3A_0 = arith.muli %arg1, %mul3A : i32
    %add3A = arith.addi %mul3A_0, %arg0 : i32
    %mul3A_1 = arith.constant 10000 : i32
    %mul3A_2 = arith.muli %add3A, %mul3A_1 : i32
    %mul3A_3 = arith.constant 640 : i32
    %mul3A_4 = arith.muli %arg1, %mul3A_3 : i32
    %mul3A_5 = arith.constant 640 : i32
    %mul3A_6 = arith.muli %arg1, %mul3A_5 : i32
    "tpu.region"() ({
      %run_scoped3A = tpu.sem_alloc : memref<!tpu.dma_semaphore, #tpu.memory_space<semaphore_mem>>
      %dma_start3A_64 = arith.constant 0 : i32
      %dma_start3A_65 = tpu.memref_slice %arg14[%mul3A_6, %dma_start3A_64] : memref<10240x64xf32, #tpu.memory_space<vmem_shared>> -> memref<640x64xf32, #tpu.memory_space<vmem_shared>>
      %dma_start3A_66 = arith.constant 0 : i32
      %dma_start3A_67 = tpu.memref_slice %arg6[%mul3A_4, %dma_start3A_66] : memref<10240x64xf32, #tpu.memory_space<hbm>> -> memref<640x64xf32, #tpu.memory_space<hbm>>
      tpu.enqueue_dma source(%dma_start3A_67 : memref<640x64xf32, #tpu.memory_space<hbm>>) target(%dma_start3A_65 : memref<640x64xf32, #tpu.memory_space<vmem_shared>>) target_semaphore(%run_scoped3A : memref<!tpu.dma_semaphore, #tpu.memory_space<semaphore_mem>>)
      %dma_wait3A_68 = arith.constant 0 : i32
      %dma_wait3A_69 = tpu.memref_slice %arg14[%mul3A_6, %dma_wait3A_68] : memref<10240x64xf32, #tpu.memory_space<vmem_shared>> -> memref<640x64xf32, #tpu.memory_space<vmem_shared>>
      %dma_wait3A_70 = arith.constant 0 : i32
      %dma_wait3A_71 = tpu.memref_slice %arg6[%mul3A_4, %dma_wait3A_70] : memref<10240x64xf32, #tpu.memory_space<hbm>> -> memref<640x64xf32, #tpu.memory_space<hbm>>
      tpu.wait_dma2 semaphore(%run_scoped3A : memref<!tpu.dma_semaphore, #tpu.memory_space<semaphore_mem>>) src(%dma_wait3A_71 : memref<640x64xf32, #tpu.memory_space<hbm>>) dst(%dma_wait3A_69 : memref<640x64xf32, #tpu.memory_space<vmem_shared>>)
      tpu.yield
    }) : () -> ()
    "tpu.region"() ({
      %run_scoped3A = tpu.sem_alloc : memref<!tpu.dma_semaphore, #tpu.memory_space<semaphore_mem>>
      %dma_start3A_64 = arith.constant 0 : i32
      %dma_start3A_65 = arith.constant 0 : i32
      %dma_start3A_66 = tpu.memref_slice %arg4[%add3A, %dma_start3A_64, %dma_start3A_65] : memref<32x125x80xi32, #tpu.memory_space<hbm>> -> memref<1x125x80xi32, #tpu.memory_space<hbm>>
      %dma_start3A_67 = tpu.memref_squeeze %dma_start3A_66 : memref<1x125x80xi32, #tpu.memory_space<hbm>> -> memref<125x80xi32, #tpu.memory_space<hbm>>
      %dma_start3A_68 = arith.constant 0 : i32
      %dma_start3A_69 = arith.constant 0 : i32
      %dma_start3A_70 = tpu.memref_slice %arg4[%add3A, %dma_start3A_68, %dma_start3A_69] : memref<32x125x80xi32, #tpu.memory_space<hbm>> -> memref<1x125x80xi32, #tpu.memory_space<hbm>>
      %dma_start3A_71 = tpu.memref_squeeze %dma_start3A_70 : memref<1x125x80xi32, #tpu.memory_space<hbm>> -> memref<125x80xi32, #tpu.memory_space<hbm>>
      tpu.enqueue_dma source(%dma_start3A_71 : memref<125x80xi32, #tpu.memory_space<hbm>>) target(%arg8 : memref<125x80xi32, #tpu.memory_space<vmem>>) target_semaphore(%run_scoped3A : memref<!tpu.dma_semaphore, #tpu.memory_space<semaphore_mem>>)
      %dma_wait3A_72 = arith.constant 0 : i32
      %dma_wait3A_73 = arith.constant 0 : i32
      %dma_wait3A_74 = tpu.memref_slice %arg4[%add3A, %dma_wait3A_72, %dma_wait3A_73] : memref<32x125x80xi32, #tpu.memory_space<hbm>> -> memref<1x125x80xi32, #tpu.memory_space<hbm>>
      %dma_wait3A_75 = tpu.memref_squeeze %dma_wait3A_74 : memref<1x125x80xi32, #tpu.memory_space<hbm>> -> memref<125x80xi32, #tpu.memory_space<hbm>>
      %dma_wait3A_76 = arith.constant 0 : i32
      %dma_wait3A_77 = arith.constant 0 : i32
      %dma_wait3A_78 = tpu.memref_slice %arg4[%add3A, %dma_wait3A_76, %dma_wait3A_77] : memref<32x125x80xi32, #tpu.memory_space<hbm>> -> memref<1x125x80xi32, #tpu.memory_space<hbm>>
      %dma_wait3A_79 = tpu.memref_squeeze %dma_wait3A_78 : memref<1x125x80xi32, #tpu.memory_space<hbm>> -> memref<125x80xi32, #tpu.memory_space<hbm>>
      tpu.wait_dma2 semaphore(%run_scoped3A : memref<!tpu.dma_semaphore, #tpu.memory_space<semaphore_mem>>) src(%dma_wait3A_79 : memref<125x80xi32, #tpu.memory_space<hbm>>) dst(%arg8 : memref<125x80xi32, #tpu.memory_space<vmem>>)
      tpu.yield
    }) : () -> ()
    "tpu.region"() ({
      %run_scoped3A = tpu.sem_alloc : memref<!tpu.dma_semaphore, #tpu.memory_space<semaphore_mem>>
      %dma_start3A_64 = arith.constant 0 : i32
      %dma_start3A_65 = arith.constant 0 : i32
      %dma_start3A_66 = tpu.memref_slice %arg5[%add3A, %dma_start3A_64, %dma_start3A_65] : memref<32x125x80xi32, #tpu.memory_space<hbm>> -> memref<1x125x80xi32, #tpu.memory_space<hbm>>
      %dma_start3A_67 = tpu.memref_squeeze %dma_start3A_66 : memref<1x125x80xi32, #tpu.memory_space<hbm>> -> memref<125x80xi32, #tpu.memory_space<hbm>>
      %dma_start3A_68 = arith.constant 0 : i32
      %dma_start3A_69 = arith.constant 0 : i32
      %dma_start3A_70 = tpu.memref_slice %arg5[%add3A, %dma_start3A_68, %dma_start3A_69] : memref<32x125x80xi32, #tpu.memory_space<hbm>> -> memref<1x125x80xi32, #tpu.memory_space<hbm>>
      %dma_start3A_71 = tpu.memref_squeeze %dma_start3A_70 : memref<1x125x80xi32, #tpu.memory_space<hbm>> -> memref<125x80xi32, #tpu.memory_space<hbm>>
      tpu.enqueue_dma source(%dma_start3A_71 : memref<125x80xi32, #tpu.memory_space<hbm>>) target(%arg9 : memref<125x80xi32, #tpu.memory_space<vmem>>) target_semaphore(%run_scoped3A : memref<!tpu.dma_semaphore, #tpu.memory_space<semaphore_mem>>)
      %dma_wait3A_72 = arith.constant 0 : i32
      %dma_wait3A_73 = arith.constant 0 : i32
      %dma_wait3A_74 = tpu.memref_slice %arg5[%add3A, %dma_wait3A_72, %dma_wait3A_73] : memref<32x125x80xi32, #tpu.memory_space<hbm>> -> memref<1x125x80xi32, #tpu.memory_space<hbm>>
      %dma_wait3A_75 = tpu.memref_squeeze %dma_wait3A_74 : memref<1x125x80xi32, #tpu.memory_space<hbm>> -> memref<125x80xi32, #tpu.memory_space<hbm>>
      %dma_wait3A_76 = arith.constant 0 : i32
      %dma_wait3A_77 = arith.constant 0 : i32
      %dma_wait3A_78 = tpu.memref_slice %arg5[%add3A, %dma_wait3A_76, %dma_wait3A_77] : memref<32x125x80xi32, #tpu.memory_space<hbm>> -> memref<1x125x80xi32, #tpu.memory_space<hbm>>
      %dma_wait3A_79 = tpu.memref_squeeze %dma_wait3A_78 : memref<1x125x80xi32, #tpu.memory_space<hbm>> -> memref<125x80xi32, #tpu.memory_space<hbm>>
      tpu.wait_dma2 semaphore(%run_scoped3A : memref<!tpu.dma_semaphore, #tpu.memory_space<semaphore_mem>>) src(%dma_wait3A_79 : memref<125x80xi32, #tpu.memory_space<hbm>>) dst(%arg9 : memref<125x80xi32, #tpu.memory_space<vmem>>)
      tpu.yield
    }) : () -> ()
    %barrier3A = arith.constant 0 : index
    tpu.barrier barrier_id(%barrier3A)
    %add3A_7 = arith.constant 0 : i32
    %add3A_8 = arith.addi %mul3A_2, %add3A_7 : i32
    %dma_start3A = arith.constant 0 : i32
    %dma_start3A_9 = tpu.memref_slice %arg3[%add3A_8, %dma_start3A] : memref<320000x64xf32, #tpu.memory_space<hbm>> -> memref<80x64xf32, #tpu.memory_space<hbm>>
    %dma_start3A_10 = arith.constant 0 : i32
    %dma_start3A_11 = tpu.memref_slice %arg3[%add3A_8, %dma_start3A_10] : memref<320000x64xf32, #tpu.memory_space<hbm>> -> memref<80x64xf32, #tpu.memory_space<hbm>>
    tpu.enqueue_dma source(%dma_start3A_11 : memref<80x64xf32, #tpu.memory_space<hbm>>) target(%arg10 : memref<80x64xf32, #tpu.memory_space<vmem>>) target_semaphore(%arg15 : memref<!tpu.dma_semaphore, #tpu.memory_space<semaphore_mem>>)
    %dma_start3A_12 = arith.constant 0 : i32
    %dma_start3A_13 = arith.constant 0 : i32
    %dma_start3A_14 = tpu.memref_slice %arg8[%dma_start3A_12, %dma_start3A_13] : memref<125x80xi32, #tpu.memory_space<vmem>> -> memref<1x80xi32, #tpu.memory_space<vmem>>
    %dma_start3A_15 = tpu.memref_squeeze %dma_start3A_14 : memref<1x80xi32, #tpu.memory_space<vmem>> -> memref<80xi32, #tpu.memory_space<vmem>>
    %dma_start3A_16 = arith.constant 0 : i32
    %dma_start3A_17 = arith.constant 0 : i32
    %dma_start3A_18 = tpu.memref_slice %arg2[%dma_start3A_16, %dma_start3A_17] : memref<10000x64xf32, #tpu.memory_space<hbm>> -> memref<10000x64xf32, #tpu.memory_space<hbm>>
    tpu.enqueue_indirect_dma source(%dma_start3A_18 : memref<10000x64xf32, #tpu.memory_space<hbm>>) target(%arg12 : memref<80x64xf32, #tpu.memory_space<vmem>>) offsets(%dma_start3A_15 : memref<80xi32, #tpu.memory_space<vmem>>) semaphore(%arg17 : memref<!tpu.dma_semaphore, #tpu.memory_space<semaphore_mem>>)
    %scan3A = arith.constant 0 : i32
    %scan3A_19 = arith.constant 0 : i32
    %scan3A_20 = arith.constant 62 : i32
    %scan3A_21 = arith.addi %scan3A_19, %scan3A_20 : i32
    %scan3A_22 = arith.constant 1 : i32
    scf.for %scan3A_64 = %scan3A_19 to %scan3A_21 step %scan3A_22  : i32 {
      %mul3A_65 = arith.constant 2 : i32
      %mul3A_66 = arith.muli %scan3A_64, %mul3A_65 : i32
      %add3A_67 = arith.constant 0 : i32
      %add3A_68 = arith.addi %mul3A_66, %add3A_67 : i32
      %mul3A_69 = arith.constant 80 : i32
      %mul3A_70 = arith.muli %add3A_68, %mul3A_69 : i32
      %add3A_71 = arith.addi %mul3A_2, %mul3A_70 : i32
      %dma_wait3A_72 = arith.constant 0 : i32
      %dma_wait3A_73 = tpu.memref_slice %arg3[%add3A_71, %dma_wait3A_72] : memref<320000x64xf32, #tpu.memory_space<hbm>> -> memref<80x64xf32, #tpu.memory_space<hbm>>
      %dma_wait3A_74 = arith.constant 0 : i32
      %dma_wait3A_75 = tpu.memref_slice %arg3[%add3A_71, %dma_wait3A_74] : memref<320000x64xf32, #tpu.memory_space<hbm>> -> memref<80x64xf32, #tpu.memory_space<hbm>>
      tpu.wait_dma2 semaphore(%arg15 : memref<!tpu.dma_semaphore, #tpu.memory_space<semaphore_mem>>) src(%dma_wait3A_75 : memref<80x64xf32, #tpu.memory_space<hbm>>) dst(%arg10 : memref<80x64xf32, #tpu.memory_space<vmem>>)
      %dma_wait3A_76 = arith.constant 0 : i32
      %dma_wait3A_77 = tpu.memref_slice %arg8[%add3A_68, %dma_wait3A_76] : memref<125x80xi32, #tpu.memory_space<vmem>> -> memref<1x80xi32, #tpu.memory_space<vmem>>
      %dma_wait3A_78 = tpu.memref_squeeze %dma_wait3A_77 : memref<1x80xi32, #tpu.memory_space<vmem>> -> memref<80xi32, #tpu.memory_space<vmem>>
      %dma_wait3A_79 = arith.constant 0 : i32
      %dma_wait3A_80 = arith.constant 0 : i32
      %dma_wait3A_81 = tpu.memref_slice %arg2[%dma_wait3A_79, %dma_wait3A_80] : memref<10000x64xf32, #tpu.memory_space<hbm>> -> memref<10000x64xf32, #tpu.memory_space<hbm>>
      tpu.wait_indirect_dma semaphore(%arg17 : memref<!tpu.dma_semaphore, #tpu.memory_space<semaphore_mem>>) src(%dma_wait3A_81 : memref<10000x64xf32, #tpu.memory_space<hbm>>) dst(%arg12 : memref<80x64xf32, #tpu.memory_space<vmem>>)
      %parallel_loop3A_82 = arith.constant 0 : i32
      %parallel_loop3A_83 = arith.constant 80 : i32
      %parallel_loop3A_84 = arith.constant 1 : i32
      scf.for %parallel_loop3A_158 = %parallel_loop3A_82 to %parallel_loop3A_83 step %parallel_loop3A_84  : i32 {
        %parallel_loop3A_159 = arith.index_cast %parallel_loop3A_158 : i32 to index
        %parallel_loop3A_160 = arith.constant 0 : index
        %parallel_loop3A_161 = tpu.vector_load %arg12[%parallel_loop3A_159, %parallel_loop3A_160] {strides = array<i32>} : memref<80x64xf32, #tpu.memory_space<vmem>>, vector<1x16xf32>,
        %parallel_loop3A_162 = vector.shape_cast %parallel_loop3A_161 : vector<1x16xf32> to vector<16xf32>
        %parallel_loop3A_163 = arith.index_cast %parallel_loop3A_158 : i32 to index
        %parallel_loop3A_164 = arith.constant 0 : index
        %parallel_loop3A_165 = tpu.vector_load %arg10[%parallel_loop3A_163, %parallel_loop3A_164] {strides = array<i32>} : memref<80x64xf32, #tpu.memory_space<vmem>>, vector<1x16xf32>,
        %parallel_loop3A_166 = vector.shape_cast %parallel_loop3A_165 : vector<1x16xf32> to vector<16xf32>
        %parallel_loop3A_167 = arith.addf %parallel_loop3A_162, %parallel_loop3A_166 : vector<16xf32>
        %parallel_loop3A_168 = math.exp %parallel_loop3A_167 : vector<16xf32>
        %parallel_loop3A_169 = arith.constant 1.000000e+00 : f32
        %parallel_loop3A_170 = vector.broadcast %parallel_loop3A_169 : f32 to vector<16xf32>
        %parallel_loop3A_171 = arith.addf %parallel_loop3A_168, %parallel_loop3A_170 : vector<16xf32>
        %parallel_loop3A_172 = arith.constant 2.000000e+00 : f32
        %parallel_loop3A_173 = vector.broadcast %parallel_loop3A_172 : f32 to vector<16xf32>
        %parallel_loop3A_174 = arith.divf %parallel_loop3A_173, %parallel_loop3A_171 : vector<16xf32>
        %parallel_loop3A_175 = arith.constant 1.000000e+00 : f32
        %parallel_loop3A_176 = vector.broadcast %parallel_loop3A_175 : f32 to vector<16xf32>
        %parallel_loop3A_177 = arith.subf %parallel_loop3A_176, %parallel_loop3A_174 : vector<16xf32>
        %parallel_loop3A_178 = arith.index_cast %parallel_loop3A_158 : i32 to index
        %parallel_loop3A_179 = arith.constant 0 : index
        %parallel_loop3A_180 = tpu.vector_load %arg12[%parallel_loop3A_178, %parallel_loop3A_179] {strides = array<i32>} : memref<80x64xf32, #tpu.memory_space<vmem>>, vector<1x16xf32>,
        %parallel_loop3A_181 = vector.shape_cast %parallel_loop3A_180 : vector<1x16xf32> to vector<16xf32>
        %parallel_loop3A_182 = vector.shape_cast %parallel_loop3A_177 : vector<16xf32> to vector<1x16xf32>
        tpu.vector_store %arg12[%parallel_loop3A_178, %parallel_loop3A_179], %parallel_loop3A_182 {strides = array<i32>} : memref<80x64xf32, #tpu.memory_space<vmem>>, vector<1x16xf32>,
        %parallel_loop3A_183 = arith.index_cast %parallel_loop3A_158 : i32 to index
        %parallel_loop3A_184 = arith.constant 16 : index
        %parallel_loop3A_185 = tpu.vector_load %arg12[%parallel_loop3A_183, %parallel_loop3A_184] {strides = array<i32>} : memref<80x64xf32, #tpu.memory_space<vmem>>, vector<1x16xf32>,
        %parallel_loop3A_186 = vector.shape_cast %parallel_loop3A_185 : vector<1x16xf32> to vector<16xf32>
        %parallel_loop3A_187 = arith.index_cast %parallel_loop3A_158 : i32 to index
        %parallel_loop3A_188 = arith.constant 16 : index
        %parallel_loop3A_189 = tpu.vector_load %arg10[%parallel_loop3A_187, %parallel_loop3A_188] {strides = array<i32>} : memref<80x64xf32, #tpu.memory_space<vmem>>, vector<1x16xf32>,
        %parallel_loop3A_190 = vector.shape_cast %parallel_loop3A_189 : vector<1x16xf32> to vector<16xf32>
        %parallel_loop3A_191 = arith.addf %parallel_loop3A_186, %parallel_loop3A_190 : vector<16xf32>
        %parallel_loop3A_192 = math.exp %parallel_loop3A_191 : vector<16xf32>
        %parallel_loop3A_193 = arith.constant 1.000000e+00 : f32
        %parallel_loop3A_194 = vector.broadcast %parallel_loop3A_193 : f32 to vector<16xf32>
        %parallel_loop3A_195 = arith.addf %parallel_loop3A_192, %parallel_loop3A_194 : vector<16xf32>
        %parallel_loop3A_196 = arith.constant 2.000000e+00 : f32
        %parallel_loop3A_197 = vector.broadcast %parallel_loop3A_196 : f32 to vector<16xf32>
        %parallel_loop3A_198 = arith.divf %parallel_loop3A_197, %parallel_loop3A_195 : vector<16xf32>
        %parallel_loop3A_199 = arith.constant 1.000000e+00 : f32
        %parallel_loop3A_200 = vector.broadcast %parallel_loop3A_199 : f32 to vector<16xf32>
        %parallel_loop3A_201 = arith.subf %parallel_loop3A_200, %parallel_loop3A_198 : vector<16xf32>
        %parallel_loop3A_202 = arith.index_cast %parallel_loop3A_158 : i32 to index
        %parallel_loop3A_203 = arith.constant 16 : index
        %parallel_loop3A_204 = tpu.vector_load %arg12[%parallel_loop3A_202, %parallel_loop3A_203] {strides = array<i32>} : memref<80x64xf32, #tpu.memory_space<vmem>>, vector<1x16xf32>,
        %parallel_loop3A_205 = vector.shape_cast %parallel_loop3A_204 : vector<1x16xf32> to vector<16xf32>
        %parallel_loop3A_206 = vector.shape_cast %parallel_loop3A_201 : vector<16xf32> to vector<1x16xf32>
        tpu.vector_store %arg12[%parallel_loop3A_202, %parallel_loop3A_203], %parallel_loop3A_206 {strides = array<i32>} : memref<80x64xf32, #tpu.memory_space<vmem>>, vector<1x16xf32>,
        %parallel_loop3A_207 = arith.index_cast %parallel_loop3A_158 : i32 to index
        %parallel_loop3A_208 = arith.constant 32 : index
        %parallel_loop3A_209 = tpu.vector_load %arg12[%parallel_loop3A_207, %parallel_loop3A_208] {strides = array<i32>} : memref<80x64xf32, #tpu.memory_space<vmem>>, vector<1x16xf32>,
        %parallel_loop3A_210 = vector.shape_cast %parallel_loop3A_209 : vector<1x16xf32> to vector<16xf32>
        %parallel_loop3A_211 = arith.index_cast %parallel_loop3A_158 : i32 to index
        %parallel_loop3A_212 = arith.constant 32 : index
        %parallel_loop3A_213 = tpu.vector_load %arg10[%parallel_loop3A_211, %parallel_loop3A_212] {strides = array<i32>} : memref<80x64xf32, #tpu.memory_space<vmem>>, vector<1x16xf32>,
        %parallel_loop3A_214 = vector.shape_cast %parallel_loop3A_213 : vector<1x16xf32> to vector<16xf32>
        %parallel_loop3A_215 = arith.addf %parallel_loop3A_210, %parallel_loop3A_214 : vector<16xf32>
        %parallel_loop3A_216 = math.exp %parallel_loop3A_215 : vector<16xf32>
        %parallel_loop3A_217 = arith.constant 1.000000e+00 : f32
        %parallel_loop3A_218 = vector.broadcast %parallel_loop3A_217 : f32 to vector<16xf32>
        %parallel_loop3A_219 = arith.addf %parallel_loop3A_216, %parallel_loop3A_218 : vector<16xf32>
        %parallel_loop3A_220 = arith.constant 2.000000e+00 : f32
        %parallel_loop3A_221 = vector.broadcast %parallel_loop3A_220 : f32 to vector<16xf32>
        %parallel_loop3A_222 = arith.divf %parallel_loop3A_221, %parallel_loop3A_219 : vector<16xf32>
        %parallel_loop3A_223 = arith.constant 1.000000e+00 : f32
        %parallel_loop3A_224 = vector.broadcast %parallel_loop3A_223 : f32 to vector<16xf32>
        %parallel_loop3A_225 = arith.subf %parallel_loop3A_224, %parallel_loop3A_222 : vector<16xf32>
        %parallel_loop3A_226 = arith.index_cast %parallel_loop3A_158 : i32 to index
        %parallel_loop3A_227 = arith.constant 32 : index
        %parallel_loop3A_228 = tpu.vector_load %arg12[%parallel_loop3A_226, %parallel_loop3A_227] {strides = array<i32>} : memref<80x64xf32, #tpu.memory_space<vmem>>, vector<1x16xf32>,
        %parallel_loop3A_229 = vector.shape_cast %parallel_loop3A_228 : vector<1x16xf32> to vector<16xf32>
        %parallel_loop3A_230 = vector.shape_cast %parallel_loop3A_225 : vector<16xf32> to vector<1x16xf32>
        tpu.vector_store %arg12[%parallel_loop3A_226, %parallel_loop3A_227], %parallel_loop3A_230 {strides = array<i32>} : memref<80x64xf32, #tpu.memory_space<vmem>>, vector<1x16xf32>,
        %parallel_loop3A_231 = arith.index_cast %parallel_loop3A_158 : i32 to index
        %parallel_loop3A_232 = arith.constant 48 : index
        %parallel_loop3A_233 = tpu.vector_load %arg12[%parallel_loop3A_231, %parallel_loop3A_232] {strides = array<i32>} : memref<80x64xf32, #tpu.memory_space<vmem>>, vector<1x16xf32>,
        %parallel_loop3A_234 = vector.shape_cast %parallel_loop3A_233 : vector<1x16xf32> to vector<16xf32>
        %parallel_loop3A_235 = arith.index_cast %parallel_loop3A_158 : i32 to index
        %parallel_loop3A_236 = arith.constant 48 : index
        %parallel_loop3A_237 = tpu.vector_load %arg10[%parallel_loop3A_235, %parallel_loop3A_236] {strides = array<i32>} : memref<80x64xf32, #tpu.memory_space<vmem>>, vector<1x16xf32>,
        %parallel_loop3A_238 = vector.shape_cast %parallel_loop3A_237 : vector<1x16xf32> to vector<16xf32>
        %parallel_loop3A_239 = arith.addf %parallel_loop3A_234, %parallel_loop3A_238 : vector<16xf32>
        %parallel_loop3A_240 = math.exp %parallel_loop3A_239 : vector<16xf32>
        %parallel_loop3A_241 = arith.constant 1.000000e+00 : f32
        %parallel_loop3A_242 = vector.broadcast %parallel_loop3A_241 : f32 to vector<16xf32>
        %parallel_loop3A_243 = arith.addf %parallel_loop3A_240, %parallel_loop3A_242 : vector<16xf32>
        %parallel_loop3A_244 = arith.constant 2.000000e+00 : f32
        %parallel_loop3A_245 = vector.broadcast %parallel_loop3A_244 : f32 to vector<16xf32>
        %parallel_loop3A_246 = arith.divf %parallel_loop3A_245, %parallel_loop3A_243 : vector<16xf32>
        %parallel_loop3A_247 = arith.constant 1.000000e+00 : f32
        %parallel_loop3A_248 = vector.broadcast %parallel_loop3A_247 : f32 to vector<16xf32>
        %parallel_loop3A_249 = arith.subf %parallel_loop3A_248, %parallel_loop3A_246 : vector<16xf32>
        %parallel_loop3A_250 = arith.index_cast %parallel_loop3A_158 : i32 to index
        %parallel_loop3A_251 = arith.constant 48 : index
        %parallel_loop3A_252 = tpu.vector_load %arg12[%parallel_loop3A_250, %parallel_loop3A_251] {strides = array<i32>} : memref<80x64xf32, #tpu.memory_space<vmem>>, vector<1x16xf32>,
        %parallel_loop3A_253 = vector.shape_cast %parallel_loop3A_252 : vector<1x16xf32> to vector<16xf32>
        %parallel_loop3A_254 = vector.shape_cast %parallel_loop3A_249 : vector<16xf32> to vector<1x16xf32>
        tpu.vector_store %arg12[%parallel_loop3A_250, %parallel_loop3A_251], %parallel_loop3A_254 {strides = array<i32>} : memref<80x64xf32, #tpu.memory_space<vmem>>, vector<1x16xf32>,
      } {sc.loop_unroll_factor = 1 : i64, sc.parallel_access}
      %dma_start3A_85 = arith.constant 0 : i32
      %dma_start3A_86 = tpu.memref_slice %arg9[%add3A_68, %dma_start3A_85] : memref<125x80xi32, #tpu.memory_space<vmem>> -> memref<1x80xi32, #tpu.memory_space<vmem>>
      %dma_start3A_87 = tpu.memref_squeeze %dma_start3A_86 : memref<1x80xi32, #tpu.memory_space<vmem>> -> memref<80xi32, #tpu.memory_space<vmem>>
      %dma_start3A_88 = arith.constant 0 : i32
      %dma_start3A_89 = arith.constant 0 : i32
      %dma_start3A_90 = tpu.memref_slice %arg14[%dma_start3A_88, %dma_start3A_89] : memref<10240x64xf32, #tpu.memory_space<vmem_shared>> -> memref<10240x64xf32, #tpu.memory_space<vmem_shared>>
      tpu.enqueue_indirect_dma source(%arg12 : memref<80x64xf32, #tpu.memory_space<vmem>>) target(%dma_start3A_90 : memref<10240x64xf32, #tpu.memory_space<vmem_shared>>) offsets(%dma_start3A_87 : memref<80xi32, #tpu.memory_space<vmem>>) semaphore(%arg19 : memref<!tpu.dma_semaphore, #tpu.memory_space<semaphore_mem>>) {add = true}
      %ge3A = arith.constant 1 : i32
      %ge3A_91 = arith.cmpi sge, %add3A_68, %ge3A : i32
      %convert_element_type3A = arith.extui %ge3A_91 : i1 to i32
      %cond3A = arith.constant 0 : i32
      %cond3A_92 = arith.cmpi ne, %convert_element_type3A, %cond3A : i32
      scf.if %cond3A_92 {
        %sub3A = arith.constant 1 : i32
        %sub3A_158 = arith.subi %add3A_68, %sub3A : i32
        %dma_wait3A_159 = arith.constant 0 : i32
        %dma_wait3A_160 = tpu.memref_slice %arg9[%sub3A_158, %dma_wait3A_159] : memref<125x80xi32, #tpu.memory_space<vmem>> -> memref<1x80xi32, #tpu.memory_space<vmem>>
        %dma_wait3A_161 = tpu.memref_squeeze %dma_wait3A_160 : memref<1x80xi32, #tpu.memory_space<vmem>> -> memref<80xi32, #tpu.memory_space<vmem>>
        %dma_wait3A_162 = arith.constant 0 : i32
        %dma_wait3A_163 = arith.constant 0 : i32
        %dma_wait3A_164 = tpu.memref_slice %arg14[%dma_wait3A_162, %dma_wait3A_163] : memref<10240x64xf32, #tpu.memory_space<vmem_shared>> -> memref<10240x64xf32, #tpu.memory_space<vmem_shared>>
        tpu.wait_indirect_dma semaphore(%arg20 : memref<!tpu.dma_semaphore, #tpu.memory_space<semaphore_mem>>) src(%arg13 : memref<80x64xf32, #tpu.memory_space<vmem>>) dst(%dma_wait3A_164 : memref<10240x64xf32, #tpu.memory_space<vmem_shared>>)
      } else {
      }
      %add3A_93 = arith.constant 1 : i32
      %add3A_94 = arith.addi %add3A_68, %add3A_93 : i32
      %mul3A_95 = arith.constant 80 : i32
      %mul3A_96 = arith.muli %add3A_94, %mul3A_95 : i32
      %add3A_97 = arith.addi %mul3A_2, %mul3A_96 : i32
      %dma_start3A_98 = arith.constant 0 : i32
      %dma_start3A_99 = tpu.memref_slice %arg3[%add3A_97, %dma_start3A_98] : memref<320000x64xf32, #tpu.memory_space<hbm>> -> memref<80x64xf32, #tpu.memory_space<hbm>>
      %dma_start3A_100 = arith.constant 0 : i32
      %dma_start3A_101 = tpu.memref_slice %arg3[%add3A_97, %dma_start3A_100] : memref<320000x64xf32, #tpu.memory_space<hbm>> -> memref<80x64xf32, #tpu.memory_space<hbm>>
      tpu.enqueue_dma source(%dma_start3A_101 : memref<80x64xf32, #tpu.memory_space<hbm>>) target(%arg11 : memref<80x64xf32, #tpu.memory_space<vmem>>) target_semaphore(%arg16 : memref<!tpu.dma_semaphore, #tpu.memory_space<semaphore_mem>>)
      %add3A_102 = arith.constant 1 : i32
      %add3A_103 = arith.addi %add3A_68, %add3A_102 : i32
      %dma_start3A_104 = arith.constant 0 : i32
      %dma_start3A_105 = tpu.memref_slice %arg8[%add3A_103, %dma_start3A_104] : memref<125x80xi32, #tpu.memory_space<vmem>> -> memref<1x80xi32, #tpu.memory_space<vmem>>
      %dma_start3A_106 = tpu.memref_squeeze %dma_start3A_105 : memref<1x80xi32, #tpu.memory_space<vmem>> -> memref<80xi32, #tpu.memory_space<vmem>>
      %dma_start3A_107 = arith.constant 0 : i32
      %dma_start3A_108 = arith.constant 0 : i32
      %dma_start3A_109 = tpu.memref_slice %arg2[%dma_start3A_107, %dma_start3A_108] : memref<10000x64xf32, #tpu.memory_space<hbm>> -> memref<10000x64xf32, #tpu.memory_space<hbm>>
      tpu.enqueue_indirect_dma source(%dma_start3A_109 : memref<10000x64xf32, #tpu.memory_space<hbm>>) target(%arg13 : memref<80x64xf32, #tpu.memory_space<vmem>>) offsets(%dma_start3A_106 : memref<80xi32, #tpu.memory_space<vmem>>) semaphore(%arg18 : memref<!tpu.dma_semaphore, #tpu.memory_space<semaphore_mem>>)
      %mul3A_110 = arith.constant 2 : i32
      %mul3A_111 = arith.muli %scan3A_64, %mul3A_110 : i32
      %add3A_112 = arith.constant 1 : i32
      %add3A_113 = arith.addi %mul3A_111, %add3A_112 : i32
      %mul3A_114 = arith.constant 80 : i32
      %mul3A_115 = arith.muli %add3A_113, %mul3A_114 : i32
      %add3A_116 = arith.addi %mul3A_2, %mul3A_115 : i32
      %dma_wait3A_117 = arith.constant 0 : i32
      %dma_wait3A_118 = tpu.memref_slice %arg3[%add3A_116, %dma_wait3A_117] : memref<320000x64xf32, #tpu.memory_space<hbm>> -> memref<80x64xf32, #tpu.memory_space<hbm>>
      %dma_wait3A_119 = arith.constant 0 : i32
      %dma_wait3A_120 = tpu.memref_slice %arg3[%add3A_116, %dma_wait3A_119] : memref<320000x64xf32, #tpu.memory_space<hbm>> -> memref<80x64xf32, #tpu.memory_space<hbm>>
      tpu.wait_dma2 semaphore(%arg16 : memref<!tpu.dma_semaphore, #tpu.memory_space<semaphore_mem>>) src(%dma_wait3A_120 : memref<80x64xf32, #tpu.memory_space<hbm>>) dst(%arg11 : memref<80x64xf32, #tpu.memory_space<vmem>>)
      %dma_wait3A_121 = arith.constant 0 : i32
      %dma_wait3A_122 = tpu.memref_slice %arg8[%add3A_113, %dma_wait3A_121] : memref<125x80xi32, #tpu.memory_space<vmem>> -> memref<1x80xi32, #tpu.memory_space<vmem>>
      %dma_wait3A_123 = tpu.memref_squeeze %dma_wait3A_122 : memref<1x80xi32, #tpu.memory_space<vmem>> -> memref<80xi32, #tpu.memory_space<vmem>>
      %dma_wait3A_124 = arith.constant 0 : i32
      %dma_wait3A_125 = arith.constant 0 : i32
      %dma_wait3A_126 = tpu.memref_slice %arg2[%dma_wait3A_124, %dma_wait3A_125] : memref<10000x64xf32, #tpu.memory_space<hbm>> -> memref<10000x64xf32, #tpu.memory_space<hbm>>
      tpu.wait_indirect_dma semaphore(%arg18 : memref<!tpu.dma_semaphore, #tpu.memory_space<semaphore_mem>>) src(%dma_wait3A_126 : memref<10000x64xf32, #tpu.memory_space<hbm>>) dst(%arg13 : memref<80x64xf32, #tpu.memory_space<vmem>>)
      %parallel_loop3A_127 = arith.constant 0 : i32
      %parallel_loop3A_128 = arith.constant 80 : i32
      %parallel_loop3A_129 = arith.constant 1 : i32
      scf.for %parallel_loop3A_158 = %parallel_loop3A_127 to %parallel_loop3A_128 step %parallel_loop3A_129  : i32 {
        %parallel_loop3A_159 = arith.index_cast %parallel_loop3A_158 : i32 to index
        %parallel_loop3A_160 = arith.constant 0 : index
        %parallel_loop3A_161 = tpu.vector_load %arg13[%parallel_loop3A_159, %parallel_loop3A_160] {strides = array<i32>} : memref<80x64xf32, #tpu.memory_space<vmem>>, vector<1x16xf32>,
        %parallel_loop3A_162 = vector.shape_cast %parallel_loop3A_161 : vector<1x16xf32> to vector<16xf32>
        %parallel_loop3A_163 = arith.index_cast %parallel_loop3A_158 : i32 to index
        %parallel_loop3A_164 = arith.constant 0 : index
        %parallel_loop3A_165 = tpu.vector_load %arg11[%parallel_loop3A_163, %parallel_loop3A_164] {strides = array<i32>} : memref<80x64xf32, #tpu.memory_space<vmem>>, vector<1x16xf32>,
        %parallel_loop3A_166 = vector.shape_cast %parallel_loop3A_165 : vector<1x16xf32> to vector<16xf32>
        %parallel_loop3A_167 = arith.addf %parallel_loop3A_162, %parallel_loop3A_166 : vector<16xf32>
        %parallel_loop3A_168 = math.exp %parallel_loop3A_167 : vector<16xf32>
        %parallel_loop3A_169 = arith.constant 1.000000e+00 : f32
        %parallel_loop3A_170 = vector.broadcast %parallel_loop3A_169 : f32 to vector<16xf32>
        %parallel_loop3A_171 = arith.addf %parallel_loop3A_168, %parallel_loop3A_170 : vector<16xf32>
        %parallel_loop3A_172 = arith.constant 2.000000e+00 : f32
        %parallel_loop3A_173 = vector.broadcast %parallel_loop3A_172 : f32 to vector<16xf32>
        %parallel_loop3A_174 = arith.divf %parallel_loop3A_173, %parallel_loop3A_171 : vector<16xf32>
        %parallel_loop3A_175 = arith.constant 1.000000e+00 : f32
        %parallel_loop3A_176 = vector.broadcast %parallel_loop3A_175 : f32 to vector<16xf32>
        %parallel_loop3A_177 = arith.subf %parallel_loop3A_176, %parallel_loop3A_174 : vector<16xf32>
        %parallel_loop3A_178 = arith.index_cast %parallel_loop3A_158 : i32 to index
        %parallel_loop3A_179 = arith.constant 0 : index
        %parallel_loop3A_180 = tpu.vector_load %arg13[%parallel_loop3A_178, %parallel_loop3A_179] {strides = array<i32>} : memref<80x64xf32, #tpu.memory_space<vmem>>, vector<1x16xf32>,
        %parallel_loop3A_181 = vector.shape_cast %parallel_loop3A_180 : vector<1x16xf32> to vector<16xf32>
        %parallel_loop3A_182 = vector.shape_cast %parallel_loop3A_177 : vector<16xf32> to vector<1x16xf32>
        tpu.vector_store %arg13[%parallel_loop3A_178, %parallel_loop3A_179], %parallel_loop3A_182 {strides = array<i32>} : memref<80x64xf32, #tpu.memory_space<vmem>>, vector<1x16xf32>,
        %parallel_loop3A_183 = arith.index_cast %parallel_loop3A_158 : i32 to index
        %parallel_loop3A_184 = arith.constant 16 : index
        %parallel_loop3A_185 = tpu.vector_load %arg13[%parallel_loop3A_183, %parallel_loop3A_184] {strides = array<i32>} : memref<80x64xf32, #tpu.memory_space<vmem>>, vector<1x16xf32>,
        %parallel_loop3A_186 = vector.shape_cast %parallel_loop3A_185 : vector<1x16xf32> to vector<16xf32>
        %parallel_loop3A_187 = arith.index_cast %parallel_loop3A_158 : i32 to index
        %parallel_loop3A_188 = arith.constant 16 : index
        %parallel_loop3A_189 = tpu.vector_load %arg11[%parallel_loop3A_187, %parallel_loop3A_188] {strides = array<i32>} : memref<80x64xf32, #tpu.memory_space<vmem>>, vector<1x16xf32>,
        %parallel_loop3A_190 = vector.shape_cast %parallel_loop3A_189 : vector<1x16xf32> to vector<16xf32>
        %parallel_loop3A_191 = arith.addf %parallel_loop3A_186, %parallel_loop3A_190 : vector<16xf32>
        %parallel_loop3A_192 = math.exp %parallel_loop3A_191 : vector<16xf32>
        %parallel_loop3A_193 = arith.constant 1.000000e+00 : f32
        %parallel_loop3A_194 = vector.broadcast %parallel_loop3A_193 : f32 to vector<16xf32>
        %parallel_loop3A_195 = arith.addf %parallel_loop3A_192, %parallel_loop3A_194 : vector<16xf32>
        %parallel_loop3A_196 = arith.constant 2.000000e+00 : f32
        %parallel_loop3A_197 = vector.broadcast %parallel_loop3A_196 : f32 to vector<16xf32>
        %parallel_loop3A_198 = arith.divf %parallel_loop3A_197, %parallel_loop3A_195 : vector<16xf32>
        %parallel_loop3A_199 = arith.constant 1.000000e+00 : f32
        %parallel_loop3A_200 = vector.broadcast %parallel_loop3A_199 : f32 to vector<16xf32>
        %parallel_loop3A_201 = arith.subf %parallel_loop3A_200, %parallel_loop3A_198 : vector<16xf32>
        %parallel_loop3A_202 = arith.index_cast %parallel_loop3A_158 : i32 to index
        %parallel_loop3A_203 = arith.constant 16 : index
        %parallel_loop3A_204 = tpu.vector_load %arg13[%parallel_loop3A_202, %parallel_loop3A_203] {strides = array<i32>} : memref<80x64xf32, #tpu.memory_space<vmem>>, vector<1x16xf32>,
        %parallel_loop3A_205 = vector.shape_cast %parallel_loop3A_204 : vector<1x16xf32> to vector<16xf32>
        %parallel_loop3A_206 = vector.shape_cast %parallel_loop3A_201 : vector<16xf32> to vector<1x16xf32>
        tpu.vector_store %arg13[%parallel_loop3A_202, %parallel_loop3A_203], %parallel_loop3A_206 {strides = array<i32>} : memref<80x64xf32, #tpu.memory_space<vmem>>, vector<1x16xf32>,
        %parallel_loop3A_207 = arith.index_cast %parallel_loop3A_158 : i32 to index
        %parallel_loop3A_208 = arith.constant 32 : index
        %parallel_loop3A_209 = tpu.vector_load %arg13[%parallel_loop3A_207, %parallel_loop3A_208] {strides = array<i32>} : memref<80x64xf32, #tpu.memory_space<vmem>>, vector<1x16xf32>,
        %parallel_loop3A_210 = vector.shape_cast %parallel_loop3A_209 : vector<1x16xf32> to vector<16xf32>
        %parallel_loop3A_211 = arith.index_cast %parallel_loop3A_158 : i32 to index
        %parallel_loop3A_212 = arith.constant 32 : index
        %parallel_loop3A_213 = tpu.vector_load %arg11[%parallel_loop3A_211, %parallel_loop3A_212] {strides = array<i32>} : memref<80x64xf32, #tpu.memory_space<vmem>>, vector<1x16xf32>,
        %parallel_loop3A_214 = vector.shape_cast %parallel_loop3A_213 : vector<1x16xf32> to vector<16xf32>
        %parallel_loop3A_215 = arith.addf %parallel_loop3A_210, %parallel_loop3A_214 : vector<16xf32>
        %parallel_loop3A_216 = math.exp %parallel_loop3A_215 : vector<16xf32>
        %parallel_loop3A_217 = arith.constant 1.000000e+00 : f32
        %parallel_loop3A_218 = vector.broadcast %parallel_loop3A_217 : f32 to vector<16xf32>
        %parallel_loop3A_219 = arith.addf %parallel_loop3A_216, %parallel_loop3A_218 : vector<16xf32>
        %parallel_loop3A_220 = arith.constant 2.000000e+00 : f32
        %parallel_loop3A_221 = vector.broadcast %parallel_loop3A_220 : f32 to vector<16xf32>
        %parallel_loop3A_222 = arith.divf %parallel_loop3A_221, %parallel_loop3A_219 : vector<16xf32>
        %parallel_loop3A_223 = arith.constant 1.000000e+00 : f32
        %parallel_loop3A_224 = vector.broadcast %parallel_loop3A_223 : f32 to vector<16xf32>
        %parallel_loop3A_225 = arith.subf %parallel_loop3A_224, %parallel_loop3A_222 : vector<16xf32>
        %parallel_loop3A_226 = arith.index_cast %parallel_loop3A_158 : i32 to index
        %parallel_loop3A_227 = arith.constant 32 : index
        %parallel_loop3A_228 = tpu.vector_load %arg13[%parallel_loop3A_226, %parallel_loop3A_227] {strides = array<i32>} : memref<80x64xf32, #tpu.memory_space<vmem>>, vector<1x16xf32>,
        %parallel_loop3A_229 = vector.shape_cast %parallel_loop3A_228 : vector<1x16xf32> to vector<16xf32>
        %parallel_loop3A_230 = vector.shape_cast %parallel_loop3A_225 : vector<16xf32> to vector<1x16xf32>
        tpu.vector_store %arg13[%parallel_loop3A_226, %parallel_loop3A_227], %parallel_loop3A_230 {strides = array<i32>} : memref<80x64xf32, #tpu.memory_space<vmem>>, vector<1x16xf32>,
        %parallel_loop3A_231 = arith.index_cast %parallel_loop3A_158 : i32 to index
        %parallel_loop3A_232 = arith.constant 48 : index
        %parallel_loop3A_233 = tpu.vector_load %arg13[%parallel_loop3A_231, %parallel_loop3A_232] {strides = array<i32>} : memref<80x64xf32, #tpu.memory_space<vmem>>, vector<1x16xf32>,
        %parallel_loop3A_234 = vector.shape_cast %parallel_loop3A_233 : vector<1x16xf32> to vector<16xf32>
        %parallel_loop3A_235 = arith.index_cast %parallel_loop3A_158 : i32 to index
        %parallel_loop3A_236 = arith.constant 48 : index
        %parallel_loop3A_237 = tpu.vector_load %arg11[%parallel_loop3A_235, %parallel_loop3A_236] {strides = array<i32>} : memref<80x64xf32, #tpu.memory_space<vmem>>, vector<1x16xf32>,
        %parallel_loop3A_238 = vector.shape_cast %parallel_loop3A_237 : vector<1x16xf32> to vector<16xf32>
        %parallel_loop3A_239 = arith.addf %parallel_loop3A_234, %parallel_loop3A_238 : vector<16xf32>
        %parallel_loop3A_240 = math.exp %parallel_loop3A_239 : vector<16xf32>
        %parallel_loop3A_241 = arith.constant 1.000000e+00 : f32
        %parallel_loop3A_242 = vector.broadcast %parallel_loop3A_241 : f32 to vector<16xf32>
        %parallel_loop3A_243 = arith.addf %parallel_loop3A_240, %parallel_loop3A_242 : vector<16xf32>
        %parallel_loop3A_244 = arith.constant 2.000000e+00 : f32
        %parallel_loop3A_245 = vector.broadcast %parallel_loop3A_244 : f32 to vector<16xf32>
        %parallel_loop3A_246 = arith.divf %parallel_loop3A_245, %parallel_loop3A_243 : vector<16xf32>
        %parallel_loop3A_247 = arith.constant 1.000000e+00 : f32
        %parallel_loop3A_248 = vector.broadcast %parallel_loop3A_247 : f32 to vector<16xf32>
        %parallel_loop3A_249 = arith.subf %parallel_loop3A_248, %parallel_loop3A_246 : vector<16xf32>
        %parallel_loop3A_250 = arith.index_cast %parallel_loop3A_158 : i32 to index
        %parallel_loop3A_251 = arith.constant 48 : index
        %parallel_loop3A_252 = tpu.vector_load %arg13[%parallel_loop3A_250, %parallel_loop3A_251] {strides = array<i32>} : memref<80x64xf32, #tpu.memory_space<vmem>>, vector<1x16xf32>,
        %parallel_loop3A_253 = vector.shape_cast %parallel_loop3A_252 : vector<1x16xf32> to vector<16xf32>
        %parallel_loop3A_254 = vector.shape_cast %parallel_loop3A_249 : vector<16xf32> to vector<1x16xf32>
        tpu.vector_store %arg13[%parallel_loop3A_250, %parallel_loop3A_251], %parallel_loop3A_254 {strides = array<i32>} : memref<80x64xf32, #tpu.memory_space<vmem>>, vector<1x16xf32>,
      } {sc.loop_unroll_factor = 1 : i64, sc.parallel_access}
      %dma_start3A_130 = arith.constant 0 : i32
      %dma_start3A_131 = tpu.memref_slice %arg9[%add3A_113, %dma_start3A_130] : memref<125x80xi32, #tpu.memory_space<vmem>> -> memref<1x80xi32, #tpu.memory_space<vmem>>
      %dma_start3A_132 = tpu.memref_squeeze %dma_start3A_131 : memref<1x80xi32, #tpu.memory_space<vmem>> -> memref<80xi32, #tpu.memory_space<vmem>>
      %dma_start3A_133 = arith.constant 0 : i32
      %dma_start3A_134 = arith.constant 0 : i32
      %dma_start3A_135 = tpu.memref_slice %arg14[%dma_start3A_133, %dma_start3A_134] : memref<10240x64xf32, #tpu.memory_space<vmem_shared>> -> memref<10240x64xf32, #tpu.memory_space<vmem_shared>>
      tpu.enqueue_indirect_dma source(%arg13 : memref<80x64xf32, #tpu.memory_space<vmem>>) target(%dma_start3A_135 : memref<10240x64xf32, #tpu.memory_space<vmem_shared>>) offsets(%dma_start3A_132 : memref<80xi32, #tpu.memory_space<vmem>>) semaphore(%arg20 : memref<!tpu.dma_semaphore, #tpu.memory_space<semaphore_mem>>) {add = true}
      %ge3A_136 = arith.constant 1 : i32
      %ge3A_137 = arith.cmpi sge, %add3A_113, %ge3A_136 : i32
      %convert_element_type3A_138 = arith.extui %ge3A_137 : i1 to i32
      %cond3A_139 = arith.constant 0 : i32
      %cond3A_140 = arith.cmpi ne, %convert_element_type3A_138, %cond3A_139 : i32
      scf.if %cond3A_140 {
        %sub3A = arith.constant 1 : i32
        %sub3A_158 = arith.subi %add3A_113, %sub3A : i32
        %dma_wait3A_159 = arith.constant 0 : i32
        %dma_wait3A_160 = tpu.memref_slice %arg9[%sub3A_158, %dma_wait3A_159] : memref<125x80xi32, #tpu.memory_space<vmem>> -> memref<1x80xi32, #tpu.memory_space<vmem>>
        %dma_wait3A_161 = tpu.memref_squeeze %dma_wait3A_160 : memref<1x80xi32, #tpu.memory_space<vmem>> -> memref<80xi32, #tpu.memory_space<vmem>>
        %dma_wait3A_162 = arith.constant 0 : i32
        %dma_wait3A_163 = arith.constant 0 : i32
        %dma_wait3A_164 = tpu.memref_slice %arg14[%dma_wait3A_162, %dma_wait3A_163] : memref<10240x64xf32, #tpu.memory_space<vmem_shared>> -> memref<10240x64xf32, #tpu.memory_space<vmem_shared>>
        tpu.wait_indirect_dma semaphore(%arg19 : memref<!tpu.dma_semaphore, #tpu.memory_space<semaphore_mem>>) src(%arg12 : memref<80x64xf32, #tpu.memory_space<vmem>>) dst(%dma_wait3A_164 : memref<10240x64xf32, #tpu.memory_space<vmem_shared>>)
      } else {
      }
      %add3A_141 = arith.constant 1 : i32
      %add3A_142 = arith.addi %add3A_113, %add3A_141 : i32
      %mul3A_143 = arith.constant 80 : i32
      %mul3A_144 = arith.muli %add3A_142, %mul3A_143 : i32
      %add3A_145 = arith.addi %mul3A_2, %mul3A_144 : i32
      %dma_start3A_146 = arith.constant 0 : i32
      %dma_start3A_147 = tpu.memref_slice %arg3[%add3A_145, %dma_start3A_146] : memref<320000x64xf32, #tpu.memory_space<hbm>> -> memref<80x64xf32, #tpu.memory_space<hbm>>
      %dma_start3A_148 = arith.constant 0 : i32
      %dma_start3A_149 = tpu.memref_slice %arg3[%add3A_145, %dma_start3A_148] : memref<320000x64xf32, #tpu.memory_space<hbm>> -> memref<80x64xf32, #tpu.memory_space<hbm>>
      tpu.enqueue_dma source(%dma_start3A_149 : memref<80x64xf32, #tpu.memory_space<hbm>>) target(%arg10 : memref<80x64xf32, #tpu.memory_space<vmem>>) target_semaphore(%arg15 : memref<!tpu.dma_semaphore, #tpu.memory_space<semaphore_mem>>)
      %add3A_150 = arith.constant 1 : i32
      %add3A_151 = arith.addi %add3A_113, %add3A_150 : i32
      %dma_start3A_152 = arith.constant 0 : i32
      %dma_start3A_153 = tpu.memref_slice %arg8[%add3A_151, %dma_start3A_152] : memref<125x80xi32, #tpu.memory_space<vmem>> -> memref<1x80xi32, #tpu.memory_space<vmem>>
      %dma_start3A_154 = tpu.memref_squeeze %dma_start3A_153 : memref<1x80xi32, #tpu.memory_space<vmem>> -> memref<80xi32, #tpu.memory_space<vmem>>
      %dma_start3A_155 = arith.constant 0 : i32
      %dma_start3A_156 = arith.constant 0 : i32
      %dma_start3A_157 = tpu.memref_slice %arg2[%dma_start3A_155, %dma_start3A_156] : memref<10000x64xf32, #tpu.memory_space<hbm>> -> memref<10000x64xf32, #tpu.memory_space<hbm>>
      tpu.enqueue_indirect_dma source(%dma_start3A_157 : memref<10000x64xf32, #tpu.memory_space<hbm>>) target(%arg12 : memref<80x64xf32, #tpu.memory_space<vmem>>) offsets(%dma_start3A_154 : memref<80xi32, #tpu.memory_space<vmem>>) semaphore(%arg17 : memref<!tpu.dma_semaphore, #tpu.memory_space<semaphore_mem>>)
    }
    %scan3A_23 = arith.constant 62 : i32
    %add3A_24 = arith.constant 9920 : i32
    %add3A_25 = arith.addi %mul3A_2, %add3A_24 : i32
    %dma_wait3A = arith.constant 0 : i32
    %dma_wait3A_26 = tpu.memref_slice %arg3[%add3A_25, %dma_wait3A] : memref<320000x64xf32, #tpu.memory_space<hbm>> -> memref<80x64xf32, #tpu.memory_space<hbm>>
    %dma_wait3A_27 = arith.constant 0 : i32
    %dma_wait3A_28 = tpu.memref_slice %arg3[%add3A_25, %dma_wait3A_27] : memref<320000x64xf32, #tpu.memory_space<hbm>> -> memref<80x64xf32, #tpu.memory_space<hbm>>
    tpu.wait_dma2 semaphore(%arg15 : memref<!tpu.dma_semaphore, #tpu.memory_space<semaphore_mem>>) src(%dma_wait3A_28 : memref<80x64xf32, #tpu.memory_space<hbm>>) dst(%arg10 : memref<80x64xf32, #tpu.memory_space<vmem>>)
    %dma_wait3A_29 = arith.constant 124 : i32
    %dma_wait3A_30 = arith.constant 0 : i32
    %dma_wait3A_31 = tpu.memref_slice %arg8[%dma_wait3A_29, %dma_wait3A_30] : memref<125x80xi32, #tpu.memory_space<vmem>> -> memref<1x80xi32, #tpu.memory_space<vmem>>
    %dma_wait3A_32 = tpu.memref_squeeze %dma_wait3A_31 : memref<1x80xi32, #tpu.memory_space<vmem>> -> memref<80xi32, #tpu.memory_space<vmem>>
    %dma_wait3A_33 = arith.constant 0 : i32
    %dma_wait3A_34 = arith.constant 0 : i32
    %dma_wait3A_35 = tpu.memref_slice %arg2[%dma_wait3A_33, %dma_wait3A_34] : memref<10000x64xf32, #tpu.memory_space<hbm>> -> memref<10000x64xf32, #tpu.memory_space<hbm>>
    tpu.wait_indirect_dma semaphore(%arg17 : memref<!tpu.dma_semaphore, #tpu.memory_space<semaphore_mem>>) src(%dma_wait3A_35 : memref<10000x64xf32, #tpu.memory_space<hbm>>) dst(%arg12 : memref<80x64xf32, #tpu.memory_space<vmem>>)
    %parallel_loop3A = arith.constant 0 : i32
    %parallel_loop3A_36 = arith.constant 80 : i32
    %parallel_loop3A_37 = arith.constant 1 : i32
    scf.for %parallel_loop3A_64 = %parallel_loop3A to %parallel_loop3A_36 step %parallel_loop3A_37  : i32 {
      %parallel_loop3A_65 = arith.index_cast %parallel_loop3A_64 : i32 to index
      %parallel_loop3A_66 = arith.constant 0 : index
      %parallel_loop3A_67 = tpu.vector_load %arg12[%parallel_loop3A_65, %parallel_loop3A_66] {strides = array<i32>} : memref<80x64xf32, #tpu.memory_space<vmem>>, vector<1x16xf32>,
      %parallel_loop3A_68 = vector.shape_cast %parallel_loop3A_67 : vector<1x16xf32> to vector<16xf32>
      %parallel_loop3A_69 = arith.index_cast %parallel_loop3A_64 : i32 to index
      %parallel_loop3A_70 = arith.constant 0 : index
      %parallel_loop3A_71 = tpu.vector_load %arg10[%parallel_loop3A_69, %parallel_loop3A_70] {strides = array<i32>} : memref<80x64xf32, #tpu.memory_space<vmem>>, vector<1x16xf32>,
      %parallel_loop3A_72 = vector.shape_cast %parallel_loop3A_71 : vector<1x16xf32> to vector<16xf32>
      %parallel_loop3A_73 = arith.addf %parallel_loop3A_68, %parallel_loop3A_72 : vector<16xf32>
      %parallel_loop3A_74 = math.exp %parallel_loop3A_73 : vector<16xf32>
      %parallel_loop3A_75 = arith.constant 1.000000e+00 : f32
      %parallel_loop3A_76 = vector.broadcast %parallel_loop3A_75 : f32 to vector<16xf32>
      %parallel_loop3A_77 = arith.addf %parallel_loop3A_74, %parallel_loop3A_76 : vector<16xf32>
      %parallel_loop3A_78 = arith.constant 2.000000e+00 : f32
      %parallel_loop3A_79 = vector.broadcast %parallel_loop3A_78 : f32 to vector<16xf32>
      %parallel_loop3A_80 = arith.divf %parallel_loop3A_79, %parallel_loop3A_77 : vector<16xf32>
      %parallel_loop3A_81 = arith.constant 1.000000e+00 : f32
      %parallel_loop3A_82 = vector.broadcast %parallel_loop3A_81 : f32 to vector<16xf32>
      %parallel_loop3A_83 = arith.subf %parallel_loop3A_82, %parallel_loop3A_80 : vector<16xf32>
      %parallel_loop3A_84 = arith.index_cast %parallel_loop3A_64 : i32 to index
      %parallel_loop3A_85 = arith.constant 0 : index
      %parallel_loop3A_86 = tpu.vector_load %arg12[%parallel_loop3A_84, %parallel_loop3A_85] {strides = array<i32>} : memref<80x64xf32, #tpu.memory_space<vmem>>, vector<1x16xf32>,
      %parallel_loop3A_87 = vector.shape_cast %parallel_loop3A_86 : vector<1x16xf32> to vector<16xf32>
      %parallel_loop3A_88 = vector.shape_cast %parallel_loop3A_83 : vector<16xf32> to vector<1x16xf32>
      tpu.vector_store %arg12[%parallel_loop3A_84, %parallel_loop3A_85], %parallel_loop3A_88 {strides = array<i32>} : memref<80x64xf32, #tpu.memory_space<vmem>>, vector<1x16xf32>,
      %parallel_loop3A_89 = arith.index_cast %parallel_loop3A_64 : i32 to index
      %parallel_loop3A_90 = arith.constant 16 : index
      %parallel_loop3A_91 = tpu.vector_load %arg12[%parallel_loop3A_89, %parallel_loop3A_90] {strides = array<i32>} : memref<80x64xf32, #tpu.memory_space<vmem>>, vector<1x16xf32>,
      %parallel_loop3A_92 = vector.shape_cast %parallel_loop3A_91 : vector<1x16xf32> to vector<16xf32>
      %parallel_loop3A_93 = arith.index_cast %parallel_loop3A_64 : i32 to index
      %parallel_loop3A_94 = arith.constant 16 : index
      %parallel_loop3A_95 = tpu.vector_load %arg10[%parallel_loop3A_93, %parallel_loop3A_94] {strides = array<i32>} : memref<80x64xf32, #tpu.memory_space<vmem>>, vector<1x16xf32>,
      %parallel_loop3A_96 = vector.shape_cast %parallel_loop3A_95 : vector<1x16xf32> to vector<16xf32>
      %parallel_loop3A_97 = arith.addf %parallel_loop3A_92, %parallel_loop3A_96 : vector<16xf32>
      %parallel_loop3A_98 = math.exp %parallel_loop3A_97 : vector<16xf32>
      %parallel_loop3A_99 = arith.constant 1.000000e+00 : f32
      %parallel_loop3A_100 = vector.broadcast %parallel_loop3A_99 : f32 to vector<16xf32>
      %parallel_loop3A_101 = arith.addf %parallel_loop3A_98, %parallel_loop3A_100 : vector<16xf32>
      %parallel_loop3A_102 = arith.constant 2.000000e+00 : f32
      %parallel_loop3A_103 = vector.broadcast %parallel_loop3A_102 : f32 to vector<16xf32>
      %parallel_loop3A_104 = arith.divf %parallel_loop3A_103, %parallel_loop3A_101 : vector<16xf32>
      %parallel_loop3A_105 = arith.constant 1.000000e+00 : f32
      %parallel_loop3A_106 = vector.broadcast %parallel_loop3A_105 : f32 to vector<16xf32>
      %parallel_loop3A_107 = arith.subf %parallel_loop3A_106, %parallel_loop3A_104 : vector<16xf32>
      %parallel_loop3A_108 = arith.index_cast %parallel_loop3A_64 : i32 to index
      %parallel_loop3A_109 = arith.constant 16 : index
      %parallel_loop3A_110 = tpu.vector_load %arg12[%parallel_loop3A_108, %parallel_loop3A_109] {strides = array<i32>} : memref<80x64xf32, #tpu.memory_space<vmem>>, vector<1x16xf32>,
      %parallel_loop3A_111 = vector.shape_cast %parallel_loop3A_110 : vector<1x16xf32> to vector<16xf32>
      %parallel_loop3A_112 = vector.shape_cast %parallel_loop3A_107 : vector<16xf32> to vector<1x16xf32>
      tpu.vector_store %arg12[%parallel_loop3A_108, %parallel_loop3A_109], %parallel_loop3A_112 {strides = array<i32>} : memref<80x64xf32, #tpu.memory_space<vmem>>, vector<1x16xf32>,
      %parallel_loop3A_113 = arith.index_cast %parallel_loop3A_64 : i32 to index
      %parallel_loop3A_114 = arith.constant 32 : index
      %parallel_loop3A_115 = tpu.vector_load %arg12[%parallel_loop3A_113, %parallel_loop3A_114] {strides = array<i32>} : memref<80x64xf32, #tpu.memory_space<vmem>>, vector<1x16xf32>,
      %parallel_loop3A_116 = vector.shape_cast %parallel_loop3A_115 : vector<1x16xf32> to vector<16xf32>
      %parallel_loop3A_117 = arith.index_cast %parallel_loop3A_64 : i32 to index
      %parallel_loop3A_118 = arith.constant 32 : index
      %parallel_loop3A_119 = tpu.vector_load %arg10[%parallel_loop3A_117, %parallel_loop3A_118] {strides = array<i32>} : memref<80x64xf32, #tpu.memory_space<vmem>>, vector<1x16xf32>,
      %parallel_loop3A_120 = vector.shape_cast %parallel_loop3A_119 : vector<1x16xf32> to vector<16xf32>
      %parallel_loop3A_121 = arith.addf %parallel_loop3A_116, %parallel_loop3A_120 : vector<16xf32>
      %parallel_loop3A_122 = math.exp %parallel_loop3A_121 : vector<16xf32>
      %parallel_loop3A_123 = arith.constant 1.000000e+00 : f32
      %parallel_loop3A_124 = vector.broadcast %parallel_loop3A_123 : f32 to vector<16xf32>
      %parallel_loop3A_125 = arith.addf %parallel_loop3A_122, %parallel_loop3A_124 : vector<16xf32>
      %parallel_loop3A_126 = arith.constant 2.000000e+00 : f32
      %parallel_loop3A_127 = vector.broadcast %parallel_loop3A_126 : f32 to vector<16xf32>
      %parallel_loop3A_128 = arith.divf %parallel_loop3A_127, %parallel_loop3A_125 : vector<16xf32>
      %parallel_loop3A_129 = arith.constant 1.000000e+00 : f32
      %parallel_loop3A_130 = vector.broadcast %parallel_loop3A_129 : f32 to vector<16xf32>
      %parallel_loop3A_131 = arith.subf %parallel_loop3A_130, %parallel_loop3A_128 : vector<16xf32>
      %parallel_loop3A_132 = arith.index_cast %parallel_loop3A_64 : i32 to index
      %parallel_loop3A_133 = arith.constant 32 : index
      %parallel_loop3A_134 = tpu.vector_load %arg12[%parallel_loop3A_132, %parallel_loop3A_133] {strides = array<i32>} : memref<80x64xf32, #tpu.memory_space<vmem>>, vector<1x16xf32>,
      %parallel_loop3A_135 = vector.shape_cast %parallel_loop3A_134 : vector<1x16xf32> to vector<16xf32>
      %parallel_loop3A_136 = vector.shape_cast %parallel_loop3A_131 : vector<16xf32> to vector<1x16xf32>
      tpu.vector_store %arg12[%parallel_loop3A_132, %parallel_loop3A_133], %parallel_loop3A_136 {strides = array<i32>} : memref<80x64xf32, #tpu.memory_space<vmem>>, vector<1x16xf32>,
      %parallel_loop3A_137 = arith.index_cast %parallel_loop3A_64 : i32 to index
      %parallel_loop3A_138 = arith.constant 48 : index
      %parallel_loop3A_139 = tpu.vector_load %arg12[%parallel_loop3A_137, %parallel_loop3A_138] {strides = array<i32>} : memref<80x64xf32, #tpu.memory_space<vmem>>, vector<1x16xf32>,
      %parallel_loop3A_140 = vector.shape_cast %parallel_loop3A_139 : vector<1x16xf32> to vector<16xf32>
      %parallel_loop3A_141 = arith.index_cast %parallel_loop3A_64 : i32 to index
      %parallel_loop3A_142 = arith.constant 48 : index
      %parallel_loop3A_143 = tpu.vector_load %arg10[%parallel_loop3A_141, %parallel_loop3A_142] {strides = array<i32>} : memref<80x64xf32, #tpu.memory_space<vmem>>, vector<1x16xf32>,
      %parallel_loop3A_144 = vector.shape_cast %parallel_loop3A_143 : vector<1x16xf32> to vector<16xf32>
      %parallel_loop3A_145 = arith.addf %parallel_loop3A_140, %parallel_loop3A_144 : vector<16xf32>
      %parallel_loop3A_146 = math.exp %parallel_loop3A_145 : vector<16xf32>
      %parallel_loop3A_147 = arith.constant 1.000000e+00 : f32
      %parallel_loop3A_148 = vector.broadcast %parallel_loop3A_147 : f32 to vector<16xf32>
      %parallel_loop3A_149 = arith.addf %parallel_loop3A_146, %parallel_loop3A_148 : vector<16xf32>
      %parallel_loop3A_150 = arith.constant 2.000000e+00 : f32
      %parallel_loop3A_151 = vector.broadcast %parallel_loop3A_150 : f32 to vector<16xf32>
      %parallel_loop3A_152 = arith.divf %parallel_loop3A_151, %parallel_loop3A_149 : vector<16xf32>
      %parallel_loop3A_153 = arith.constant 1.000000e+00 : f32
      %parallel_loop3A_154 = vector.broadcast %parallel_loop3A_153 : f32 to vector<16xf32>
      %parallel_loop3A_155 = arith.subf %parallel_loop3A_154, %parallel_loop3A_152 : vector<16xf32>
      %parallel_loop3A_156 = arith.index_cast %parallel_loop3A_64 : i32 to index
      %parallel_loop3A_157 = arith.constant 48 : index
      %parallel_loop3A_158 = tpu.vector_load %arg12[%parallel_loop3A_156, %parallel_loop3A_157] {strides = array<i32>} : memref<80x64xf32, #tpu.memory_space<vmem>>, vector<1x16xf32>,
      %parallel_loop3A_159 = vector.shape_cast %parallel_loop3A_158 : vector<1x16xf32> to vector<16xf32>
      %parallel_loop3A_160 = vector.shape_cast %parallel_loop3A_155 : vector<16xf32> to vector<1x16xf32>
      tpu.vector_store %arg12[%parallel_loop3A_156, %parallel_loop3A_157], %parallel_loop3A_160 {strides = array<i32>} : memref<80x64xf32, #tpu.memory_space<vmem>>, vector<1x16xf32>,
    } {sc.loop_unroll_factor = 1 : i64, sc.parallel_access}
    %dma_start3A_38 = arith.constant 124 : i32
    %dma_start3A_39 = arith.constant 0 : i32
    %dma_start3A_40 = tpu.memref_slice %arg9[%dma_start3A_38, %dma_start3A_39] : memref<125x80xi32, #tpu.memory_space<vmem>> -> memref<1x80xi32, #tpu.memory_space<vmem>>
    %dma_start3A_41 = tpu.memref_squeeze %dma_start3A_40 : memref<1x80xi32, #tpu.memory_space<vmem>> -> memref<80xi32, #tpu.memory_space<vmem>>
    %dma_start3A_42 = arith.constant 0 : i32
    %dma_start3A_43 = arith.constant 0 : i32
    %dma_start3A_44 = tpu.memref_slice %arg14[%dma_start3A_42, %dma_start3A_43] : memref<10240x64xf32, #tpu.memory_space<vmem_shared>> -> memref<10240x64xf32, #tpu.memory_space<vmem_shared>>
    tpu.enqueue_indirect_dma source(%arg12 : memref<80x64xf32, #tpu.memory_space<vmem>>) target(%dma_start3A_44 : memref<10240x64xf32, #tpu.memory_space<vmem_shared>>) offsets(%dma_start3A_41 : memref<80xi32, #tpu.memory_space<vmem>>) semaphore(%arg19 : memref<!tpu.dma_semaphore, #tpu.memory_space<semaphore_mem>>) {add = true}
    %dma_wait3A_45 = arith.constant 123 : i32
    %dma_wait3A_46 = arith.constant 0 : i32
    %dma_wait3A_47 = tpu.memref_slice %arg9[%dma_wait3A_45, %dma_wait3A_46] : memref<125x80xi32, #tpu.memory_space<vmem>> -> memref<1x80xi32, #tpu.memory_space<vmem>>
    %dma_wait3A_48 = tpu.memref_squeeze %dma_wait3A_47 : memref<1x80xi32, #tpu.memory_space<vmem>> -> memref<80xi32, #tpu.memory_space<vmem>>
    %dma_wait3A_49 = arith.constant 0 : i32
    %dma_wait3A_50 = arith.constant 0 : i32
    %dma_wait3A_51 = tpu.memref_slice %arg14[%dma_wait3A_49, %dma_wait3A_50] : memref<10240x64xf32, #tpu.memory_space<vmem_shared>> -> memref<10240x64xf32, #tpu.memory_space<vmem_shared>>
    tpu.wait_indirect_dma semaphore(%arg20 : memref<!tpu.dma_semaphore, #tpu.memory_space<semaphore_mem>>) src(%arg13 : memref<80x64xf32, #tpu.memory_space<vmem>>) dst(%dma_wait3A_51 : memref<10240x64xf32, #tpu.memory_space<vmem_shared>>)
    %dma_wait3A_52 = arith.constant 124 : i32
    %dma_wait3A_53 = arith.constant 0 : i32
    %dma_wait3A_54 = tpu.memref_slice %arg9[%dma_wait3A_52, %dma_wait3A_53] : memref<125x80xi32, #tpu.memory_space<vmem>> -> memref<1x80xi32, #tpu.memory_space<vmem>>
    %dma_wait3A_55 = tpu.memref_squeeze %dma_wait3A_54 : memref<1x80xi32, #tpu.memory_space<vmem>> -> memref<80xi32, #tpu.memory_space<vmem>>
    %dma_wait3A_56 = arith.constant 0 : i32
    %dma_wait3A_57 = arith.constant 0 : i32
    %dma_wait3A_58 = tpu.memref_slice %arg14[%dma_wait3A_56, %dma_wait3A_57] : memref<10240x64xf32, #tpu.memory_space<vmem_shared>> -> memref<10240x64xf32, #tpu.memory_space<vmem_shared>>
    tpu.wait_indirect_dma semaphore(%arg19 : memref<!tpu.dma_semaphore, #tpu.memory_space<semaphore_mem>>) src(%arg12 : memref<80x64xf32, #tpu.memory_space<vmem>>) dst(%dma_wait3A_58 : memref<10240x64xf32, #tpu.memory_space<vmem_shared>>)
    %barrier3A_59 = arith.constant 0 : index
    tpu.barrier barrier_id(%barrier3A_59)
    %mul3A_60 = arith.constant 640 : i32
    %mul3A_61 = arith.muli %arg1, %mul3A_60 : i32
    %mul3A_62 = arith.constant 640 : i32
    %mul3A_63 = arith.muli %arg1, %mul3A_62 : i32
    "tpu.region"() ({
      %run_scoped3A = tpu.sem_alloc : memref<!tpu.dma_semaphore, #tpu.memory_space<semaphore_mem>>
      %dma_start3A_64 = arith.constant 0 : i32
      %dma_start3A_65 = tpu.memref_slice %arg7[%arg0, %mul3A_63, %dma_start3A_64] : memref<2x10240x64xf32, #tpu.memory_space<hbm>> -> memref<1x640x64xf32, #tpu.memory_space<hbm>>
      %dma_start3A_66 = tpu.memref_squeeze %dma_start3A_65 : memref<1x640x64xf32, #tpu.memory_space<hbm>> -> memref<640x64xf32, #tpu.memory_space<hbm>>
      %dma_start3A_67 = arith.constant 0 : i32
      %dma_start3A_68 = tpu.memref_slice %arg14[%mul3A_61, %dma_start3A_67] : memref<10240x64xf32, #tpu.memory_space<vmem_shared>> -> memref<640x64xf32, #tpu.memory_space<vmem_shared>>
      tpu.enqueue_dma source(%dma_start3A_68 : memref<640x64xf32, #tpu.memory_space<vmem_shared>>) target(%dma_start3A_66 : memref<640x64xf32, #tpu.memory_space<hbm>>) target_semaphore(%run_scoped3A : memref<!tpu.dma_semaphore, #tpu.memory_space<semaphore_mem>>)
      %dma_wait3A_69 = arith.constant 0 : i32
      %dma_wait3A_70 = tpu.memref_slice %arg7[%arg0, %mul3A_63, %dma_wait3A_69] : memref<2x10240x64xf32, #tpu.memory_space<hbm>> -> memref<1x640x64xf32, #tpu.memory_space<hbm>>
      %dma_wait3A_71 = tpu.memref_squeeze %dma_wait3A_70 : memref<1x640x64xf32, #tpu.memory_space<hbm>> -> memref<640x64xf32, #tpu.memory_space<hbm>>
      %dma_wait3A_72 = arith.constant 0 : i32
      %dma_wait3A_73 = tpu.memref_slice %arg14[%mul3A_61, %dma_wait3A_72] : memref<10240x64xf32, #tpu.memory_space<vmem_shared>> -> memref<640x64xf32, #tpu.memory_space<vmem_shared>>
      tpu.wait_dma2 semaphore(%run_scoped3A : memref<!tpu.dma_semaphore, #tpu.memory_space<semaphore_mem>>) src(%dma_wait3A_73 : memref<640x64xf32, #tpu.memory_space<vmem_shared>>) dst(%dma_wait3A_71 : memref<640x64xf32, #tpu.memory_space<hbm>>)
      tpu.yield
    }) : () -> ()
    return
  }
}

#map = affine_map<(d0, d1) -> (0, 0)>
#map1 = affine_map<(d0, d1) -> (0, 0, 0)>
module attributes {stable_mosaic.version = 14 : i64} {
  func.func @_edge_body(%arg0: i32, %arg1: i32, %arg2: memref<10000x64xf32, #tpu.memory_space<hbm>>, %arg3: memref<320000x64xf32, #tpu.memory_space<hbm>>, %arg4: memref<32x125x80xi32, #tpu.memory_space<hbm>>, %arg5: memref<32x125x80xi32, #tpu.memory_space<hbm>>, %arg6: memref<10240x64xf32, #tpu.memory_space<hbm>>, %arg7: memref<2x10240x64xf32, #tpu.memory_space<hbm>>, %arg8: memref<125x80xi32, #tpu.memory_space<vmem>>, %arg9: memref<125x80xi32, #tpu.memory_space<vmem>>, %arg10: memref<80x64xf32, #tpu.memory_space<vmem>>, %arg11: memref<80x64xf32, #tpu.memory_space<vmem>>, %arg12: memref<80x64xf32, #tpu.memory_space<vmem>>, %arg13: memref<80x64xf32, #tpu.memory_space<vmem>>, %arg14: memref<10240x64xf32, #tpu.memory_space<vmem_shared>>, %arg15: memref<!tpu.dma_semaphore, #tpu.memory_space<semaphore_mem>>, %arg16: memref<!tpu.dma_semaphore, #tpu.memory_space<semaphore_mem>>, %arg17: memref<!tpu.dma_semaphore, #tpu.memory_space<semaphore_mem>>, %arg18: memref<!tpu.dma_semaphore, #tpu.memory_space<semaphore_mem>>, %arg19: memref<!tpu.dma_semaphore, #tpu.memory_space<semaphore_mem>>, %arg20: memref<!tpu.dma_semaphore, #tpu.memory_space<semaphore_mem>>) attributes {dimension_semantics = [#tpu.dimension_semantics<core_parallel>, #tpu.dimension_semantics<subcore_parallel>], iteration_bounds = array<i64: 2, 16>, scalar_prefetch = 0 : i64, scratch_operands = 13 : i64, tpu.core_type = #tpu.core_type<sc_vector_subcore>, window_params = [{transform_indices = #map}, {transform_indices = #map}, {transform_indices = #map1}, {transform_indices = #map1}, {transform_indices = #map}, {transform_indices = #map1}]} {
    %mul3A = arith.constant 2 : i32
    %mul3A_0 = arith.muli %arg1, %mul3A : i32
    %add3A = arith.addi %mul3A_0, %arg0 : i32
    %mul3A_1 = arith.constant 10000 : i32
    %mul3A_2 = arith.muli %add3A, %mul3A_1 : i32
    %mul3A_3 = arith.constant 640 : i32
    %mul3A_4 = arith.muli %arg1, %mul3A_3 : i32
    %mul3A_5 = arith.constant 640 : i32
    %mul3A_6 = arith.muli %arg1, %mul3A_5 : i32
    "tpu.region"() ({
      %run_scoped3A = tpu.sem_alloc : memref<!tpu.dma_semaphore, #tpu.memory_space<semaphore_mem>>
      %dma_start3A_64 = arith.constant 0 : i32
      %dma_start3A_65 = tpu.memref_slice %arg14[%mul3A_6, %dma_start3A_64] : memref<10240x64xf32, #tpu.memory_space<vmem_shared>> -> memref<640x64xf32, #tpu.memory_space<vmem_shared>>
      %dma_start3A_66 = arith.constant 0 : i32
      %dma_start3A_67 = tpu.memref_slice %arg6[%mul3A_4, %dma_start3A_66] : memref<10240x64xf32, #tpu.memory_space<hbm>> -> memref<640x64xf32, #tpu.memory_space<hbm>>
      tpu.enqueue_dma source(%dma_start3A_67 : memref<640x64xf32, #tpu.memory_space<hbm>>) target(%dma_start3A_65 : memref<640x64xf32, #tpu.memory_space<vmem_shared>>) target_semaphore(%run_scoped3A : memref<!tpu.dma_semaphore, #tpu.memory_space<semaphore_mem>>)
      %dma_wait3A_68 = arith.constant 0 : i32
      %dma_wait3A_69 = tpu.memref_slice %arg14[%mul3A_6, %dma_wait3A_68] : memref<10240x64xf32, #tpu.memory_space<vmem_shared>> -> memref<640x64xf32, #tpu.memory_space<vmem_shared>>
      %dma_wait3A_70 = arith.constant 0 : i32
      %dma_wait3A_71 = tpu.memref_slice %arg6[%mul3A_4, %dma_wait3A_70] : memref<10240x64xf32, #tpu.memory_space<hbm>> -> memref<640x64xf32, #tpu.memory_space<hbm>>
      tpu.wait_dma2 semaphore(%run_scoped3A : memref<!tpu.dma_semaphore, #tpu.memory_space<semaphore_mem>>) src(%dma_wait3A_71 : memref<640x64xf32, #tpu.memory_space<hbm>>) dst(%dma_wait3A_69 : memref<640x64xf32, #tpu.memory_space<vmem_shared>>)
      tpu.yield
    }) : () -> ()
    "tpu.region"() ({
      %run_scoped3A = tpu.sem_alloc : memref<!tpu.dma_semaphore, #tpu.memory_space<semaphore_mem>>
      %dma_start3A_64 = arith.constant 0 : i32
      %dma_start3A_65 = arith.constant 0 : i32
      %dma_start3A_66 = tpu.memref_slice %arg4[%add3A, %dma_start3A_64, %dma_start3A_65] : memref<32x125x80xi32, #tpu.memory_space<hbm>> -> memref<1x125x80xi32, #tpu.memory_space<hbm>>
      %dma_start3A_67 = tpu.memref_squeeze %dma_start3A_66 : memref<1x125x80xi32, #tpu.memory_space<hbm>> -> memref<125x80xi32, #tpu.memory_space<hbm>>
      %dma_start3A_68 = arith.constant 0 : i32
      %dma_start3A_69 = arith.constant 0 : i32
      %dma_start3A_70 = tpu.memref_slice %arg4[%add3A, %dma_start3A_68, %dma_start3A_69] : memref<32x125x80xi32, #tpu.memory_space<hbm>> -> memref<1x125x80xi32, #tpu.memory_space<hbm>>
      %dma_start3A_71 = tpu.memref_squeeze %dma_start3A_70 : memref<1x125x80xi32, #tpu.memory_space<hbm>> -> memref<125x80xi32, #tpu.memory_space<hbm>>
      tpu.enqueue_dma source(%dma_start3A_71 : memref<125x80xi32, #tpu.memory_space<hbm>>) target(%arg8 : memref<125x80xi32, #tpu.memory_space<vmem>>) target_semaphore(%run_scoped3A : memref<!tpu.dma_semaphore, #tpu.memory_space<semaphore_mem>>)
      %dma_wait3A_72 = arith.constant 0 : i32
      %dma_wait3A_73 = arith.constant 0 : i32
      %dma_wait3A_74 = tpu.memref_slice %arg4[%add3A, %dma_wait3A_72, %dma_wait3A_73] : memref<32x125x80xi32, #tpu.memory_space<hbm>> -> memref<1x125x80xi32, #tpu.memory_space<hbm>>
      %dma_wait3A_75 = tpu.memref_squeeze %dma_wait3A_74 : memref<1x125x80xi32, #tpu.memory_space<hbm>> -> memref<125x80xi32, #tpu.memory_space<hbm>>
      %dma_wait3A_76 = arith.constant 0 : i32
      %dma_wait3A_77 = arith.constant 0 : i32
      %dma_wait3A_78 = tpu.memref_slice %arg4[%add3A, %dma_wait3A_76, %dma_wait3A_77] : memref<32x125x80xi32, #tpu.memory_space<hbm>> -> memref<1x125x80xi32, #tpu.memory_space<hbm>>
      %dma_wait3A_79 = tpu.memref_squeeze %dma_wait3A_78 : memref<1x125x80xi32, #tpu.memory_space<hbm>> -> memref<125x80xi32, #tpu.memory_space<hbm>>
      tpu.wait_dma2 semaphore(%run_scoped3A : memref<!tpu.dma_semaphore, #tpu.memory_space<semaphore_mem>>) src(%dma_wait3A_79 : memref<125x80xi32, #tpu.memory_space<hbm>>) dst(%arg8 : memref<125x80xi32, #tpu.memory_space<vmem>>)
      tpu.yield
    }) : () -> ()
    "tpu.region"() ({
      %run_scoped3A = tpu.sem_alloc : memref<!tpu.dma_semaphore, #tpu.memory_space<semaphore_mem>>
      %dma_start3A_64 = arith.constant 0 : i32
      %dma_start3A_65 = arith.constant 0 : i32
      %dma_start3A_66 = tpu.memref_slice %arg5[%add3A, %dma_start3A_64, %dma_start3A_65] : memref<32x125x80xi32, #tpu.memory_space<hbm>> -> memref<1x125x80xi32, #tpu.memory_space<hbm>>
      %dma_start3A_67 = tpu.memref_squeeze %dma_start3A_66 : memref<1x125x80xi32, #tpu.memory_space<hbm>> -> memref<125x80xi32, #tpu.memory_space<hbm>>
      %dma_start3A_68 = arith.constant 0 : i32
      %dma_start3A_69 = arith.constant 0 : i32
      %dma_start3A_70 = tpu.memref_slice %arg5[%add3A, %dma_start3A_68, %dma_start3A_69] : memref<32x125x80xi32, #tpu.memory_space<hbm>> -> memref<1x125x80xi32, #tpu.memory_space<hbm>>
      %dma_start3A_71 = tpu.memref_squeeze %dma_start3A_70 : memref<1x125x80xi32, #tpu.memory_space<hbm>> -> memref<125x80xi32, #tpu.memory_space<hbm>>
      tpu.enqueue_dma source(%dma_start3A_71 : memref<125x80xi32, #tpu.memory_space<hbm>>) target(%arg9 : memref<125x80xi32, #tpu.memory_space<vmem>>) target_semaphore(%run_scoped3A : memref<!tpu.dma_semaphore, #tpu.memory_space<semaphore_mem>>)
      %dma_wait3A_72 = arith.constant 0 : i32
      %dma_wait3A_73 = arith.constant 0 : i32
      %dma_wait3A_74 = tpu.memref_slice %arg5[%add3A, %dma_wait3A_72, %dma_wait3A_73] : memref<32x125x80xi32, #tpu.memory_space<hbm>> -> memref<1x125x80xi32, #tpu.memory_space<hbm>>
      %dma_wait3A_75 = tpu.memref_squeeze %dma_wait3A_74 : memref<1x125x80xi32, #tpu.memory_space<hbm>> -> memref<125x80xi32, #tpu.memory_space<hbm>>
      %dma_wait3A_76 = arith.constant 0 : i32
      %dma_wait3A_77 = arith.constant 0 : i32
      %dma_wait3A_78 = tpu.memref_slice %arg5[%add3A, %dma_wait3A_76, %dma_wait3A_77] : memref<32x125x80xi32, #tpu.memory_space<hbm>> -> memref<1x125x80xi32, #tpu.memory_space<hbm>>
      %dma_wait3A_79 = tpu.memref_squeeze %dma_wait3A_78 : memref<1x125x80xi32, #tpu.memory_space<hbm>> -> memref<125x80xi32, #tpu.memory_space<hbm>>
      tpu.wait_dma2 semaphore(%run_scoped3A : memref<!tpu.dma_semaphore, #tpu.memory_space<semaphore_mem>>) src(%dma_wait3A_79 : memref<125x80xi32, #tpu.memory_space<hbm>>) dst(%arg9 : memref<125x80xi32, #tpu.memory_space<vmem>>)
      tpu.yield
    }) : () -> ()
    %barrier3A = arith.constant 0 : index
    tpu.barrier barrier_id(%barrier3A)
    %add3A_7 = arith.constant 0 : i32
    %add3A_8 = arith.addi %mul3A_2, %add3A_7 : i32
    %dma_start3A = arith.constant 0 : i32
    %dma_start3A_9 = tpu.memref_slice %arg3[%add3A_8, %dma_start3A] : memref<320000x64xf32, #tpu.memory_space<hbm>> -> memref<80x64xf32, #tpu.memory_space<hbm>>
    %dma_start3A_10 = arith.constant 0 : i32
    %dma_start3A_11 = tpu.memref_slice %arg3[%add3A_8, %dma_start3A_10] : memref<320000x64xf32, #tpu.memory_space<hbm>> -> memref<80x64xf32, #tpu.memory_space<hbm>>
    tpu.enqueue_dma source(%dma_start3A_11 : memref<80x64xf32, #tpu.memory_space<hbm>>) target(%arg10 : memref<80x64xf32, #tpu.memory_space<vmem>>) target_semaphore(%arg15 : memref<!tpu.dma_semaphore, #tpu.memory_space<semaphore_mem>>)
    %dma_start3A_12 = arith.constant 0 : i32
    %dma_start3A_13 = arith.constant 0 : i32
    %dma_start3A_14 = tpu.memref_slice %arg8[%dma_start3A_12, %dma_start3A_13] : memref<125x80xi32, #tpu.memory_space<vmem>> -> memref<1x80xi32, #tpu.memory_space<vmem>>
    %dma_start3A_15 = tpu.memref_squeeze %dma_start3A_14 : memref<1x80xi32, #tpu.memory_space<vmem>> -> memref<80xi32, #tpu.memory_space<vmem>>
    %dma_start3A_16 = arith.constant 0 : i32
    %dma_start3A_17 = arith.constant 0 : i32
    %dma_start3A_18 = tpu.memref_slice %arg2[%dma_start3A_16, %dma_start3A_17] : memref<10000x64xf32, #tpu.memory_space<hbm>> -> memref<10000x64xf32, #tpu.memory_space<hbm>>
    tpu.enqueue_indirect_dma source(%dma_start3A_18 : memref<10000x64xf32, #tpu.memory_space<hbm>>) target(%arg12 : memref<80x64xf32, #tpu.memory_space<vmem>>) offsets(%dma_start3A_15 : memref<80xi32, #tpu.memory_space<vmem>>) semaphore(%arg17 : memref<!tpu.dma_semaphore, #tpu.memory_space<semaphore_mem>>)
    %scan3A = arith.constant 0 : i32
    %scan3A_19 = arith.constant 0 : i32
    %scan3A_20 = arith.constant 62 : i32
    %scan3A_21 = arith.addi %scan3A_19, %scan3A_20 : i32
    %scan3A_22 = arith.constant 1 : i32
    scf.for %scan3A_64 = %scan3A_19 to %scan3A_21 step %scan3A_22  : i32 {
      %mul3A_65 = arith.constant 2 : i32
      %mul3A_66 = arith.muli %scan3A_64, %mul3A_65 : i32
      %add3A_67 = arith.constant 0 : i32
      %add3A_68 = arith.addi %mul3A_66, %add3A_67 : i32
      %mul3A_69 = arith.constant 80 : i32
      %mul3A_70 = arith.muli %add3A_68, %mul3A_69 : i32
      %add3A_71 = arith.addi %mul3A_2, %mul3A_70 : i32
      %dma_wait3A_72 = arith.constant 0 : i32
      %dma_wait3A_73 = tpu.memref_slice %arg3[%add3A_71, %dma_wait3A_72] : memref<320000x64xf32, #tpu.memory_space<hbm>> -> memref<80x64xf32, #tpu.memory_space<hbm>>
      %dma_wait3A_74 = arith.constant 0 : i32
      %dma_wait3A_75 = tpu.memref_slice %arg3[%add3A_71, %dma_wait3A_74] : memref<320000x64xf32, #tpu.memory_space<hbm>> -> memref<80x64xf32, #tpu.memory_space<hbm>>
      tpu.wait_dma2 semaphore(%arg15 : memref<!tpu.dma_semaphore, #tpu.memory_space<semaphore_mem>>) src(%dma_wait3A_75 : memref<80x64xf32, #tpu.memory_space<hbm>>) dst(%arg10 : memref<80x64xf32, #tpu.memory_space<vmem>>)
      %dma_wait3A_76 = arith.constant 0 : i32
      %dma_wait3A_77 = tpu.memref_slice %arg8[%add3A_68, %dma_wait3A_76] : memref<125x80xi32, #tpu.memory_space<vmem>> -> memref<1x80xi32, #tpu.memory_space<vmem>>
      %dma_wait3A_78 = tpu.memref_squeeze %dma_wait3A_77 : memref<1x80xi32, #tpu.memory_space<vmem>> -> memref<80xi32, #tpu.memory_space<vmem>>
      %dma_wait3A_79 = arith.constant 0 : i32
      %dma_wait3A_80 = arith.constant 0 : i32
      %dma_wait3A_81 = tpu.memref_slice %arg2[%dma_wait3A_79, %dma_wait3A_80] : memref<10000x64xf32, #tpu.memory_space<hbm>> -> memref<10000x64xf32, #tpu.memory_space<hbm>>
      tpu.wait_indirect_dma semaphore(%arg17 : memref<!tpu.dma_semaphore, #tpu.memory_space<semaphore_mem>>) src(%dma_wait3A_81 : memref<10000x64xf32, #tpu.memory_space<hbm>>) dst(%arg12 : memref<80x64xf32, #tpu.memory_space<vmem>>)
      %parallel_loop3A_82 = arith.constant 0 : i32
      %parallel_loop3A_83 = arith.constant 80 : i32
      %parallel_loop3A_84 = arith.constant 1 : i32
      scf.for %parallel_loop3A_158 = %parallel_loop3A_82 to %parallel_loop3A_83 step %parallel_loop3A_84  : i32 {
        %parallel_loop3A_159 = arith.index_cast %parallel_loop3A_158 : i32 to index
        %parallel_loop3A_160 = arith.constant 0 : index
        %parallel_loop3A_161 = tpu.vector_load %arg12[%parallel_loop3A_159, %parallel_loop3A_160] {strides = array<i32>} : memref<80x64xf32, #tpu.memory_space<vmem>>, vector<1x16xf32>,
        %parallel_loop3A_162 = vector.shape_cast %parallel_loop3A_161 : vector<1x16xf32> to vector<16xf32>
        %parallel_loop3A_163 = arith.index_cast %parallel_loop3A_158 : i32 to index
        %parallel_loop3A_164 = arith.constant 0 : index
        %parallel_loop3A_165 = tpu.vector_load %arg10[%parallel_loop3A_163, %parallel_loop3A_164] {strides = array<i32>} : memref<80x64xf32, #tpu.memory_space<vmem>>, vector<1x16xf32>,
        %parallel_loop3A_166 = vector.shape_cast %parallel_loop3A_165 : vector<1x16xf32> to vector<16xf32>
        %parallel_loop3A_167 = arith.addf %parallel_loop3A_162, %parallel_loop3A_166 : vector<16xf32>
        %parallel_loop3A_168 = math.exp %parallel_loop3A_167 : vector<16xf32>
        %parallel_loop3A_169 = arith.constant 1.000000e+00 : f32
        %parallel_loop3A_170 = vector.broadcast %parallel_loop3A_169 : f32 to vector<16xf32>
        %parallel_loop3A_171 = arith.addf %parallel_loop3A_168, %parallel_loop3A_170 : vector<16xf32>
        %parallel_loop3A_172 = arith.constant 2.000000e+00 : f32
        %parallel_loop3A_173 = vector.broadcast %parallel_loop3A_172 : f32 to vector<16xf32>
        %parallel_loop3A_174 = arith.divf %parallel_loop3A_173, %parallel_loop3A_171 : vector<16xf32>
        %parallel_loop3A_175 = arith.constant 1.000000e+00 : f32
        %parallel_loop3A_176 = vector.broadcast %parallel_loop3A_175 : f32 to vector<16xf32>
        %parallel_loop3A_177 = arith.subf %parallel_loop3A_176, %parallel_loop3A_174 : vector<16xf32>
        %parallel_loop3A_178 = arith.index_cast %parallel_loop3A_158 : i32 to index
        %parallel_loop3A_179 = arith.constant 0 : index
        %parallel_loop3A_180 = tpu.vector_load %arg12[%parallel_loop3A_178, %parallel_loop3A_179] {strides = array<i32>} : memref<80x64xf32, #tpu.memory_space<vmem>>, vector<1x16xf32>,
        %parallel_loop3A_181 = vector.shape_cast %parallel_loop3A_180 : vector<1x16xf32> to vector<16xf32>
        %parallel_loop3A_182 = vector.shape_cast %parallel_loop3A_177 : vector<16xf32> to vector<1x16xf32>
        tpu.vector_store %arg12[%parallel_loop3A_178, %parallel_loop3A_179], %parallel_loop3A_182 {strides = array<i32>} : memref<80x64xf32, #tpu.memory_space<vmem>>, vector<1x16xf32>,
        %parallel_loop3A_183 = arith.index_cast %parallel_loop3A_158 : i32 to index
        %parallel_loop3A_184 = arith.constant 16 : index
        %parallel_loop3A_185 = tpu.vector_load %arg12[%parallel_loop3A_183, %parallel_loop3A_184] {strides = array<i32>} : memref<80x64xf32, #tpu.memory_space<vmem>>, vector<1x16xf32>,
        %parallel_loop3A_186 = vector.shape_cast %parallel_loop3A_185 : vector<1x16xf32> to vector<16xf32>
        %parallel_loop3A_187 = arith.index_cast %parallel_loop3A_158 : i32 to index
        %parallel_loop3A_188 = arith.constant 16 : index
        %parallel_loop3A_189 = tpu.vector_load %arg10[%parallel_loop3A_187, %parallel_loop3A_188] {strides = array<i32>} : memref<80x64xf32, #tpu.memory_space<vmem>>, vector<1x16xf32>,
        %parallel_loop3A_190 = vector.shape_cast %parallel_loop3A_189 : vector<1x16xf32> to vector<16xf32>
        %parallel_loop3A_191 = arith.addf %parallel_loop3A_186, %parallel_loop3A_190 : vector<16xf32>
        %parallel_loop3A_192 = math.exp %parallel_loop3A_191 : vector<16xf32>
        %parallel_loop3A_193 = arith.constant 1.000000e+00 : f32
        %parallel_loop3A_194 = vector.broadcast %parallel_loop3A_193 : f32 to vector<16xf32>
        %parallel_loop3A_195 = arith.addf %parallel_loop3A_192, %parallel_loop3A_194 : vector<16xf32>
        %parallel_loop3A_196 = arith.constant 2.000000e+00 : f32
        %parallel_loop3A_197 = vector.broadcast %parallel_loop3A_196 : f32 to vector<16xf32>
        %parallel_loop3A_198 = arith.divf %parallel_loop3A_197, %parallel_loop3A_195 : vector<16xf32>
        %parallel_loop3A_199 = arith.constant 1.000000e+00 : f32
        %parallel_loop3A_200 = vector.broadcast %parallel_loop3A_199 : f32 to vector<16xf32>
        %parallel_loop3A_201 = arith.subf %parallel_loop3A_200, %parallel_loop3A_198 : vector<16xf32>
        %parallel_loop3A_202 = arith.index_cast %parallel_loop3A_158 : i32 to index
        %parallel_loop3A_203 = arith.constant 16 : index
        %parallel_loop3A_204 = tpu.vector_load %arg12[%parallel_loop3A_202, %parallel_loop3A_203] {strides = array<i32>} : memref<80x64xf32, #tpu.memory_space<vmem>>, vector<1x16xf32>,
        %parallel_loop3A_205 = vector.shape_cast %parallel_loop3A_204 : vector<1x16xf32> to vector<16xf32>
        %parallel_loop3A_206 = vector.shape_cast %parallel_loop3A_201 : vector<16xf32> to vector<1x16xf32>
        tpu.vector_store %arg12[%parallel_loop3A_202, %parallel_loop3A_203], %parallel_loop3A_206 {strides = array<i32>} : memref<80x64xf32, #tpu.memory_space<vmem>>, vector<1x16xf32>,
        %parallel_loop3A_207 = arith.index_cast %parallel_loop3A_158 : i32 to index
        %parallel_loop3A_208 = arith.constant 32 : index
        %parallel_loop3A_209 = tpu.vector_load %arg12[%parallel_loop3A_207, %parallel_loop3A_208] {strides = array<i32>} : memref<80x64xf32, #tpu.memory_space<vmem>>, vector<1x16xf32>,
        %parallel_loop3A_210 = vector.shape_cast %parallel_loop3A_209 : vector<1x16xf32> to vector<16xf32>
        %parallel_loop3A_211 = arith.index_cast %parallel_loop3A_158 : i32 to index
        %parallel_loop3A_212 = arith.constant 32 : index
        %parallel_loop3A_213 = tpu.vector_load %arg10[%parallel_loop3A_211, %parallel_loop3A_212] {strides = array<i32>} : memref<80x64xf32, #tpu.memory_space<vmem>>, vector<1x16xf32>,
        %parallel_loop3A_214 = vector.shape_cast %parallel_loop3A_213 : vector<1x16xf32> to vector<16xf32>
        %parallel_loop3A_215 = arith.addf %parallel_loop3A_210, %parallel_loop3A_214 : vector<16xf32>
        %parallel_loop3A_216 = math.exp %parallel_loop3A_215 : vector<16xf32>
        %parallel_loop3A_217 = arith.constant 1.000000e+00 : f32
        %parallel_loop3A_218 = vector.broadcast %parallel_loop3A_217 : f32 to vector<16xf32>
        %parallel_loop3A_219 = arith.addf %parallel_loop3A_216, %parallel_loop3A_218 : vector<16xf32>
        %parallel_loop3A_220 = arith.constant 2.000000e+00 : f32
        %parallel_loop3A_221 = vector.broadcast %parallel_loop3A_220 : f32 to vector<16xf32>
        %parallel_loop3A_222 = arith.divf %parallel_loop3A_221, %parallel_loop3A_219 : vector<16xf32>
        %parallel_loop3A_223 = arith.constant 1.000000e+00 : f32
        %parallel_loop3A_224 = vector.broadcast %parallel_loop3A_223 : f32 to vector<16xf32>
        %parallel_loop3A_225 = arith.subf %parallel_loop3A_224, %parallel_loop3A_222 : vector<16xf32>
        %parallel_loop3A_226 = arith.index_cast %parallel_loop3A_158 : i32 to index
        %parallel_loop3A_227 = arith.constant 32 : index
        %parallel_loop3A_228 = tpu.vector_load %arg12[%parallel_loop3A_226, %parallel_loop3A_227] {strides = array<i32>} : memref<80x64xf32, #tpu.memory_space<vmem>>, vector<1x16xf32>,
        %parallel_loop3A_229 = vector.shape_cast %parallel_loop3A_228 : vector<1x16xf32> to vector<16xf32>
        %parallel_loop3A_230 = vector.shape_cast %parallel_loop3A_225 : vector<16xf32> to vector<1x16xf32>
        tpu.vector_store %arg12[%parallel_loop3A_226, %parallel_loop3A_227], %parallel_loop3A_230 {strides = array<i32>} : memref<80x64xf32, #tpu.memory_space<vmem>>, vector<1x16xf32>,
        %parallel_loop3A_231 = arith.index_cast %parallel_loop3A_158 : i32 to index
        %parallel_loop3A_232 = arith.constant 48 : index
        %parallel_loop3A_233 = tpu.vector_load %arg12[%parallel_loop3A_231, %parallel_loop3A_232] {strides = array<i32>} : memref<80x64xf32, #tpu.memory_space<vmem>>, vector<1x16xf32>,
        %parallel_loop3A_234 = vector.shape_cast %parallel_loop3A_233 : vector<1x16xf32> to vector<16xf32>
        %parallel_loop3A_235 = arith.index_cast %parallel_loop3A_158 : i32 to index
        %parallel_loop3A_236 = arith.constant 48 : index
        %parallel_loop3A_237 = tpu.vector_load %arg10[%parallel_loop3A_235, %parallel_loop3A_236] {strides = array<i32>} : memref<80x64xf32, #tpu.memory_space<vmem>>, vector<1x16xf32>,
        %parallel_loop3A_238 = vector.shape_cast %parallel_loop3A_237 : vector<1x16xf32> to vector<16xf32>
        %parallel_loop3A_239 = arith.addf %parallel_loop3A_234, %parallel_loop3A_238 : vector<16xf32>
        %parallel_loop3A_240 = math.exp %parallel_loop3A_239 : vector<16xf32>
        %parallel_loop3A_241 = arith.constant 1.000000e+00 : f32
        %parallel_loop3A_242 = vector.broadcast %parallel_loop3A_241 : f32 to vector<16xf32>
        %parallel_loop3A_243 = arith.addf %parallel_loop3A_240, %parallel_loop3A_242 : vector<16xf32>
        %parallel_loop3A_244 = arith.constant 2.000000e+00 : f32
        %parallel_loop3A_245 = vector.broadcast %parallel_loop3A_244 : f32 to vector<16xf32>
        %parallel_loop3A_246 = arith.divf %parallel_loop3A_245, %parallel_loop3A_243 : vector<16xf32>
        %parallel_loop3A_247 = arith.constant 1.000000e+00 : f32
        %parallel_loop3A_248 = vector.broadcast %parallel_loop3A_247 : f32 to vector<16xf32>
        %parallel_loop3A_249 = arith.subf %parallel_loop3A_248, %parallel_loop3A_246 : vector<16xf32>
        %parallel_loop3A_250 = arith.index_cast %parallel_loop3A_158 : i32 to index
        %parallel_loop3A_251 = arith.constant 48 : index
        %parallel_loop3A_252 = tpu.vector_load %arg12[%parallel_loop3A_250, %parallel_loop3A_251] {strides = array<i32>} : memref<80x64xf32, #tpu.memory_space<vmem>>, vector<1x16xf32>,
        %parallel_loop3A_253 = vector.shape_cast %parallel_loop3A_252 : vector<1x16xf32> to vector<16xf32>
        %parallel_loop3A_254 = vector.shape_cast %parallel_loop3A_249 : vector<16xf32> to vector<1x16xf32>
        tpu.vector_store %arg12[%parallel_loop3A_250, %parallel_loop3A_251], %parallel_loop3A_254 {strides = array<i32>} : memref<80x64xf32, #tpu.memory_space<vmem>>, vector<1x16xf32>,
      } {sc.loop_unroll_factor = 1 : i64, sc.parallel_access}
      %dma_start3A_85 = arith.constant 0 : i32
      %dma_start3A_86 = tpu.memref_slice %arg9[%add3A_68, %dma_start3A_85] : memref<125x80xi32, #tpu.memory_space<vmem>> -> memref<1x80xi32, #tpu.memory_space<vmem>>
      %dma_start3A_87 = tpu.memref_squeeze %dma_start3A_86 : memref<1x80xi32, #tpu.memory_space<vmem>> -> memref<80xi32, #tpu.memory_space<vmem>>
      %dma_start3A_88 = arith.constant 0 : i32
      %dma_start3A_89 = arith.constant 0 : i32
      %dma_start3A_90 = tpu.memref_slice %arg14[%dma_start3A_88, %dma_start3A_89] : memref<10240x64xf32, #tpu.memory_space<vmem_shared>> -> memref<10240x64xf32, #tpu.memory_space<vmem_shared>>
      tpu.enqueue_indirect_dma source(%arg12 : memref<80x64xf32, #tpu.memory_space<vmem>>) target(%dma_start3A_90 : memref<10240x64xf32, #tpu.memory_space<vmem_shared>>) offsets(%dma_start3A_87 : memref<80xi32, #tpu.memory_space<vmem>>) semaphore(%arg19 : memref<!tpu.dma_semaphore, #tpu.memory_space<semaphore_mem>>) {add = true}
      %ge3A = arith.constant 1 : i32
      %ge3A_91 = arith.cmpi sge, %add3A_68, %ge3A : i32
      %convert_element_type3A = arith.extui %ge3A_91 : i1 to i32
      %cond3A = arith.constant 0 : i32
      %cond3A_92 = arith.cmpi ne, %convert_element_type3A, %cond3A : i32
      scf.if %cond3A_92 {
        %sub3A = arith.constant 1 : i32
        %sub3A_158 = arith.subi %add3A_68, %sub3A : i32
        %dma_wait3A_159 = arith.constant 0 : i32
        %dma_wait3A_160 = tpu.memref_slice %arg9[%sub3A_158, %dma_wait3A_159] : memref<125x80xi32, #tpu.memory_space<vmem>> -> memref<1x80xi32, #tpu.memory_space<vmem>>
        %dma_wait3A_161 = tpu.memref_squeeze %dma_wait3A_160 : memref<1x80xi32, #tpu.memory_space<vmem>> -> memref<80xi32, #tpu.memory_space<vmem>>
        %dma_wait3A_162 = arith.constant 0 : i32
        %dma_wait3A_163 = arith.constant 0 : i32
        %dma_wait3A_164 = tpu.memref_slice %arg14[%dma_wait3A_162, %dma_wait3A_163] : memref<10240x64xf32, #tpu.memory_space<vmem_shared>> -> memref<10240x64xf32, #tpu.memory_space<vmem_shared>>
        tpu.wait_indirect_dma semaphore(%arg20 : memref<!tpu.dma_semaphore, #tpu.memory_space<semaphore_mem>>) src(%arg13 : memref<80x64xf32, #tpu.memory_space<vmem>>) dst(%dma_wait3A_164 : memref<10240x64xf32, #tpu.memory_space<vmem_shared>>)
      } else {
      }
      %add3A_93 = arith.constant 1 : i32
      %add3A_94 = arith.addi %add3A_68, %add3A_93 : i32
      %mul3A_95 = arith.constant 80 : i32
      %mul3A_96 = arith.muli %add3A_94, %mul3A_95 : i32
      %add3A_97 = arith.addi %mul3A_2, %mul3A_96 : i32
      %dma_start3A_98 = arith.constant 0 : i32
      %dma_start3A_99 = tpu.memref_slice %arg3[%add3A_97, %dma_start3A_98] : memref<320000x64xf32, #tpu.memory_space<hbm>> -> memref<80x64xf32, #tpu.memory_space<hbm>>
      %dma_start3A_100 = arith.constant 0 : i32
      %dma_start3A_101 = tpu.memref_slice %arg3[%add3A_97, %dma_start3A_100] : memref<320000x64xf32, #tpu.memory_space<hbm>> -> memref<80x64xf32, #tpu.memory_space<hbm>>
      tpu.enqueue_dma source(%dma_start3A_101 : memref<80x64xf32, #tpu.memory_space<hbm>>) target(%arg11 : memref<80x64xf32, #tpu.memory_space<vmem>>) target_semaphore(%arg16 : memref<!tpu.dma_semaphore, #tpu.memory_space<semaphore_mem>>)
      %add3A_102 = arith.constant 1 : i32
      %add3A_103 = arith.addi %add3A_68, %add3A_102 : i32
      %dma_start3A_104 = arith.constant 0 : i32
      %dma_start3A_105 = tpu.memref_slice %arg8[%add3A_103, %dma_start3A_104] : memref<125x80xi32, #tpu.memory_space<vmem>> -> memref<1x80xi32, #tpu.memory_space<vmem>>
      %dma_start3A_106 = tpu.memref_squeeze %dma_start3A_105 : memref<1x80xi32, #tpu.memory_space<vmem>> -> memref<80xi32, #tpu.memory_space<vmem>>
      %dma_start3A_107 = arith.constant 0 : i32
      %dma_start3A_108 = arith.constant 0 : i32
      %dma_start3A_109 = tpu.memref_slice %arg2[%dma_start3A_107, %dma_start3A_108] : memref<10000x64xf32, #tpu.memory_space<hbm>> -> memref<10000x64xf32, #tpu.memory_space<hbm>>
      tpu.enqueue_indirect_dma source(%dma_start3A_109 : memref<10000x64xf32, #tpu.memory_space<hbm>>) target(%arg13 : memref<80x64xf32, #tpu.memory_space<vmem>>) offsets(%dma_start3A_106 : memref<80xi32, #tpu.memory_space<vmem>>) semaphore(%arg18 : memref<!tpu.dma_semaphore, #tpu.memory_space<semaphore_mem>>)
      %mul3A_110 = arith.constant 2 : i32
      %mul3A_111 = arith.muli %scan3A_64, %mul3A_110 : i32
      %add3A_112 = arith.constant 1 : i32
      %add3A_113 = arith.addi %mul3A_111, %add3A_112 : i32
      %mul3A_114 = arith.constant 80 : i32
      %mul3A_115 = arith.muli %add3A_113, %mul3A_114 : i32
      %add3A_116 = arith.addi %mul3A_2, %mul3A_115 : i32
      %dma_wait3A_117 = arith.constant 0 : i32
      %dma_wait3A_118 = tpu.memref_slice %arg3[%add3A_116, %dma_wait3A_117] : memref<320000x64xf32, #tpu.memory_space<hbm>> -> memref<80x64xf32, #tpu.memory_space<hbm>>
      %dma_wait3A_119 = arith.constant 0 : i32
      %dma_wait3A_120 = tpu.memref_slice %arg3[%add3A_116, %dma_wait3A_119] : memref<320000x64xf32, #tpu.memory_space<hbm>> -> memref<80x64xf32, #tpu.memory_space<hbm>>
      tpu.wait_dma2 semaphore(%arg16 : memref<!tpu.dma_semaphore, #tpu.memory_space<semaphore_mem>>) src(%dma_wait3A_120 : memref<80x64xf32, #tpu.memory_space<hbm>>) dst(%arg11 : memref<80x64xf32, #tpu.memory_space<vmem>>)
      %dma_wait3A_121 = arith.constant 0 : i32
      %dma_wait3A_122 = tpu.memref_slice %arg8[%add3A_113, %dma_wait3A_121] : memref<125x80xi32, #tpu.memory_space<vmem>> -> memref<1x80xi32, #tpu.memory_space<vmem>>
      %dma_wait3A_123 = tpu.memref_squeeze %dma_wait3A_122 : memref<1x80xi32, #tpu.memory_space<vmem>> -> memref<80xi32, #tpu.memory_space<vmem>>
      %dma_wait3A_124 = arith.constant 0 : i32
      %dma_wait3A_125 = arith.constant 0 : i32
      %dma_wait3A_126 = tpu.memref_slice %arg2[%dma_wait3A_124, %dma_wait3A_125] : memref<10000x64xf32, #tpu.memory_space<hbm>> -> memref<10000x64xf32, #tpu.memory_space<hbm>>
      tpu.wait_indirect_dma semaphore(%arg18 : memref<!tpu.dma_semaphore, #tpu.memory_space<semaphore_mem>>) src(%dma_wait3A_126 : memref<10000x64xf32, #tpu.memory_space<hbm>>) dst(%arg13 : memref<80x64xf32, #tpu.memory_space<vmem>>)
      %parallel_loop3A_127 = arith.constant 0 : i32
      %parallel_loop3A_128 = arith.constant 80 : i32
      %parallel_loop3A_129 = arith.constant 1 : i32
      scf.for %parallel_loop3A_158 = %parallel_loop3A_127 to %parallel_loop3A_128 step %parallel_loop3A_129  : i32 {
        %parallel_loop3A_159 = arith.index_cast %parallel_loop3A_158 : i32 to index
        %parallel_loop3A_160 = arith.constant 0 : index
        %parallel_loop3A_161 = tpu.vector_load %arg13[%parallel_loop3A_159, %parallel_loop3A_160] {strides = array<i32>} : memref<80x64xf32, #tpu.memory_space<vmem>>, vector<1x16xf32>,
        %parallel_loop3A_162 = vector.shape_cast %parallel_loop3A_161 : vector<1x16xf32> to vector<16xf32>
        %parallel_loop3A_163 = arith.index_cast %parallel_loop3A_158 : i32 to index
        %parallel_loop3A_164 = arith.constant 0 : index
        %parallel_loop3A_165 = tpu.vector_load %arg11[%parallel_loop3A_163, %parallel_loop3A_164] {strides = array<i32>} : memref<80x64xf32, #tpu.memory_space<vmem>>, vector<1x16xf32>,
        %parallel_loop3A_166 = vector.shape_cast %parallel_loop3A_165 : vector<1x16xf32> to vector<16xf32>
        %parallel_loop3A_167 = arith.addf %parallel_loop3A_162, %parallel_loop3A_166 : vector<16xf32>
        %parallel_loop3A_168 = math.exp %parallel_loop3A_167 : vector<16xf32>
        %parallel_loop3A_169 = arith.constant 1.000000e+00 : f32
        %parallel_loop3A_170 = vector.broadcast %parallel_loop3A_169 : f32 to vector<16xf32>
        %parallel_loop3A_171 = arith.addf %parallel_loop3A_168, %parallel_loop3A_170 : vector<16xf32>
        %parallel_loop3A_172 = arith.constant 2.000000e+00 : f32
        %parallel_loop3A_173 = vector.broadcast %parallel_loop3A_172 : f32 to vector<16xf32>
        %parallel_loop3A_174 = arith.divf %parallel_loop3A_173, %parallel_loop3A_171 : vector<16xf32>
        %parallel_loop3A_175 = arith.constant 1.000000e+00 : f32
        %parallel_loop3A_176 = vector.broadcast %parallel_loop3A_175 : f32 to vector<16xf32>
        %parallel_loop3A_177 = arith.subf %parallel_loop3A_176, %parallel_loop3A_174 : vector<16xf32>
        %parallel_loop3A_178 = arith.index_cast %parallel_loop3A_158 : i32 to index
        %parallel_loop3A_179 = arith.constant 0 : index
        %parallel_loop3A_180 = tpu.vector_load %arg13[%parallel_loop3A_178, %parallel_loop3A_179] {strides = array<i32>} : memref<80x64xf32, #tpu.memory_space<vmem>>, vector<1x16xf32>,
        %parallel_loop3A_181 = vector.shape_cast %parallel_loop3A_180 : vector<1x16xf32> to vector<16xf32>
        %parallel_loop3A_182 = vector.shape_cast %parallel_loop3A_177 : vector<16xf32> to vector<1x16xf32>
        tpu.vector_store %arg13[%parallel_loop3A_178, %parallel_loop3A_179], %parallel_loop3A_182 {strides = array<i32>} : memref<80x64xf32, #tpu.memory_space<vmem>>, vector<1x16xf32>,
        %parallel_loop3A_183 = arith.index_cast %parallel_loop3A_158 : i32 to index
        %parallel_loop3A_184 = arith.constant 16 : index
        %parallel_loop3A_185 = tpu.vector_load %arg13[%parallel_loop3A_183, %parallel_loop3A_184] {strides = array<i32>} : memref<80x64xf32, #tpu.memory_space<vmem>>, vector<1x16xf32>,
        %parallel_loop3A_186 = vector.shape_cast %parallel_loop3A_185 : vector<1x16xf32> to vector<16xf32>
        %parallel_loop3A_187 = arith.index_cast %parallel_loop3A_158 : i32 to index
        %parallel_loop3A_188 = arith.constant 16 : index
        %parallel_loop3A_189 = tpu.vector_load %arg11[%parallel_loop3A_187, %parallel_loop3A_188] {strides = array<i32>} : memref<80x64xf32, #tpu.memory_space<vmem>>, vector<1x16xf32>,
        %parallel_loop3A_190 = vector.shape_cast %parallel_loop3A_189 : vector<1x16xf32> to vector<16xf32>
        %parallel_loop3A_191 = arith.addf %parallel_loop3A_186, %parallel_loop3A_190 : vector<16xf32>
        %parallel_loop3A_192 = math.exp %parallel_loop3A_191 : vector<16xf32>
        %parallel_loop3A_193 = arith.constant 1.000000e+00 : f32
        %parallel_loop3A_194 = vector.broadcast %parallel_loop3A_193 : f32 to vector<16xf32>
        %parallel_loop3A_195 = arith.addf %parallel_loop3A_192, %parallel_loop3A_194 : vector<16xf32>
        %parallel_loop3A_196 = arith.constant 2.000000e+00 : f32
        %parallel_loop3A_197 = vector.broadcast %parallel_loop3A_196 : f32 to vector<16xf32>
        %parallel_loop3A_198 = arith.divf %parallel_loop3A_197, %parallel_loop3A_195 : vector<16xf32>
        %parallel_loop3A_199 = arith.constant 1.000000e+00 : f32
        %parallel_loop3A_200 = vector.broadcast %parallel_loop3A_199 : f32 to vector<16xf32>
        %parallel_loop3A_201 = arith.subf %parallel_loop3A_200, %parallel_loop3A_198 : vector<16xf32>
        %parallel_loop3A_202 = arith.index_cast %parallel_loop3A_158 : i32 to index
        %parallel_loop3A_203 = arith.constant 16 : index
        %parallel_loop3A_204 = tpu.vector_load %arg13[%parallel_loop3A_202, %parallel_loop3A_203] {strides = array<i32>} : memref<80x64xf32, #tpu.memory_space<vmem>>, vector<1x16xf32>,
        %parallel_loop3A_205 = vector.shape_cast %parallel_loop3A_204 : vector<1x16xf32> to vector<16xf32>
        %parallel_loop3A_206 = vector.shape_cast %parallel_loop3A_201 : vector<16xf32> to vector<1x16xf32>
        tpu.vector_store %arg13[%parallel_loop3A_202, %parallel_loop3A_203], %parallel_loop3A_206 {strides = array<i32>} : memref<80x64xf32, #tpu.memory_space<vmem>>, vector<1x16xf32>,
        %parallel_loop3A_207 = arith.index_cast %parallel_loop3A_158 : i32 to index
        %parallel_loop3A_208 = arith.constant 32 : index
        %parallel_loop3A_209 = tpu.vector_load %arg13[%parallel_loop3A_207, %parallel_loop3A_208] {strides = array<i32>} : memref<80x64xf32, #tpu.memory_space<vmem>>, vector<1x16xf32>,
        %parallel_loop3A_210 = vector.shape_cast %parallel_loop3A_209 : vector<1x16xf32> to vector<16xf32>
        %parallel_loop3A_211 = arith.index_cast %parallel_loop3A_158 : i32 to index
        %parallel_loop3A_212 = arith.constant 32 : index
        %parallel_loop3A_213 = tpu.vector_load %arg11[%parallel_loop3A_211, %parallel_loop3A_212] {strides = array<i32>} : memref<80x64xf32, #tpu.memory_space<vmem>>, vector<1x16xf32>,
        %parallel_loop3A_214 = vector.shape_cast %parallel_loop3A_213 : vector<1x16xf32> to vector<16xf32>
        %parallel_loop3A_215 = arith.addf %parallel_loop3A_210, %parallel_loop3A_214 : vector<16xf32>
        %parallel_loop3A_216 = math.exp %parallel_loop3A_215 : vector<16xf32>
        %parallel_loop3A_217 = arith.constant 1.000000e+00 : f32
        %parallel_loop3A_218 = vector.broadcast %parallel_loop3A_217 : f32 to vector<16xf32>
        %parallel_loop3A_219 = arith.addf %parallel_loop3A_216, %parallel_loop3A_218 : vector<16xf32>
        %parallel_loop3A_220 = arith.constant 2.000000e+00 : f32
        %parallel_loop3A_221 = vector.broadcast %parallel_loop3A_220 : f32 to vector<16xf32>
        %parallel_loop3A_222 = arith.divf %parallel_loop3A_221, %parallel_loop3A_219 : vector<16xf32>
        %parallel_loop3A_223 = arith.constant 1.000000e+00 : f32
        %parallel_loop3A_224 = vector.broadcast %parallel_loop3A_223 : f32 to vector<16xf32>
        %parallel_loop3A_225 = arith.subf %parallel_loop3A_224, %parallel_loop3A_222 : vector<16xf32>
        %parallel_loop3A_226 = arith.index_cast %parallel_loop3A_158 : i32 to index
        %parallel_loop3A_227 = arith.constant 32 : index
        %parallel_loop3A_228 = tpu.vector_load %arg13[%parallel_loop3A_226, %parallel_loop3A_227] {strides = array<i32>} : memref<80x64xf32, #tpu.memory_space<vmem>>, vector<1x16xf32>,
        %parallel_loop3A_229 = vector.shape_cast %parallel_loop3A_228 : vector<1x16xf32> to vector<16xf32>
        %parallel_loop3A_230 = vector.shape_cast %parallel_loop3A_225 : vector<16xf32> to vector<1x16xf32>
        tpu.vector_store %arg13[%parallel_loop3A_226, %parallel_loop3A_227], %parallel_loop3A_230 {strides = array<i32>} : memref<80x64xf32, #tpu.memory_space<vmem>>, vector<1x16xf32>,
        %parallel_loop3A_231 = arith.index_cast %parallel_loop3A_158 : i32 to index
        %parallel_loop3A_232 = arith.constant 48 : index
        %parallel_loop3A_233 = tpu.vector_load %arg13[%parallel_loop3A_231, %parallel_loop3A_232] {strides = array<i32>} : memref<80x64xf32, #tpu.memory_space<vmem>>, vector<1x16xf32>,
        %parallel_loop3A_234 = vector.shape_cast %parallel_loop3A_233 : vector<1x16xf32> to vector<16xf32>
        %parallel_loop3A_235 = arith.index_cast %parallel_loop3A_158 : i32 to index
        %parallel_loop3A_236 = arith.constant 48 : index
        %parallel_loop3A_237 = tpu.vector_load %arg11[%parallel_loop3A_235, %parallel_loop3A_236] {strides = array<i32>} : memref<80x64xf32, #tpu.memory_space<vmem>>, vector<1x16xf32>,
        %parallel_loop3A_238 = vector.shape_cast %parallel_loop3A_237 : vector<1x16xf32> to vector<16xf32>
        %parallel_loop3A_239 = arith.addf %parallel_loop3A_234, %parallel_loop3A_238 : vector<16xf32>
        %parallel_loop3A_240 = math.exp %parallel_loop3A_239 : vector<16xf32>
        %parallel_loop3A_241 = arith.constant 1.000000e+00 : f32
        %parallel_loop3A_242 = vector.broadcast %parallel_loop3A_241 : f32 to vector<16xf32>
        %parallel_loop3A_243 = arith.addf %parallel_loop3A_240, %parallel_loop3A_242 : vector<16xf32>
        %parallel_loop3A_244 = arith.constant 2.000000e+00 : f32
        %parallel_loop3A_245 = vector.broadcast %parallel_loop3A_244 : f32 to vector<16xf32>
        %parallel_loop3A_246 = arith.divf %parallel_loop3A_245, %parallel_loop3A_243 : vector<16xf32>
        %parallel_loop3A_247 = arith.constant 1.000000e+00 : f32
        %parallel_loop3A_248 = vector.broadcast %parallel_loop3A_247 : f32 to vector<16xf32>
        %parallel_loop3A_249 = arith.subf %parallel_loop3A_248, %parallel_loop3A_246 : vector<16xf32>
        %parallel_loop3A_250 = arith.index_cast %parallel_loop3A_158 : i32 to index
        %parallel_loop3A_251 = arith.constant 48 : index
        %parallel_loop3A_252 = tpu.vector_load %arg13[%parallel_loop3A_250, %parallel_loop3A_251] {strides = array<i32>} : memref<80x64xf32, #tpu.memory_space<vmem>>, vector<1x16xf32>,
        %parallel_loop3A_253 = vector.shape_cast %parallel_loop3A_252 : vector<1x16xf32> to vector<16xf32>
        %parallel_loop3A_254 = vector.shape_cast %parallel_loop3A_249 : vector<16xf32> to vector<1x16xf32>
        tpu.vector_store %arg13[%parallel_loop3A_250, %parallel_loop3A_251], %parallel_loop3A_254 {strides = array<i32>} : memref<80x64xf32, #tpu.memory_space<vmem>>, vector<1x16xf32>,
      } {sc.loop_unroll_factor = 1 : i64, sc.parallel_access}
      %dma_start3A_130 = arith.constant 0 : i32
      %dma_start3A_131 = tpu.memref_slice %arg9[%add3A_113, %dma_start3A_130] : memref<125x80xi32, #tpu.memory_space<vmem>> -> memref<1x80xi32, #tpu.memory_space<vmem>>
      %dma_start3A_132 = tpu.memref_squeeze %dma_start3A_131 : memref<1x80xi32, #tpu.memory_space<vmem>> -> memref<80xi32, #tpu.memory_space<vmem>>
      %dma_start3A_133 = arith.constant 0 : i32
      %dma_start3A_134 = arith.constant 0 : i32
      %dma_start3A_135 = tpu.memref_slice %arg14[%dma_start3A_133, %dma_start3A_134] : memref<10240x64xf32, #tpu.memory_space<vmem_shared>> -> memref<10240x64xf32, #tpu.memory_space<vmem_shared>>
      tpu.enqueue_indirect_dma source(%arg13 : memref<80x64xf32, #tpu.memory_space<vmem>>) target(%dma_start3A_135 : memref<10240x64xf32, #tpu.memory_space<vmem_shared>>) offsets(%dma_start3A_132 : memref<80xi32, #tpu.memory_space<vmem>>) semaphore(%arg20 : memref<!tpu.dma_semaphore, #tpu.memory_space<semaphore_mem>>) {add = true}
      %ge3A_136 = arith.constant 1 : i32
      %ge3A_137 = arith.cmpi sge, %add3A_113, %ge3A_136 : i32
      %convert_element_type3A_138 = arith.extui %ge3A_137 : i1 to i32
      %cond3A_139 = arith.constant 0 : i32
      %cond3A_140 = arith.cmpi ne, %convert_element_type3A_138, %cond3A_139 : i32
      scf.if %cond3A_140 {
        %sub3A = arith.constant 1 : i32
        %sub3A_158 = arith.subi %add3A_113, %sub3A : i32
        %dma_wait3A_159 = arith.constant 0 : i32
        %dma_wait3A_160 = tpu.memref_slice %arg9[%sub3A_158, %dma_wait3A_159] : memref<125x80xi32, #tpu.memory_space<vmem>> -> memref<1x80xi32, #tpu.memory_space<vmem>>
        %dma_wait3A_161 = tpu.memref_squeeze %dma_wait3A_160 : memref<1x80xi32, #tpu.memory_space<vmem>> -> memref<80xi32, #tpu.memory_space<vmem>>
        %dma_wait3A_162 = arith.constant 0 : i32
        %dma_wait3A_163 = arith.constant 0 : i32
        %dma_wait3A_164 = tpu.memref_slice %arg14[%dma_wait3A_162, %dma_wait3A_163] : memref<10240x64xf32, #tpu.memory_space<vmem_shared>> -> memref<10240x64xf32, #tpu.memory_space<vmem_shared>>
        tpu.wait_indirect_dma semaphore(%arg19 : memref<!tpu.dma_semaphore, #tpu.memory_space<semaphore_mem>>) src(%arg12 : memref<80x64xf32, #tpu.memory_space<vmem>>) dst(%dma_wait3A_164 : memref<10240x64xf32, #tpu.memory_space<vmem_shared>>)
      } else {
      }
      %add3A_141 = arith.constant 1 : i32
      %add3A_142 = arith.addi %add3A_113, %add3A_141 : i32
      %mul3A_143 = arith.constant 80 : i32
      %mul3A_144 = arith.muli %add3A_142, %mul3A_143 : i32
      %add3A_145 = arith.addi %mul3A_2, %mul3A_144 : i32
      %dma_start3A_146 = arith.constant 0 : i32
      %dma_start3A_147 = tpu.memref_slice %arg3[%add3A_145, %dma_start3A_146] : memref<320000x64xf32, #tpu.memory_space<hbm>> -> memref<80x64xf32, #tpu.memory_space<hbm>>
      %dma_start3A_148 = arith.constant 0 : i32
      %dma_start3A_149 = tpu.memref_slice %arg3[%add3A_145, %dma_start3A_148] : memref<320000x64xf32, #tpu.memory_space<hbm>> -> memref<80x64xf32, #tpu.memory_space<hbm>>
      tpu.enqueue_dma source(%dma_start3A_149 : memref<80x64xf32, #tpu.memory_space<hbm>>) target(%arg10 : memref<80x64xf32, #tpu.memory_space<vmem>>) target_semaphore(%arg15 : memref<!tpu.dma_semaphore, #tpu.memory_space<semaphore_mem>>)
      %add3A_150 = arith.constant 1 : i32
      %add3A_151 = arith.addi %add3A_113, %add3A_150 : i32
      %dma_start3A_152 = arith.constant 0 : i32
      %dma_start3A_153 = tpu.memref_slice %arg8[%add3A_151, %dma_start3A_152] : memref<125x80xi32, #tpu.memory_space<vmem>> -> memref<1x80xi32, #tpu.memory_space<vmem>>
      %dma_start3A_154 = tpu.memref_squeeze %dma_start3A_153 : memref<1x80xi32, #tpu.memory_space<vmem>> -> memref<80xi32, #tpu.memory_space<vmem>>
      %dma_start3A_155 = arith.constant 0 : i32
      %dma_start3A_156 = arith.constant 0 : i32
      %dma_start3A_157 = tpu.memref_slice %arg2[%dma_start3A_155, %dma_start3A_156] : memref<10000x64xf32, #tpu.memory_space<hbm>> -> memref<10000x64xf32, #tpu.memory_space<hbm>>
      tpu.enqueue_indirect_dma source(%dma_start3A_157 : memref<10000x64xf32, #tpu.memory_space<hbm>>) target(%arg12 : memref<80x64xf32, #tpu.memory_space<vmem>>) offsets(%dma_start3A_154 : memref<80xi32, #tpu.memory_space<vmem>>) semaphore(%arg17 : memref<!tpu.dma_semaphore, #tpu.memory_space<semaphore_mem>>)
    }
    %scan3A_23 = arith.constant 62 : i32
    %add3A_24 = arith.constant 9920 : i32
    %add3A_25 = arith.addi %mul3A_2, %add3A_24 : i32
    %dma_wait3A = arith.constant 0 : i32
    %dma_wait3A_26 = tpu.memref_slice %arg3[%add3A_25, %dma_wait3A] : memref<320000x64xf32, #tpu.memory_space<hbm>> -> memref<80x64xf32, #tpu.memory_space<hbm>>
    %dma_wait3A_27 = arith.constant 0 : i32
    %dma_wait3A_28 = tpu.memref_slice %arg3[%add3A_25, %dma_wait3A_27] : memref<320000x64xf32, #tpu.memory_space<hbm>> -> memref<80x64xf32, #tpu.memory_space<hbm>>
    tpu.wait_dma2 semaphore(%arg15 : memref<!tpu.dma_semaphore, #tpu.memory_space<semaphore_mem>>) src(%dma_wait3A_28 : memref<80x64xf32, #tpu.memory_space<hbm>>) dst(%arg10 : memref<80x64xf32, #tpu.memory_space<vmem>>)
    %dma_wait3A_29 = arith.constant 124 : i32
    %dma_wait3A_30 = arith.constant 0 : i32
    %dma_wait3A_31 = tpu.memref_slice %arg8[%dma_wait3A_29, %dma_wait3A_30] : memref<125x80xi32, #tpu.memory_space<vmem>> -> memref<1x80xi32, #tpu.memory_space<vmem>>
    %dma_wait3A_32 = tpu.memref_squeeze %dma_wait3A_31 : memref<1x80xi32, #tpu.memory_space<vmem>> -> memref<80xi32, #tpu.memory_space<vmem>>
    %dma_wait3A_33 = arith.constant 0 : i32
    %dma_wait3A_34 = arith.constant 0 : i32
    %dma_wait3A_35 = tpu.memref_slice %arg2[%dma_wait3A_33, %dma_wait3A_34] : memref<10000x64xf32, #tpu.memory_space<hbm>> -> memref<10000x64xf32, #tpu.memory_space<hbm>>
    tpu.wait_indirect_dma semaphore(%arg17 : memref<!tpu.dma_semaphore, #tpu.memory_space<semaphore_mem>>) src(%dma_wait3A_35 : memref<10000x64xf32, #tpu.memory_space<hbm>>) dst(%arg12 : memref<80x64xf32, #tpu.memory_space<vmem>>)
    %parallel_loop3A = arith.constant 0 : i32
    %parallel_loop3A_36 = arith.constant 80 : i32
    %parallel_loop3A_37 = arith.constant 1 : i32
    scf.for %parallel_loop3A_64 = %parallel_loop3A to %parallel_loop3A_36 step %parallel_loop3A_37  : i32 {
      %parallel_loop3A_65 = arith.index_cast %parallel_loop3A_64 : i32 to index
      %parallel_loop3A_66 = arith.constant 0 : index
      %parallel_loop3A_67 = tpu.vector_load %arg12[%parallel_loop3A_65, %parallel_loop3A_66] {strides = array<i32>} : memref<80x64xf32, #tpu.memory_space<vmem>>, vector<1x16xf32>,
      %parallel_loop3A_68 = vector.shape_cast %parallel_loop3A_67 : vector<1x16xf32> to vector<16xf32>
      %parallel_loop3A_69 = arith.index_cast %parallel_loop3A_64 : i32 to index
      %parallel_loop3A_70 = arith.constant 0 : index
      %parallel_loop3A_71 = tpu.vector_load %arg10[%parallel_loop3A_69, %parallel_loop3A_70] {strides = array<i32>} : memref<80x64xf32, #tpu.memory_space<vmem>>, vector<1x16xf32>,
      %parallel_loop3A_72 = vector.shape_cast %parallel_loop3A_71 : vector<1x16xf32> to vector<16xf32>
      %parallel_loop3A_73 = arith.addf %parallel_loop3A_68, %parallel_loop3A_72 : vector<16xf32>
      %parallel_loop3A_74 = math.exp %parallel_loop3A_73 : vector<16xf32>
      %parallel_loop3A_75 = arith.constant 1.000000e+00 : f32
      %parallel_loop3A_76 = vector.broadcast %parallel_loop3A_75 : f32 to vector<16xf32>
      %parallel_loop3A_77 = arith.addf %parallel_loop3A_74, %parallel_loop3A_76 : vector<16xf32>
      %parallel_loop3A_78 = arith.constant 2.000000e+00 : f32
      %parallel_loop3A_79 = vector.broadcast %parallel_loop3A_78 : f32 to vector<16xf32>
      %parallel_loop3A_80 = arith.divf %parallel_loop3A_79, %parallel_loop3A_77 : vector<16xf32>
      %parallel_loop3A_81 = arith.constant 1.000000e+00 : f32
      %parallel_loop3A_82 = vector.broadcast %parallel_loop3A_81 : f32 to vector<16xf32>
      %parallel_loop3A_83 = arith.subf %parallel_loop3A_82, %parallel_loop3A_80 : vector<16xf32>
      %parallel_loop3A_84 = arith.index_cast %parallel_loop3A_64 : i32 to index
      %parallel_loop3A_85 = arith.constant 0 : index
      %parallel_loop3A_86 = tpu.vector_load %arg12[%parallel_loop3A_84, %parallel_loop3A_85] {strides = array<i32>} : memref<80x64xf32, #tpu.memory_space<vmem>>, vector<1x16xf32>,
      %parallel_loop3A_87 = vector.shape_cast %parallel_loop3A_86 : vector<1x16xf32> to vector<16xf32>
      %parallel_loop3A_88 = vector.shape_cast %parallel_loop3A_83 : vector<16xf32> to vector<1x16xf32>
      tpu.vector_store %arg12[%parallel_loop3A_84, %parallel_loop3A_85], %parallel_loop3A_88 {strides = array<i32>} : memref<80x64xf32, #tpu.memory_space<vmem>>, vector<1x16xf32>,
      %parallel_loop3A_89 = arith.index_cast %parallel_loop3A_64 : i32 to index
      %parallel_loop3A_90 = arith.constant 16 : index
      %parallel_loop3A_91 = tpu.vector_load %arg12[%parallel_loop3A_89, %parallel_loop3A_90] {strides = array<i32>} : memref<80x64xf32, #tpu.memory_space<vmem>>, vector<1x16xf32>,
      %parallel_loop3A_92 = vector.shape_cast %parallel_loop3A_91 : vector<1x16xf32> to vector<16xf32>
      %parallel_loop3A_93 = arith.index_cast %parallel_loop3A_64 : i32 to index
      %parallel_loop3A_94 = arith.constant 16 : index
      %parallel_loop3A_95 = tpu.vector_load %arg10[%parallel_loop3A_93, %parallel_loop3A_94] {strides = array<i32>} : memref<80x64xf32, #tpu.memory_space<vmem>>, vector<1x16xf32>,
      %parallel_loop3A_96 = vector.shape_cast %parallel_loop3A_95 : vector<1x16xf32> to vector<16xf32>
      %parallel_loop3A_97 = arith.addf %parallel_loop3A_92, %parallel_loop3A_96 : vector<16xf32>
      %parallel_loop3A_98 = math.exp %parallel_loop3A_97 : vector<16xf32>
      %parallel_loop3A_99 = arith.constant 1.000000e+00 : f32
      %parallel_loop3A_100 = vector.broadcast %parallel_loop3A_99 : f32 to vector<16xf32>
      %parallel_loop3A_101 = arith.addf %parallel_loop3A_98, %parallel_loop3A_100 : vector<16xf32>
      %parallel_loop3A_102 = arith.constant 2.000000e+00 : f32
      %parallel_loop3A_103 = vector.broadcast %parallel_loop3A_102 : f32 to vector<16xf32>
      %parallel_loop3A_104 = arith.divf %parallel_loop3A_103, %parallel_loop3A_101 : vector<16xf32>
      %parallel_loop3A_105 = arith.constant 1.000000e+00 : f32
      %parallel_loop3A_106 = vector.broadcast %parallel_loop3A_105 : f32 to vector<16xf32>
      %parallel_loop3A_107 = arith.subf %parallel_loop3A_106, %parallel_loop3A_104 : vector<16xf32>
      %parallel_loop3A_108 = arith.index_cast %parallel_loop3A_64 : i32 to index
      %parallel_loop3A_109 = arith.constant 16 : index
      %parallel_loop3A_110 = tpu.vector_load %arg12[%parallel_loop3A_108, %parallel_loop3A_109] {strides = array<i32>} : memref<80x64xf32, #tpu.memory_space<vmem>>, vector<1x16xf32>,
      %parallel_loop3A_111 = vector.shape_cast %parallel_loop3A_110 : vector<1x16xf32> to vector<16xf32>
      %parallel_loop3A_112 = vector.shape_cast %parallel_loop3A_107 : vector<16xf32> to vector<1x16xf32>
      tpu.vector_store %arg12[%parallel_loop3A_108, %parallel_loop3A_109], %parallel_loop3A_112 {strides = array<i32>} : memref<80x64xf32, #tpu.memory_space<vmem>>, vector<1x16xf32>,
      %parallel_loop3A_113 = arith.index_cast %parallel_loop3A_64 : i32 to index
      %parallel_loop3A_114 = arith.constant 32 : index
      %parallel_loop3A_115 = tpu.vector_load %arg12[%parallel_loop3A_113, %parallel_loop3A_114] {strides = array<i32>} : memref<80x64xf32, #tpu.memory_space<vmem>>, vector<1x16xf32>,
      %parallel_loop3A_116 = vector.shape_cast %parallel_loop3A_115 : vector<1x16xf32> to vector<16xf32>
      %parallel_loop3A_117 = arith.index_cast %parallel_loop3A_64 : i32 to index
      %parallel_loop3A_118 = arith.constant 32 : index
      %parallel_loop3A_119 = tpu.vector_load %arg10[%parallel_loop3A_117, %parallel_loop3A_118] {strides = array<i32>} : memref<80x64xf32, #tpu.memory_space<vmem>>, vector<1x16xf32>,
      %parallel_loop3A_120 = vector.shape_cast %parallel_loop3A_119 : vector<1x16xf32> to vector<16xf32>
      %parallel_loop3A_121 = arith.addf %parallel_loop3A_116, %parallel_loop3A_120 : vector<16xf32>
      %parallel_loop3A_122 = math.exp %parallel_loop3A_121 : vector<16xf32>
      %parallel_loop3A_123 = arith.constant 1.000000e+00 : f32
      %parallel_loop3A_124 = vector.broadcast %parallel_loop3A_123 : f32 to vector<16xf32>
      %parallel_loop3A_125 = arith.addf %parallel_loop3A_122, %parallel_loop3A_124 : vector<16xf32>
      %parallel_loop3A_126 = arith.constant 2.000000e+00 : f32
      %parallel_loop3A_127 = vector.broadcast %parallel_loop3A_126 : f32 to vector<16xf32>
      %parallel_loop3A_128 = arith.divf %parallel_loop3A_127, %parallel_loop3A_125 : vector<16xf32>
      %parallel_loop3A_129 = arith.constant 1.000000e+00 : f32
      %parallel_loop3A_130 = vector.broadcast %parallel_loop3A_129 : f32 to vector<16xf32>
      %parallel_loop3A_131 = arith.subf %parallel_loop3A_130, %parallel_loop3A_128 : vector<16xf32>
      %parallel_loop3A_132 = arith.index_cast %parallel_loop3A_64 : i32 to index
      %parallel_loop3A_133 = arith.constant 32 : index
      %parallel_loop3A_134 = tpu.vector_load %arg12[%parallel_loop3A_132, %parallel_loop3A_133] {strides = array<i32>} : memref<80x64xf32, #tpu.memory_space<vmem>>, vector<1x16xf32>,
      %parallel_loop3A_135 = vector.shape_cast %parallel_loop3A_134 : vector<1x16xf32> to vector<16xf32>
      %parallel_loop3A_136 = vector.shape_cast %parallel_loop3A_131 : vector<16xf32> to vector<1x16xf32>
      tpu.vector_store %arg12[%parallel_loop3A_132, %parallel_loop3A_133], %parallel_loop3A_136 {strides = array<i32>} : memref<80x64xf32, #tpu.memory_space<vmem>>, vector<1x16xf32>,
      %parallel_loop3A_137 = arith.index_cast %parallel_loop3A_64 : i32 to index
      %parallel_loop3A_138 = arith.constant 48 : index
      %parallel_loop3A_139 = tpu.vector_load %arg12[%parallel_loop3A_137, %parallel_loop3A_138] {strides = array<i32>} : memref<80x64xf32, #tpu.memory_space<vmem>>, vector<1x16xf32>,
      %parallel_loop3A_140 = vector.shape_cast %parallel_loop3A_139 : vector<1x16xf32> to vector<16xf32>
      %parallel_loop3A_141 = arith.index_cast %parallel_loop3A_64 : i32 to index
      %parallel_loop3A_142 = arith.constant 48 : index
      %parallel_loop3A_143 = tpu.vector_load %arg10[%parallel_loop3A_141, %parallel_loop3A_142] {strides = array<i32>} : memref<80x64xf32, #tpu.memory_space<vmem>>, vector<1x16xf32>,
      %parallel_loop3A_144 = vector.shape_cast %parallel_loop3A_143 : vector<1x16xf32> to vector<16xf32>
      %parallel_loop3A_145 = arith.addf %parallel_loop3A_140, %parallel_loop3A_144 : vector<16xf32>
      %parallel_loop3A_146 = math.exp %parallel_loop3A_145 : vector<16xf32>
      %parallel_loop3A_147 = arith.constant 1.000000e+00 : f32
      %parallel_loop3A_148 = vector.broadcast %parallel_loop3A_147 : f32 to vector<16xf32>
      %parallel_loop3A_149 = arith.addf %parallel_loop3A_146, %parallel_loop3A_148 : vector<16xf32>
      %parallel_loop3A_150 = arith.constant 2.000000e+00 : f32
      %parallel_loop3A_151 = vector.broadcast %parallel_loop3A_150 : f32 to vector<16xf32>
      %parallel_loop3A_152 = arith.divf %parallel_loop3A_151, %parallel_loop3A_149 : vector<16xf32>
      %parallel_loop3A_153 = arith.constant 1.000000e+00 : f32
      %parallel_loop3A_154 = vector.broadcast %parallel_loop3A_153 : f32 to vector<16xf32>
      %parallel_loop3A_155 = arith.subf %parallel_loop3A_154, %parallel_loop3A_152 : vector<16xf32>
      %parallel_loop3A_156 = arith.index_cast %parallel_loop3A_64 : i32 to index
      %parallel_loop3A_157 = arith.constant 48 : index
      %parallel_loop3A_158 = tpu.vector_load %arg12[%parallel_loop3A_156, %parallel_loop3A_157] {strides = array<i32>} : memref<80x64xf32, #tpu.memory_space<vmem>>, vector<1x16xf32>,
      %parallel_loop3A_159 = vector.shape_cast %parallel_loop3A_158 : vector<1x16xf32> to vector<16xf32>
      %parallel_loop3A_160 = vector.shape_cast %parallel_loop3A_155 : vector<16xf32> to vector<1x16xf32>
      tpu.vector_store %arg12[%parallel_loop3A_156, %parallel_loop3A_157], %parallel_loop3A_160 {strides = array<i32>} : memref<80x64xf32, #tpu.memory_space<vmem>>, vector<1x16xf32>,
    } {sc.loop_unroll_factor = 1 : i64, sc.parallel_access}
    %dma_start3A_38 = arith.constant 124 : i32
    %dma_start3A_39 = arith.constant 0 : i32
    %dma_start3A_40 = tpu.memref_slice %arg9[%dma_start3A_38, %dma_start3A_39] : memref<125x80xi32, #tpu.memory_space<vmem>> -> memref<1x80xi32, #tpu.memory_space<vmem>>
    %dma_start3A_41 = tpu.memref_squeeze %dma_start3A_40 : memref<1x80xi32, #tpu.memory_space<vmem>> -> memref<80xi32, #tpu.memory_space<vmem>>
    %dma_start3A_42 = arith.constant 0 : i32
    %dma_start3A_43 = arith.constant 0 : i32
    %dma_start3A_44 = tpu.memref_slice %arg14[%dma_start3A_42, %dma_start3A_43] : memref<10240x64xf32, #tpu.memory_space<vmem_shared>> -> memref<10240x64xf32, #tpu.memory_space<vmem_shared>>
    tpu.enqueue_indirect_dma source(%arg12 : memref<80x64xf32, #tpu.memory_space<vmem>>) target(%dma_start3A_44 : memref<10240x64xf32, #tpu.memory_space<vmem_shared>>) offsets(%dma_start3A_41 : memref<80xi32, #tpu.memory_space<vmem>>) semaphore(%arg19 : memref<!tpu.dma_semaphore, #tpu.memory_space<semaphore_mem>>) {add = true}
    %dma_wait3A_45 = arith.constant 123 : i32
    %dma_wait3A_46 = arith.constant 0 : i32
    %dma_wait3A_47 = tpu.memref_slice %arg9[%dma_wait3A_45, %dma_wait3A_46] : memref<125x80xi32, #tpu.memory_space<vmem>> -> memref<1x80xi32, #tpu.memory_space<vmem>>
    %dma_wait3A_48 = tpu.memref_squeeze %dma_wait3A_47 : memref<1x80xi32, #tpu.memory_space<vmem>> -> memref<80xi32, #tpu.memory_space<vmem>>
    %dma_wait3A_49 = arith.constant 0 : i32
    %dma_wait3A_50 = arith.constant 0 : i32
    %dma_wait3A_51 = tpu.memref_slice %arg14[%dma_wait3A_49, %dma_wait3A_50] : memref<10240x64xf32, #tpu.memory_space<vmem_shared>> -> memref<10240x64xf32, #tpu.memory_space<vmem_shared>>
    tpu.wait_indirect_dma semaphore(%arg20 : memref<!tpu.dma_semaphore, #tpu.memory_space<semaphore_mem>>) src(%arg13 : memref<80x64xf32, #tpu.memory_space<vmem>>) dst(%dma_wait3A_51 : memref<10240x64xf32, #tpu.memory_space<vmem_shared>>)
    %dma_wait3A_52 = arith.constant 124 : i32
    %dma_wait3A_53 = arith.constant 0 : i32
    %dma_wait3A_54 = tpu.memref_slice %arg9[%dma_wait3A_52, %dma_wait3A_53] : memref<125x80xi32, #tpu.memory_space<vmem>> -> memref<1x80xi32, #tpu.memory_space<vmem>>
    %dma_wait3A_55 = tpu.memref_squeeze %dma_wait3A_54 : memref<1x80xi32, #tpu.memory_space<vmem>> -> memref<80xi32, #tpu.memory_space<vmem>>
    %dma_wait3A_56 = arith.constant 0 : i32
    %dma_wait3A_57 = arith.constant 0 : i32
    %dma_wait3A_58 = tpu.memref_slice %arg14[%dma_wait3A_56, %dma_wait3A_57] : memref<10240x64xf32, #tpu.memory_space<vmem_shared>> -> memref<10240x64xf32, #tpu.memory_space<vmem_shared>>
    tpu.wait_indirect_dma semaphore(%arg19 : memref<!tpu.dma_semaphore, #tpu.memory_space<semaphore_mem>>) src(%arg12 : memref<80x64xf32, #tpu.memory_space<vmem>>) dst(%dma_wait3A_58 : memref<10240x64xf32, #tpu.memory_space<vmem_shared>>)
    %barrier3A_59 = arith.constant 0 : index
    tpu.barrier barrier_id(%barrier3A_59)
    %mul3A_60 = arith.constant 640 : i32
    %mul3A_61 = arith.muli %arg1, %mul3A_60 : i32
    %mul3A_62 = arith.constant 640 : i32
    %mul3A_63 = arith.muli %arg1, %mul3A_62 : i32
    "tpu.region"() ({
      %run_scoped3A = tpu.sem_alloc : memref<!tpu.dma_semaphore, #tpu.memory_space<semaphore_mem>>
      %dma_start3A_64 = arith.constant 0 : i32
      %dma_start3A_65 = tpu.memref_slice %arg7[%arg0, %mul3A_63, %dma_start3A_64] : memref<2x10240x64xf32, #tpu.memory_space<hbm>> -> memref<1x640x64xf32, #tpu.memory_space<hbm>>
      %dma_start3A_66 = tpu.memref_squeeze %dma_start3A_65 : memref<1x640x64xf32, #tpu.memory_space<hbm>> -> memref<640x64xf32, #tpu.memory_space<hbm>>
      %dma_start3A_67 = arith.constant 0 : i32
      %dma_start3A_68 = tpu.memref_slice %arg14[%mul3A_61, %dma_start3A_67] : memref<10240x64xf32, #tpu.memory_space<vmem_shared>> -> memref<640x64xf32, #tpu.memory_space<vmem_shared>>
      tpu.enqueue_dma source(%dma_start3A_68 : memref<640x64xf32, #tpu.memory_space<vmem_shared>>) target(%dma_start3A_66 : memref<640x64xf32, #tpu.memory_space<hbm>>) target_semaphore(%run_scoped3A : memref<!tpu.dma_semaphore, #tpu.memory_space<semaphore_mem>>)
      %dma_wait3A_69 = arith.constant 0 : i32
      %dma_wait3A_70 = tpu.memref_slice %arg7[%arg0, %mul3A_63, %dma_wait3A_69] : memref<2x10240x64xf32, #tpu.memory_space<hbm>> -> memref<1x640x64xf32, #tpu.memory_space<hbm>>
      %dma_wait3A_71 = tpu.memref_squeeze %dma_wait3A_70 : memref<1x640x64xf32, #tpu.memory_space<hbm>> -> memref<640x64xf32, #tpu.memory_space<hbm>>
      %dma_wait3A_72 = arith.constant 0 : i32
      %dma_wait3A_73 = tpu.memref_slice %arg14[%mul3A_61, %dma_wait3A_72] : memref<10240x64xf32, #tpu.memory_space<vmem_shared>> -> memref<640x64xf32, #tpu.memory_space<vmem_shared>>
      tpu.wait_dma2 semaphore(%run_scoped3A : memref<!tpu.dma_semaphore, #tpu.memory_space<semaphore_mem>>) src(%dma_wait3A_73 : memref<640x64xf32, #tpu.memory_space<vmem_shared>>) dst(%dma_wait3A_71 : memref<640x64xf32, #tpu.memory_space<hbm>>)
      tpu.yield
    }) : () -> ()
    return
  }
}

module attributes {stable_mosaic.version = 14 : i64} {
  func.func @_pre_body(%arg0: i32, %arg1: memref<8000x16xf32, #tpu.memory_space<vmem>>, %arg2: memref<16x64xf32, #tpu.memory_space<vmem>>, %arg3: memref<2000x128xf32, #tpu.memory_space<vmem>>, %arg4: memref<128x64xf32, #tpu.memory_space<vmem>>, %arg5: memref<1x64xf32, #tpu.memory_space<vmem>>, %arg6: memref<8000x64xf32, #tpu.memory_space<vmem>>, %arg7: memref<2000x64xf32, #tpu.memory_space<vmem>>) attributes {dimension_semantics = [#tpu.dimension_semantics<arbitrary>], iteration_bounds = array<i64: 40>, scalar_prefetch = 0 : i64, scratch_operands = 0 : i64, tpu.core_type = #tpu.core_type<tc>, window_params = [{transform_indices = @transform_0, window_bounds = array<i64: 8000, 16>}, {pipeline_mode = #tpu.pipeline_mode<synchronous>, transform_indices = @transform_1, window_bounds = array<i64: 16, 64>}, {transform_indices = @transform_2, window_bounds = array<i64: 2000, 128>}, {pipeline_mode = #tpu.pipeline_mode<synchronous>, transform_indices = @transform_3, window_bounds = array<i64: 128, 64>}, {pipeline_mode = #tpu.pipeline_mode<synchronous>, transform_indices = @transform_4, window_bounds = array<i64: 1, 64>}, {transform_indices = @transform_5, window_bounds = array<i64: 8000, 64>}, {transform_indices = @transform_6, window_bounds = array<i64: 2000, 64>}]} {
    %get3A = arith.constant 0 : index
    %get3A_0 = arith.constant 0 : index
    %get3A_1 = vector.load %arg1[%get3A, %get3A_0] : memref<8000x16xf32, #tpu.memory_space<vmem>>, vector<8000x16xf32>
    %get3A_2 = arith.constant 0 : index
    %get3A_3 = arith.constant 0 : index
    %get3A_4 = vector.load %arg2[%get3A_2, %get3A_3] : memref<16x64xf32, #tpu.memory_space<vmem>>, vector<16x64xf32>
    %dot_general3A = arith.constant dense<0.000000e+00> : vector<8000x64xf32>
    %dot_general3A_5 = tpu.matmul %get3A_1, %get3A_4, %dot_general3A {dimension_numbers = #tpu.dot_dimension_numbers<[1], [0], [0], [1], [0, 0, 1, 1], [], []>, transpose_lhs_hint = false} : vector<8000x16xf32>, vector<16x64xf32>, vector<8000x64xf32> -> vector<8000x64xf32>
    %swap3A = arith.constant 0 : index
    %swap3A_6 = arith.constant 0 : index
    %swap3A_7 = vector.load %arg6[%swap3A, %swap3A_6] : memref<8000x64xf32, #tpu.memory_space<vmem>>, vector<8000x64xf32>
    tpu.vector_store %arg6[%swap3A, %swap3A_6], %dot_general3A_5 {strides = array<i32>} : memref<8000x64xf32, #tpu.memory_space<vmem>>, vector<8000x64xf32>,
    %get3A_8 = arith.constant 0 : index
    %get3A_9 = arith.constant 0 : index
    %get3A_10 = vector.load %arg3[%get3A_8, %get3A_9] : memref<2000x128xf32, #tpu.memory_space<vmem>>, vector<2000x128xf32>
    %get3A_11 = arith.constant 0 : index
    %get3A_12 = arith.constant 0 : index
    %get3A_13 = vector.load %arg4[%get3A_11, %get3A_12] : memref<128x64xf32, #tpu.memory_space<vmem>>, vector<128x64xf32>
    %dot_general3A_14 = arith.constant dense<0.000000e+00> : vector<2000x64xf32>
    %dot_general3A_15 = tpu.matmul %get3A_10, %get3A_13, %dot_general3A_14 {dimension_numbers = #tpu.dot_dimension_numbers<[1], [0], [0], [1], [0, 0, 1, 1], [], []>, transpose_lhs_hint = false} : vector<2000x128xf32>, vector<128x64xf32>, vector<2000x64xf32> -> vector<2000x64xf32>
    %get3A_16 = arith.constant 0 : index
    %get3A_17 = arith.constant 0 : index
    %get3A_18 = vector.load %arg5[%get3A_16, %get3A_17] : memref<1x64xf32, #tpu.memory_space<vmem>>, vector<1x64xf32>
    %add3A = vector.broadcast %get3A_18 : vector<1x64xf32> to vector<2000x64xf32>
    %add3A_19 = arith.addf %dot_general3A_15, %add3A : vector<2000x64xf32>
    %swap3A_20 = arith.constant 0 : index
    %swap3A_21 = arith.constant 0 : index
    %swap3A_22 = vector.load %arg7[%swap3A_20, %swap3A_21] : memref<2000x64xf32, #tpu.memory_space<vmem>>, vector<2000x64xf32>
    tpu.vector_store %arg7[%swap3A_20, %swap3A_21], %add3A_19 {strides = array<i32>} : memref<2000x64xf32, #tpu.memory_space<vmem>>, vector<2000x64xf32>,
    return
  }
  func.func @transform_0(%arg0: i32) -> (i32, i32) {
    %c0_i32 = arith.constant 0 : i32
    %c0_i32_0 = arith.constant 0 : i32
    return %arg0, %c0_i32 : i32, i32
  }
  func.func @transform_1(%arg0: i32) -> (i32, i32) {
    %c0_i32 = arith.constant 0 : i32
    %c0_i32_0 = arith.constant 0 : i32
    %c0_i32_1 = arith.constant 0 : i32
    return %c0_i32, %c0_i32_0 : i32, i32
  }
  func.func @transform_2(%arg0: i32) -> (i32, i32) {
    %min3A = arith.constant 4 : i32
    %min3A_0 = arith.minsi %arg0, %min3A : i32
    %c0_i32 = arith.constant 0 : i32
    %c0_i32_1 = arith.constant 0 : i32
    return %min3A_0, %c0_i32 : i32, i32
  }
  func.func @transform_3(%arg0: i32) -> (i32, i32) {
    %c0_i32 = arith.constant 0 : i32
    %c0_i32_0 = arith.constant 0 : i32
    %c0_i32_1 = arith.constant 0 : i32
    return %c0_i32, %c0_i32_0 : i32, i32
  }
  func.func @transform_4(%arg0: i32) -> (i32, i32) {
    %c0_i32 = arith.constant 0 : i32
    %c0_i32_0 = arith.constant 0 : i32
    %c0_i32_1 = arith.constant 0 : i32
    return %c0_i32, %c0_i32_0 : i32, i32
  }
  func.func @transform_5(%arg0: i32) -> (i32, i32) {
    %c0_i32 = arith.constant 0 : i32
    %c0_i32_0 = arith.constant 0 : i32
    return %arg0, %c0_i32 : i32, i32
  }
  func.func @transform_6(%arg0: i32) -> (i32, i32) {
    %min3A = arith.constant 4 : i32
    %min3A_0 = arith.minsi %arg0, %min3A : i32
    %c0_i32 = arith.constant 0 : i32
    %c0_i32_1 = arith.constant 0 : i32
    return %min3A_0, %c0_i32 : i32, i32
  }
}

module attributes {stable_mosaic.version = 14 : i64} {
  func.func @_ew2_body(%arg0: i32, %arg1: memref<8000x16xf32, #tpu.memory_space<vmem>>, %arg2: memref<16x64xf32, #tpu.memory_space<vmem>>, %arg3: memref<8000x64xf32, #tpu.memory_space<vmem>>) attributes {dimension_semantics = [#tpu.dimension_semantics<arbitrary>], iteration_bounds = array<i64: 40>, scalar_prefetch = 0 : i64, scratch_operands = 0 : i64, tpu.core_type = #tpu.core_type<tc>, window_params = [{transform_indices = @transform_0, window_bounds = array<i64: 8000, 16>}, {pipeline_mode = #tpu.pipeline_mode<synchronous>, transform_indices = @transform_1, window_bounds = array<i64: 16, 64>}, {transform_indices = @transform_2, window_bounds = array<i64: 8000, 64>}]} {
    %get3A = arith.constant 0 : index
    %get3A_0 = arith.constant 0 : index
    %get3A_1 = vector.load %arg1[%get3A, %get3A_0] : memref<8000x16xf32, #tpu.memory_space<vmem>>, vector<8000x16xf32>
    %get3A_2 = arith.constant 0 : index
    %get3A_3 = arith.constant 0 : index
    %get3A_4 = vector.load %arg2[%get3A_2, %get3A_3] : memref<16x64xf32, #tpu.memory_space<vmem>>, vector<16x64xf32>
    %dot_general3A = arith.constant dense<0.000000e+00> : vector<8000x64xf32>
    %dot_general3A_5 = tpu.matmul %get3A_1, %get3A_4, %dot_general3A {dimension_numbers = #tpu.dot_dimension_numbers<[1], [0], [0], [1], [0, 0, 1, 1], [], []>, transpose_lhs_hint = false} : vector<8000x16xf32>, vector<16x64xf32>, vector<8000x64xf32> -> vector<8000x64xf32>
    %swap3A = arith.constant 0 : index
    %swap3A_6 = arith.constant 0 : index
    %swap3A_7 = vector.load %arg3[%swap3A, %swap3A_6] : memref<8000x64xf32, #tpu.memory_space<vmem>>, vector<8000x64xf32>
    tpu.vector_store %arg3[%swap3A, %swap3A_6], %dot_general3A_5 {strides = array<i32>} : memref<8000x64xf32, #tpu.memory_space<vmem>>, vector<8000x64xf32>,
    return
  }
  func.func @transform_0(%arg0: i32) -> (i32, i32) {
    %c0_i32 = arith.constant 0 : i32
    %c0_i32_0 = arith.constant 0 : i32
    return %arg0, %c0_i32 : i32, i32
  }
  func.func @transform_1(%arg0: i32) -> (i32, i32) {
    %c0_i32 = arith.constant 0 : i32
    %c0_i32_0 = arith.constant 0 : i32
    %c0_i32_1 = arith.constant 0 : i32
    return %c0_i32, %c0_i32_0 : i32, i32
  }
  func.func @transform_2(%arg0: i32) -> (i32, i32) {
    %c0_i32 = arith.constant 0 : i32
    %c0_i32_0 = arith.constant 0 : i32
    return %arg0, %c0_i32 : i32, i32
  }
}

module attributes {stable_mosaic.version = 14 : i64} {
  func.func @_h1_body(%arg0: i32, %arg1: memref<2000x128xf32, #tpu.memory_space<vmem>>, %arg2: memref<2x2000x64xf32, #tpu.memory_space<vmem>>, %arg3: memref<128x64xf32, #tpu.memory_space<vmem>>, %arg4: memref<64x64xf32, #tpu.memory_space<vmem>>, %arg5: memref<1x64xf32, #tpu.memory_space<vmem>>, %arg6: memref<64x64xf32, #tpu.memory_space<vmem>>, %arg7: memref<1x64xf32, #tpu.memory_space<vmem>>, %arg8: memref<2000x64xf32, #tpu.memory_space<vmem>>, %arg9: memref<2000x64xf32, #tpu.memory_space<vmem>>) attributes {dimension_semantics = [#tpu.dimension_semantics<arbitrary>], iteration_bounds = array<i64: 5>, scalar_prefetch = 0 : i64, scratch_operands = 0 : i64, tpu.core_type = #tpu.core_type<tc>, window_params = [{transform_indices = @transform_0, window_bounds = array<i64: 2000, 128>}, {transform_indices = @transform_1, window_bounds = array<i64: 2, 2000, 64>}, {pipeline_mode = #tpu.pipeline_mode<synchronous>, transform_indices = @transform_2, window_bounds = array<i64: 128, 64>}, {pipeline_mode = #tpu.pipeline_mode<synchronous>, transform_indices = @transform_3, window_bounds = array<i64: 64, 64>}, {pipeline_mode = #tpu.pipeline_mode<synchronous>, transform_indices = @transform_4, window_bounds = array<i64: 1, 64>}, {pipeline_mode = #tpu.pipeline_mode<synchronous>, transform_indices = @transform_5, window_bounds = array<i64: 64, 64>}, {pipeline_mode = #tpu.pipeline_mode<synchronous>, transform_indices = @transform_6, window_bounds = array<i64: 1, 64>}, {transform_indices = @transform_7, window_bounds = array<i64: 2000, 64>}, {transform_indices = @transform_8, window_bounds = array<i64: 2000, 64>}]} {
    %get3A = arith.constant 0 : index
    %get3A_0 = arith.constant 0 : index
    %get3A_1 = arith.constant 0 : index
    %get3A_2 = vector.load %arg2[%get3A, %get3A_0, %get3A_1] : memref<2x2000x64xf32, #tpu.memory_space<vmem>>, vector<1x2000x64xf32>
    %get3A_3 = vector.shape_cast %get3A_2 : vector<1x2000x64xf32> to vector<2000x64xf32>
    %get3A_4 = arith.constant 1 : index
    %get3A_5 = arith.constant 0 : index
    %get3A_6 = arith.constant 0 : index
    %get3A_7 = vector.load %arg2[%get3A_4, %get3A_5, %get3A_6] : memref<2x2000x64xf32, #tpu.memory_space<vmem>>, vector<1x2000x64xf32>
    %get3A_8 = vector.shape_cast %get3A_7 : vector<1x2000x64xf32> to vector<2000x64xf32>
    %add3A = arith.addf %get3A_3, %get3A_8 : vector<2000x64xf32>
    %get3A_9 = arith.constant 0 : index
    %get3A_10 = arith.constant 0 : index
    %get3A_11 = vector.load %arg1[%get3A_9, %get3A_10] : memref<2000x128xf32, #tpu.memory_space<vmem>>, vector<2000x128xf32>
    %get3A_12 = arith.constant 0 : index
    %get3A_13 = arith.constant 0 : index
    %get3A_14 = vector.load %arg3[%get3A_12, %get3A_13] : memref<128x64xf32, #tpu.memory_space<vmem>>, vector<128x64xf32>
    %dot_general3A = arith.constant dense<0.000000e+00> : vector<2000x64xf32>
    %dot_general3A_15 = tpu.matmul %get3A_11, %get3A_14, %dot_general3A {dimension_numbers = #tpu.dot_dimension_numbers<[1], [0], [0], [1], [0, 0, 1, 1], [], []>, transpose_lhs_hint = false} : vector<2000x128xf32>, vector<128x64xf32>, vector<2000x64xf32> -> vector<2000x64xf32>
    %get3A_16 = arith.constant 0 : index
    %get3A_17 = arith.constant 0 : index
    %get3A_18 = vector.load %arg4[%get3A_16, %get3A_17] : memref<64x64xf32, #tpu.memory_space<vmem>>, vector<64x64xf32>
    %dot_general3A_19 = arith.constant dense<0.000000e+00> : vector<2000x64xf32>
    %dot_general3A_20 = tpu.matmul %add3A, %get3A_18, %dot_general3A_19 {dimension_numbers = #tpu.dot_dimension_numbers<[1], [0], [0], [1], [0, 0, 1, 1], [], []>, transpose_lhs_hint = false} : vector<2000x64xf32>, vector<64x64xf32>, vector<2000x64xf32> -> vector<2000x64xf32>
    %add3A_21 = arith.addf %dot_general3A_15, %dot_general3A_20 : vector<2000x64xf32>
    %get3A_22 = arith.constant 0 : index
    %get3A_23 = arith.constant 0 : index
    %get3A_24 = vector.load %arg5[%get3A_22, %get3A_23] : memref<1x64xf32, #tpu.memory_space<vmem>>, vector<1x64xf32>
    %add3A_25 = vector.broadcast %get3A_24 : vector<1x64xf32> to vector<2000x64xf32>
    %add3A_26 = arith.addf %add3A_21, %add3A_25 : vector<2000x64xf32>
    %tanh3A = math.tanh %add3A_26 : vector<2000x64xf32>
    %swap3A = arith.constant 0 : index
    %swap3A_27 = arith.constant 0 : index
    %swap3A_28 = vector.load %arg8[%swap3A, %swap3A_27] : memref<2000x64xf32, #tpu.memory_space<vmem>>, vector<2000x64xf32>
    tpu.vector_store %arg8[%swap3A, %swap3A_27], %tanh3A {strides = array<i32>} : memref<2000x64xf32, #tpu.memory_space<vmem>>, vector<2000x64xf32>,
    %get3A_29 = arith.constant 0 : index
    %get3A_30 = arith.constant 0 : index
    %get3A_31 = vector.load %arg6[%get3A_29, %get3A_30] : memref<64x64xf32, #tpu.memory_space<vmem>>, vector<64x64xf32>
    %dot_general3A_32 = arith.constant dense<0.000000e+00> : vector<2000x64xf32>
    %dot_general3A_33 = tpu.matmul %tanh3A, %get3A_31, %dot_general3A_32 {dimension_numbers = #tpu.dot_dimension_numbers<[1], [0], [0], [1], [0, 0, 1, 1], [], []>, transpose_lhs_hint = false} : vector<2000x64xf32>, vector<64x64xf32>, vector<2000x64xf32> -> vector<2000x64xf32>
    %get3A_34 = arith.constant 0 : index
    %get3A_35 = arith.constant 0 : index
    %get3A_36 = vector.load %arg7[%get3A_34, %get3A_35] : memref<1x64xf32, #tpu.memory_space<vmem>>, vector<1x64xf32>
    %add3A_37 = vector.broadcast %get3A_36 : vector<1x64xf32> to vector<2000x64xf32>
    %add3A_38 = arith.addf %dot_general3A_33, %add3A_37 : vector<2000x64xf32>
    %swap3A_39 = arith.constant 0 : index
    %swap3A_40 = arith.constant 0 : index
    %swap3A_41 = vector.load %arg9[%swap3A_39, %swap3A_40] : memref<2000x64xf32, #tpu.memory_space<vmem>>, vector<2000x64xf32>
    tpu.vector_store %arg9[%swap3A_39, %swap3A_40], %add3A_38 {strides = array<i32>} : memref<2000x64xf32, #tpu.memory_space<vmem>>, vector<2000x64xf32>,
    return
  }
  func.func @transform_0(%arg0: i32) -> (i32, i32) {
    %c0_i32 = arith.constant 0 : i32
    %c0_i32_0 = arith.constant 0 : i32
    return %arg0, %c0_i32 : i32, i32
  }
  func.func @transform_1(%arg0: i32) -> (i32, i32, i32) {
    %c0_i32 = arith.constant 0 : i32
    %c0_i32_0 = arith.constant 0 : i32
    %c0_i32_1 = arith.constant 0 : i32
    return %c0_i32, %arg0, %c0_i32_0 : i32, i32, i32
  }
  func.func @transform_2(%arg0: i32) -> (i32, i32) {
    %c0_i32 = arith.constant 0 : i32
    %c0_i32_0 = arith.constant 0 : i32
    %c0_i32_1 = arith.constant 0 : i32
    return %c0_i32, %c0_i32_0 : i32, i32
  }
  func.func @transform_3(%arg0: i32) -> (i32, i32) {
    %c0_i32 = arith.constant 0 : i32
    %c0_i32_0 = arith.constant 0 : i32
    %c0_i32_1 = arith.constant 0 : i32
    return %c0_i32, %c0_i32_0 : i32, i32
  }
  func.func @transform_4(%arg0: i32) -> (i32, i32) {
    %c0_i32 = arith.constant 0 : i32
    %c0_i32_0 = arith.constant 0 : i32
    %c0_i32_1 = arith.constant 0 : i32
    return %c0_i32, %c0_i32_0 : i32, i32
  }
  func.func @transform_5(%arg0: i32) -> (i32, i32) {
    %c0_i32 = arith.constant 0 : i32
    %c0_i32_0 = arith.constant 0 : i32
    %c0_i32_1 = arith.constant 0 : i32
    return %c0_i32, %c0_i32_0 : i32, i32
  }
  func.func @transform_6(%arg0: i32) -> (i32, i32) {
    %c0_i32 = arith.constant 0 : i32
    %c0_i32_0 = arith.constant 0 : i32
    %c0_i32_1 = arith.constant 0 : i32
    return %c0_i32, %c0_i32_0 : i32, i32
  }
  func.func @transform_7(%arg0: i32) -> (i32, i32) {
    %c0_i32 = arith.constant 0 : i32
    %c0_i32_0 = arith.constant 0 : i32
    return %arg0, %c0_i32 : i32, i32
  }
  func.func @transform_8(%arg0: i32) -> (i32, i32) {
    %c0_i32 = arith.constant 0 : i32
    %c0_i32_0 = arith.constant 0 : i32
    return %arg0, %c0_i32 : i32, i32
  }
}

module attributes {stable_mosaic.version = 14 : i64} {
  func.func @_out_body(%arg0: i32, %arg1: memref<2000x64xf32, #tpu.memory_space<vmem>>, %arg2: memref<2x2000x64xf32, #tpu.memory_space<vmem>>, %arg3: memref<64x64xf32, #tpu.memory_space<vmem>>, %arg4: memref<64x64xf32, #tpu.memory_space<vmem>>, %arg5: memref<1x64xf32, #tpu.memory_space<vmem>>, %arg6: memref<64x1xf32, #tpu.memory_space<vmem>>, %arg7: memref<1x1xf32, #tpu.memory_space<vmem>>, %arg8: memref<2000x1xf32, #tpu.memory_space<vmem>>) attributes {dimension_semantics = [#tpu.dimension_semantics<arbitrary>], iteration_bounds = array<i64: 5>, scalar_prefetch = 0 : i64, scratch_operands = 0 : i64, tpu.core_type = #tpu.core_type<tc>, window_params = [{transform_indices = @transform_0, window_bounds = array<i64: 2000, 64>}, {transform_indices = @transform_1, window_bounds = array<i64: 2, 2000, 64>}, {pipeline_mode = #tpu.pipeline_mode<synchronous>, transform_indices = @transform_2, window_bounds = array<i64: 64, 64>}, {pipeline_mode = #tpu.pipeline_mode<synchronous>, transform_indices = @transform_3, window_bounds = array<i64: 64, 64>}, {pipeline_mode = #tpu.pipeline_mode<synchronous>, transform_indices = @transform_4, window_bounds = array<i64: 1, 64>}, {pipeline_mode = #tpu.pipeline_mode<synchronous>, transform_indices = @transform_5, window_bounds = array<i64: 64, 1>}, {pipeline_mode = #tpu.pipeline_mode<synchronous>, transform_indices = @transform_6, window_bounds = array<i64: 1, 1>}, {transform_indices = @transform_7, window_bounds = array<i64: 2000, 1>}]} {
    %get3A = arith.constant 0 : index
    %get3A_0 = arith.constant 0 : index
    %get3A_1 = arith.constant 0 : index
    %get3A_2 = vector.load %arg2[%get3A, %get3A_0, %get3A_1] : memref<2x2000x64xf32, #tpu.memory_space<vmem>>, vector<1x2000x64xf32>
    %get3A_3 = vector.shape_cast %get3A_2 : vector<1x2000x64xf32> to vector<2000x64xf32>
    %get3A_4 = arith.constant 1 : index
    %get3A_5 = arith.constant 0 : index
    %get3A_6 = arith.constant 0 : index
    %get3A_7 = vector.load %arg2[%get3A_4, %get3A_5, %get3A_6] : memref<2x2000x64xf32, #tpu.memory_space<vmem>>, vector<1x2000x64xf32>
    %get3A_8 = vector.shape_cast %get3A_7 : vector<1x2000x64xf32> to vector<2000x64xf32>
    %add3A = arith.addf %get3A_3, %get3A_8 : vector<2000x64xf32>
    %get3A_9 = arith.constant 0 : index
    %get3A_10 = arith.constant 0 : index
    %get3A_11 = vector.load %arg1[%get3A_9, %get3A_10] : memref<2000x64xf32, #tpu.memory_space<vmem>>, vector<2000x64xf32>
    %get3A_12 = arith.constant 0 : index
    %get3A_13 = arith.constant 0 : index
    %get3A_14 = vector.load %arg3[%get3A_12, %get3A_13] : memref<64x64xf32, #tpu.memory_space<vmem>>, vector<64x64xf32>
    %dot_general3A = arith.constant dense<0.000000e+00> : vector<2000x64xf32>
    %dot_general3A_15 = tpu.matmul %get3A_11, %get3A_14, %dot_general3A {dimension_numbers = #tpu.dot_dimension_numbers<[1], [0], [0], [1], [0, 0, 1, 1], [], []>, transpose_lhs_hint = false} : vector<2000x64xf32>, vector<64x64xf32>, vector<2000x64xf32> -> vector<2000x64xf32>
    %get3A_16 = arith.constant 0 : index
    %get3A_17 = arith.constant 0 : index
    %get3A_18 = vector.load %arg4[%get3A_16, %get3A_17] : memref<64x64xf32, #tpu.memory_space<vmem>>, vector<64x64xf32>
    %dot_general3A_19 = arith.constant dense<0.000000e+00> : vector<2000x64xf32>
    %dot_general3A_20 = tpu.matmul %add3A, %get3A_18, %dot_general3A_19 {dimension_numbers = #tpu.dot_dimension_numbers<[1], [0], [0], [1], [0, 0, 1, 1], [], []>, transpose_lhs_hint = false} : vector<2000x64xf32>, vector<64x64xf32>, vector<2000x64xf32> -> vector<2000x64xf32>
    %add3A_21 = arith.addf %dot_general3A_15, %dot_general3A_20 : vector<2000x64xf32>
    %get3A_22 = arith.constant 0 : index
    %get3A_23 = arith.constant 0 : index
    %get3A_24 = vector.load %arg5[%get3A_22, %get3A_23] : memref<1x64xf32, #tpu.memory_space<vmem>>, vector<1x64xf32>
    %add3A_25 = vector.broadcast %get3A_24 : vector<1x64xf32> to vector<2000x64xf32>
    %add3A_26 = arith.addf %add3A_21, %add3A_25 : vector<2000x64xf32>
    %tanh3A = math.tanh %add3A_26 : vector<2000x64xf32>
    %get3A_27 = arith.constant 0 : index
    %get3A_28 = arith.constant 0 : index
    %get3A_29 = vector.load %arg6[%get3A_27, %get3A_28] : memref<64x1xf32, #tpu.memory_space<vmem>>, vector<64x1xf32>
    %dot_general3A_30 = arith.constant dense<0.000000e+00> : vector<2000x1xf32>
    %dot_general3A_31 = tpu.matmul %tanh3A, %get3A_29, %dot_general3A_30 {dimension_numbers = #tpu.dot_dimension_numbers<[1], [0], [0], [1], [0, 0, 1, 1], [], []>, transpose_lhs_hint = false} : vector<2000x64xf32>, vector<64x1xf32>, vector<2000x1xf32> -> vector<2000x1xf32>
    %get3A_32 = arith.constant 0 : index
    %get3A_33 = arith.constant 0 : index
    %get3A_34 = vector.load %arg7[%get3A_32, %get3A_33] : memref<1x1xf32, #tpu.memory_space<vmem>>, vector<1x1xf32>
    %add3A_35 = vector.broadcast %get3A_34 : vector<1x1xf32> to vector<2000x1xf32>
    %add3A_36 = arith.addf %dot_general3A_31, %add3A_35 : vector<2000x1xf32>
    %swap3A = arith.constant 0 : index
    %swap3A_37 = arith.constant 0 : index
    %swap3A_38 = vector.load %arg8[%swap3A, %swap3A_37] : memref<2000x1xf32, #tpu.memory_space<vmem>>, vector<2000x1xf32>
    tpu.vector_store %arg8[%swap3A, %swap3A_37], %add3A_36 {strides = array<i32>} : memref<2000x1xf32, #tpu.memory_space<vmem>>, vector<2000x1xf32>,
    return
  }
  func.func @transform_0(%arg0: i32) -> (i32, i32) {
    %c0_i32 = arith.constant 0 : i32
    %c0_i32_0 = arith.constant 0 : i32
    return %arg0, %c0_i32 : i32, i32
  }
  func.func @transform_1(%arg0: i32) -> (i32, i32, i32) {
    %c0_i32 = arith.constant 0 : i32
    %c0_i32_0 = arith.constant 0 : i32
    %c0_i32_1 = arith.constant 0 : i32
    return %c0_i32, %arg0, %c0_i32_0 : i32, i32, i32
  }
  func.func @transform_2(%arg0: i32) -> (i32, i32) {
    %c0_i32 = arith.constant 0 : i32
    %c0_i32_0 = arith.constant 0 : i32
    %c0_i32_1 = arith.constant 0 : i32
    return %c0_i32, %c0_i32_0 : i32, i32
  }
  func.func @transform_3(%arg0: i32) -> (i32, i32) {
    %c0_i32 = arith.constant 0 : i32
    %c0_i32_0 = arith.constant 0 : i32
    %c0_i32_1 = arith.constant 0 : i32
    return %c0_i32, %c0_i32_0 : i32, i32
  }
  func.func @transform_4(%arg0: i32) -> (i32, i32) {
    %c0_i32 = arith.constant 0 : i32
    %c0_i32_0 = arith.constant 0 : i32
    %c0_i32_1 = arith.constant 0 : i32
    return %c0_i32, %c0_i32_0 : i32, i32
  }
  func.func @transform_5(%arg0: i32) -> (i32, i32) {
    %c0_i32 = arith.constant 0 : i32
    %c0_i32_0 = arith.constant 0 : i32
    %c0_i32_1 = arith.constant 0 : i32
    return %c0_i32, %c0_i32_0 : i32, i32
  }
  func.func @transform_6(%arg0: i32) -> (i32, i32) {
    %c0_i32 = arith.constant 0 : i32
    %c0_i32_0 = arith.constant 0 : i32
    %c0_i32_1 = arith.constant 0 : i32
    return %c0_i32, %c0_i32_0 : i32, i32
  }
  func.func @transform_7(%arg0: i32) -> (i32, i32) {
    %c0_i32 = arith.constant 0 : i32
    %c0_i32_0 = arith.constant 0 : i32
    return %arg0, %c0_i32 : i32, i32
  }
}

</mosaic_0001>

<sc_bundles>
// kernel: kernel.11.cloned.1.call-start
scs
__scs_entry_jumppad:
0x0: {  	(pc) =	sbr.rel $0x88, $3  }
0x1: {  	(tag) =	ssettag $0x0;
	lr =	simm.s32 $0x1  }
0x2: {  	[smem:$0x3F94] =	sst lr;
	_ =	strace $0xD0000000  }
0x3: {  	_ = 	snop  }
0x4: {  	_ = 	snop  }
0x5: {  	_ = 	snop  }
0x6: {  	_ = 	snop  }
0x7: {  	_ = 	snop  }
__scs_overlays_trampoline_lowered:
0x8: {  	[smem:$0x3FA3] =	sst s0  }
0x9: {  	[smem:$0x3FA4] =	sst s1  }
0xa: {  	[smem:$0x3FA5] =	sst s2  }
0xb: {  	[smem:$0x3FA6] =	sst s3  }
0xc: {  	[smem:$0x3FA7] =	sst s4  }
0xd: {  	[smem:$0x3FA8] =	sst s5  }
0xe: {  	[smem:$0x3FA9] =	sst s6  }
0xf: {  	[smem:$0x3FAA] =	sst s7  }
0x10: {  	[smem:$0x3FAB] =	sst s8  }
0x11: {  	[smem:$0x3FAC] =	sst s9;
	s0 =	simm.s32 @!p0 $0x0  }
0x12: {  	s1 =	sld [smem:$0x3F92];
	s0 =	simm.s32 @p0 $0x1  }
0x13: {  	[smem:$0x3FAD] =	sst s0;
	s0 =	simm.s32 @!p1 $0x0  }
0x14: {  	s2 =	sld [smem:$0x3F91];
	s0 =	simm.s32 @p1 $0x1  }
0x15: {  	[smem:$0x3FAE] =	sst s0;
	s0 =	simm.s32 @!p2 $0x0  }
0x16: {  	s3 =	sld [smem:$0x3FDB];
	s0 =	simm.s32 @p2 $0x1  }
0x17: {  	s4 =	simm.s32 $0x1BF5;
	[smem:$0x3FB0] =	sst s0  }
0x18: {  	s0 =	sld [smem:$0x3F93];
	_ =	swait.ge [sflag:s4], $0x0  }
0x19: {  	s7 =	sld [smem:$0x3F94]  }
0x1a: {  	s8 =	sadd.s32 $0xFFFFE003, lr  }
0x1b: {  	s9 =	sadd.s32 $0xFFFFFEF7, lr;
	s5 =	simm.s32 $0xFFFFFFFF;
	p2 =	slt.u32 s8, $0xFFFFF086  }
0x1c: {  	p1 =	slt.u32 s9, $0xF7A;
	s5 =	simm.s32 @!p2 $0x0  }
0x1d: {  	s5 =	simm.s32 @p1 $0x1;
	p0 =	seq.s32 s7, s2  }
0x1e: {  	s7 =	smul.u32 @!p0 $0xF7A, s2;
	p2 =	seq.s32 @!p0 s5, $0x0  }
0x1f: {  	s9 =	smul.u32 $0xF7A, s1;
	s8 =	simm.s32 @!p0 $0x1BF5;
	p2 =	por !p2, p0  }
0x20: {  	[sflag:s8] =	ssyncset.s32 @!p0 $0xFFFFF086;
	s6 =	sadd.s32 @!p0 s3, s7;
	s7 =	simm.s32 @!p0 $0x108  }
0x21: {  	s3 =	sadd.s32 s3, s9;
	s6 =	sadd.s32 @!p0 $0x88, s6;
	s7 =	simm.s32 @p2 $0x1082  }
0x22: {  	[simem:s7], [sflag:s8] =	dma.local @!p0 [hbm:s6], $0xF7A  }
0x23: {  	s9 =	sor.u32 $0xD0000000, s2;
	s6 =	simm.s32 $0x108;
	_ =	swait.ge @!p0 [sflag:s8], $0x0  }
0x24: {  	s3 =	sadd.s32 $0x88, s3;
	s6 =	simm.s32 @!p1 $0x1082;
	[sflag:s4] =	ssyncset.s32 $0xFFFFF086  }
0x25: {  	[simem:s6], [sflag:s4] =	dma.local [hbm:s3], $0xF7A  }
0x26: {  	[smem:$0x3F94] =	sst s1;
	(tag) =	ssettag s2;
	_ =	strace s9  }
0x27: {  	s1 =	sld [smem:$0x3FA4]  }
0x28: {  	s2 =	sld [smem:$0x3FA5]  }
0x29: {  	s4 =	sld [smem:$0x3FA7]  }
0x2a: {  	p0 =	seq.s32 s5, $0x0;
	s5 =	sld [smem:$0x3FA8]  }
0x2b: {  	s6 =	sld [smem:$0x3FA9]  }
0x2c: {  	s7 =	sld [smem:$0x3FAA]  }
0x2d: {  	s3 =	simm.s32 $0x108;
	s8 =	sld [smem:$0x3FAB]  }
0x2e: {  	s3 =	simm.s32 @!p0 $0x1082;
	s9 =	sld [smem:$0x3FAC]  }
0x2f: {  	lr =	sadd.s32 s0, s3;
	s0 =	sld [smem:$0x3FA3]  }
0x30: {  	s3 =	sld [smem:$0x3FA6]  }
0x31: {  	[smem:$0x3FAF] =	sst s10  }
0x32: {  	s10 =	sld [smem:$0x3FAD];
	_ =	sdelay $0x3  }
0x33: {  	p0 =	seq.s32 s10, $0x1;
	s10 =	sld [smem:$0x3FAF];
	_ =	sdelay $0x3  }
0x34: {  	[smem:$0x3FAF] =	sst s10  }
0x35: {  	s10 =	sld [smem:$0x3FAE];
	_ =	sdelay $0x3  }
0x36: {  	p1 =	seq.s32 s10, $0x1;
	s10 =	sld [smem:$0x3FAF];
	_ =	sdelay $0x3  }
0x37: {  	[smem:$0x3FAF] =	sst s10  }
0x38: {  	s10 =	sld [smem:$0x3FB0]  }
0x39: {  	_ = 	snop;
	(pc) =	sbr.ind lr, $3  }
0x3a: {  	_ = 	snop  }
0x3b: {  	_ = 	snop  }
0x3c: {  	p2 =	seq.s32 s10, $0x1;
	s10 =	sld [smem:$0x3FAF]  }
0x3d: {  	_ =	shalt  }
0x3e: {  	_ =	shalt  }
0x3f: {  	_ =	shalt  }
0x40: {  	_ =	shalt  }
0x41: {  	_ =	shalt  }
0x42: {  	_ =	shalt  }
0x43: {  	_ =	shalt  }
0x44: {  	_ =	shalt  }
0x45: {  	_ =	shalt  }
0x46: {  	_ =	shalt  }
0x47: {  	_ =	shalt  }
0x48: {  	_ =	shalt  }
0x49: {  	_ =	shalt  }
0x4a: {  	_ =	shalt  }
0x4b: {  	_ =	shalt  }
0x4c: {  	_ =	shalt  }
0x4d: {  	_ =	shalt  }
0x4e: {  	_ =	shalt  }
0x4f: {  	_ =	shalt  }
0x50: {  	_ =	shalt  }
0x51: {  	_ =	shalt  }
0x52: {  	_ =	shalt  }
0x53: {  	_ =	shalt  }
0x54: {  	_ =	shalt  }
0x55: {  	_ =	shalt  }
0x56: {  	_ =	shalt  }
0x57: {  	_ =	shalt  }
0x58: {  	_ =	shalt  }
0x59: {  	_ =	shalt  }
0x5a: {  	_ =	shalt  }
0x5b: {  	_ =	shalt  }
0x5c: {  	_ =	shalt  }
0x5d: {  	_ =	shalt  }
0x5e: {  	_ =	shalt  }
0x5f: {  	_ =	shalt  }
0x60: {  	_ =	shalt  }
0x61: {  	_ =	shalt  }
0x62: {  	_ =	shalt  }
0x63: {  	_ =	shalt  }
0x64: {  	_ =	shalt  }
0x65: {  	_ =	shalt  }
0x66: {  	_ =	shalt  }
0x67: {  	_ =	shalt  }
0x68: {  	_ =	shalt  }
0x69: {  	_ =	shalt  }
0x6a: {  	_ =	shalt  }
0x6b: {  	_ =	shalt  }
0x6c: {  	_ =	shalt  }
0x6d: {  	_ =	shalt  }
0x6e: {  	_ =	shalt  }
0x6f: {  	_ =	shalt  }
0x70: {  	_ =	shalt  }
0x71: {  	_ =	shalt  }
0x72: {  	_ =	shalt  }
0x73: {  	_ =	shalt  }
0x74: {  	_ =	shalt  }
0x75: {  	_ =	shalt  }
0x76: {  	_ =	shalt  }
0x77: {  	_ =	shalt  }
0x78: {  	_ =	shalt  }
0x79: {  	_ =	shalt  }
0x7a: {  	_ =	shalt  }
0x7b: {  	_ =	shalt  }
0x7c: {  	_ =	shalt  }
0x7d: {  	_ =	shalt  }
0x7e: {  	_ =	shalt  }
0x7f: {  	_ =	shalt  }
0x80: {  	_ =	shalt  }
0x81: {  	_ =	shalt  }
0x82: {  	_ =	shalt  }
0x83: {  	_ =	shalt  }
0x84: {  	_ =	shalt  }
0x85: {  	_ =	shalt  }
0x86: {  	_ =	shalt  }
0x87: {  	_ =	shalt  }
.Lfunc_end0:
.L_simem_size_0:
called_computation.1_lowered:
.L_overlay_start_0:
0x88: {  	s2 =	sld [smem:$0x3FD9]  }
0x89: {  	s3 =	sld [smem:$0x3FFE];
	_ =	sdelay $0x1  }
0x8a: {  	s1 =	srdreg.scid  }
0x8b: {  	s0 =	sand.u32 $0x1, s1  }
0x8c: {  	s16 =	sshll.u32 s0, $0xA;
	s2 =	sadd.s32 s3, s2  }
0x8d: {  	s2 =	sadd.s32 s2, s16  }
0x8e: {  	[smem:$0x3FBB] =	sst s2  }
0x8f: {  	_ = 	snop  }
0x90: {  	(tm) =	ssettm $0x1  }
0x91: {  	s17 =	sld [smem:$0x3FFB];
	_ =	sdelay $0x3  }
0x92: {  	_ =	strace s17  }
0x93: {  	s2 =	sld [smem:$0x3FFC];
	_ =	sdelay $0x3  }
0x94: {  	_ =	strace s2  }
0x95: {  	s2 =	sld [smem:$0x3FFD];
	_ =	sdelay $0x3  }
0x96: {  	_ =	strace s2  }
0x97: {  	_ =	strace $0x8FFFFFFF  }
0x98: {  	s18 =	sld [smem:$0x3FDB];
	_ =	sdelay $0x1  }
0x99: {  	s19 =	simm.s32 $_scs_section_size  }
0x9a: {  	s4 =	simm.s32 $_size__tile_overlayer_lowered;
	s5 =	simm.s32 $_tile_overlayer_lowered  }
0x9b: {  	s22 =	simm.s32 $0x1BFF;
	s21 =	sshll.u32 s5, $0x1;
	s2 =	sadd.s32 s19, s18  }
0x9c: {  	s6 =	simm.s32 $0x0;
	s20 =	sshll.u32 s4, $0x1;
	s4 =	sadd.s32 s21, s2  }
0x9d: {  	[timem:s6], [sflag:s22] =	dma.local [hbm:s4], s20  }
0x9e: {  	_ =	swait.ge [sflag:s22], s20  }
0x9f: {  	s3 =	ssub.s32 $0x0, s20;
	[sflag:s22] =	ssyncset.done $0x0  }
0xa0: {  	[sflag:s22] =	ssyncadd.s32 s3;
	_ =	sdelay $0x1  }
0xa1: {  	s23 =	simm.s32 $0x1B8B  }
0xa2: {  	_ =	swait.ge [sflag:s23], $0x1  }
0xa3: {  	[sflag:s23] =	ssyncset.done $0x0  }
0xa4: {  	s25 =	simm.s32 $0x1B8E;
	s24 =	sld [smem:$0x3FFE];
	[sflag:s23] =	ssyncadd.s32 $0xFFFFFFFF  }
0xa5: {  	s26 =	simm.s32 $execute0_lowered;
	[smem:$0x3FD2] =	sst s25  }
0xa6: {  	s4 =	sshll.u32 s26, $0x1;
	_ =	strace $0x80000049;
	[dreg:$0x1] =	wrdreg $0xFFFFFFFF  }
0xa7: {  	s28 =	simm.s32 $_size_execute0_lowered;
	s2 =	sadd.s32 s2, s4;
	[dreg:$0x0] =	wrdreg $0x0  }
0xa8: {  	s4 =	sshll.u32 s28, $0x1;
	[dreg:$0x2] =	wrdreg s2  }
0xa9: {  	[dreg:$0x3] =	wrdreg s4  }
0xaa: {  	[dreg:$0x4] =	wrdreg $0xC0  }
0xab: {  	_ =	task [dreg:s6], $0x5FFFF  }
0xac: {  	[dreg:$0x1] =	wrdreg $0xFFFFFFFF  }
0xad: {  	[dreg:$0x0] =	wrdreg $0x60  }
0xae: {  	[dreg:$0x2] =	wrdreg s24  }
0xaf: {  	[dreg:$0x3] =	wrdreg $0x9E200  }
0xb0: {  	[dreg:$0x4] =	wrdreg $0x9  }
0xb1: {  	_ =	task.clear_ibuf [dreg:s6], $0x5FFFF;
	_ =	strace $0x90000049  }
0xb2: {  	s29 =	simm.s32 $0x9;
	_ =	strace $0x8000004B  }
0xb3: {  	_ =	swait.ge [sflag:s29], $0x1  }
0xb4: {  	[sflag:s29] =	ssyncadd.s32 $0xFFFFFFFF  }
0xb5: {  	_ =	strace $0x9000004B  }
0xb6: {  	_ =	sfence  }
0xb7: {  	s30 =	sld [smem:$0x0];
	_ =	sdelay $0x2  }
0xb8: {  	s31 =	sshll.u32 s1, $0xD;
	s1 =	sshrl.u32 s1, $0x2  }
0xb9: {  	s3 =	sand.u32 $0x4000, s31;
	s1 =	sadd.s32 s1, s30  }
0xba: {  	s0 =	sor.u32 s3, s0;
	s1 =	sshll.u32 s1, $0x11  }
0xbb: {  	s0 =	sor.u32 s1, s0  }
0xbc: {  	s0 =	sadd.s32 $0x8F2B, s0  }
0xbd: {  	[sflag:s0] =	ssyncadd.remote.s32 $0x1  }
0xbe: {  	_ =	sfence.sel $0xFFFF  }
0xbf: {  	[dreg:$0x0] =	wrdreg $0xFFFFFFFF;
	(pc) =	sbr.abs _section_cstart, $3  }
0xc0: {  	[dreg:$0x1] =	wrdreg $0xFFFFFFFF  }
0xc1: {  	_ =	task.clear_ibuf [dreg:s6], $0x2FFFF;
	_ =	strace $0x9FFFFFFF  }
0xc2: {  	(tm) =	ssettm $0x7FFFFFFF  }
0xc3: {  	_ =	shalt  }
tec
execute0_lowered:
.L_overlay_start_1:
0x0: {  	(tag) =	ssettag $0x1  }
0x1: {  	s0 =	srdreg.scid;
	s7 =	rddreg [dreg:$0x0]  }
0x2: {  	s12 =	stileid.u32;
	s2 =	rddreg [dreg:$0x1];
	s4 =	simm.s32 $0x0  }
0x3: {  	s15 =	simm.s32 $0x7;
	s17 =	simm.s32 $0x4E20;
	s18 =	simm.s32 $0x50  }
0x4: {  	s19 =	simm.s32 $0x7620;
	s20 =	simm.s32 $0x1;
	s21 =	simm.s32 $0x3  }
0x5: {  	s22 =	simm.s32 $0x6220;
	s23 =	simm.s32 $0x8A20;
	s29 =	simm.s32 $0x6  }
0x6: {  	s30 =	simm.s32 $0x0;
	s0 =	sand.u32 $0x1, s0;
	s1 =	sshll.u32 s12, $0x1  }
0x7: {  	s8 =	smul.u32 $0xA000, s12;
	[smem:$0x7FF] =	sst s4;
	s5 =	sadd.s32 $0x50CC00, s7  }
0x8: {  	s6 =	sadd.s32 $0x535800, s7;
	s25 =	sshll.u32 s12, $0x6;
	s1 =	sor.u32 s0, s1  }
0x9: {  	s9 =	smul.u32 $0xA0000, s0;
	_ =	strace $0x8000004A;
	s0 =	ssub.s32 $0x2, s0  }
0xa: {  	s3 =	smul.u32 $0x2710, s1;
	s11 =	sshrl.u32 s8, $0x3;
	s24 =	sshrl.u32 s0, $0x1  }
0xb: {  	s1 =	smul.u32 $0x13880, s1;
	s14 =	sadd.s32 s8, s2;
	s9 =	sadd.s32 s8, s9  }
0xc: {  	s11 =	sadd.s32 s11, s7;
	s0 =	ssub.s32 s0, s24;
	s8 =	sor.u32 $0x1C07, s25  }
0xd: {  	s14 =	sshrl.u32 s14, $0x3;
	s24 =	simm.s32 $0x2;
	s25 =	simm.s32 $0x4  }
0xe: {  	s10 =	sshrl.u32 s3, $0x3;
	s9 =	sshrl.u32 s9, $0x3;
	s26 =	sadd.s32 $0x4F8C00, s11  }
0xf: {  	s1 =	sadd.s32 s6, s1;
	s10 =	sadd.s32 s10, s7;
	[dreg:$0x3] =	wrdreg s26  }
0x10: {  	s13 =	smax.u32 s0, $0x1;
	[dreg:$0x6] =	wrdreg s1;
	s28 =	sadd.s32 $0x4EEE00, s10  }
0x11: {  	s7 =	sadd.s32 s9, s7;
	s31 =	sadd.s32 $0x4E5000, s10;
	[dreg:$0x4] =	wrdreg s28  }
0x12: {  	s26 =	simm.s32 $0x5;
	s12 =	sadd.s32 $0x3000, s7;
	[dreg:$0x5] =	wrdreg s31  }
.LBB2_1:
0x13: {  	s0 =	rddreg [dreg:$0x3]  }
0x14: {  	[spmem:s14], [sflag:s8] =	dma.local [hbm:s0], $0x1400  }
0x15: {  	_ =	swait.ge [sflag:s15], $0x1400  }
0x16: {  	[sflag:s15] =	ssyncset.done $0x0  }
0x17: {  	s11 =	rddreg [dreg:$0x4];
	[sflag:s15] =	ssyncadd.s32 $0xFFFFEC00  }
0x18: {  	[tilespmem:s4], [sflag:$0x7] =	stream.linear.gather [hbm4b:s11+s4], $0x2710, $0x38;
	[tilespmem:$0x13E20] =	vst v63  }
0x19: {  	_ =	swait.ge [sflag:s15], $0x2710  }
0x1a: {  	[sflag:s15] =	ssyncset.done $0x0  }
0x1b: {  	s1 =	simm.s32 $0x2710;
	s16 =	rddreg [dreg:$0x5];
	[sflag:s15] =	ssyncadd.s32 $0xFFFFD8F0  }
0x1c: {  	[tilespmem:s1], [sflag:$0x7] =	stream.linear.gather [hbm4b:s16+s4], $0x2710, $0x38;
	[tilespmem:$0x13E20] =	vst v63  }
0x1d: {  	_ =	swait.ge [sflag:s15], $0x2710  }
0x1e: {  	[sflag:s15] =	ssyncset.done $0x0  }
0x1f: {  	[sflag:s15] =	ssyncadd.s32 $0xFFFFD8F0  }
0x20: {  	[bflag:$0x0] =	sbarrier.arrive $0xFFFF  }
0x21: {  	s28 =	rddreg [dreg:$0x6]  }
0x22: {  	[tilespmem:s17], [sflag:$0x1] =	stream.linear.gather [hbm4b:s28+s4], $0x1400, $0x38;
	[tilespmem:$0x13E20] =	vst v63  }
0x23: {  	s31 =	simm.s32 $0x0  }
0x24: {  	[tilespmem:s19], [sflag:$0x3] =	stream.indirect.gather [hbm4b:s5+s18], $0x40, s4, s18, $0xb8;
	[tilespmem:$0x13E20] =	vst v63  }
.LBB2_2:
0x25: {  	_ =	swait.ge [sflag:s20], $0x1400  }
0x26: {  	[sflag:s20] =	ssyncset.done $0x0  }
0x27: {  	[sflag:s20] =	ssyncadd.s32 $0xFFFFEC00  }
0x28: {  	_ =	swait.ge [sflag:s21], $0x1400  }
0x29: {  	[sflag:s21] =	ssyncset.done $0x0  }
0x2a: {  	s1 =	simm.s32 $0x0;
	[sflag:s21] =	ssyncadd.s32 $0xFFFFEC00  }
0x2b: {  	v0 =	vld [tilespmem:s1+$0x7650]  }
0x2c: {  	v1 =	vld [tilespmem:s1+$0x4E50]  }
0x2d: {  	v2 =	vld [tilespmem:s1+$0x7620]  }
0x2e: {  	v3 =	vld [tilespmem:s1+$0x4E20]  }
0x2f: {  	v4 =	vld [tilespmem:s1+$0x7630]  }
0x30: {  	v5 =	vld [tilespmem:s1+$0x4E30]  }
0x31: {  	v6 =	vld [tilespmem:s1+$0x7640]  }
0x32: {  	v0 =	vadd.f32 v1, v0;
	v1 =	vld [tilespmem:s1+$0x4E40];
	_ =	sdelay $0x1  }
0x33: {  	s0 =	simm.s32 $0x40;
	v0 =	vmul.f32 $1.442695020e+00, v0  }
0x34: {  	v7 =	vld [tilespmem:s0+$0x7650];
	v2 =	vadd.f32 v3, v2  }
0x35: {  	v3 =	vadd.f32 v5, v4;
	v4 =	vld [tilespmem:s0+$0x7620];
	(erf) = vpow2.f32 v0  }
0x36: {  	v2 =	vmul.f32 $1.442695020e+00, v2;
	v0 =	vld [tilespmem:s0+$0x4E50];
	v1 =	vadd.f32 v1, v6  }
0x37: {  	v5 =	vld [tilespmem:s0+$0x4E20];
	v3 =	vmul.f32 $1.442695020e+00, v3  }
0x38: {  	v6 =	vld [tilespmem:s0+$0x7630];
	(erf) = vpow2.f32 v2;
	v1 =	vmul.f32 $1.442695020e+00, v1  }
0x39: {  	v2 =	vld [tilespmem:s0+$0x4E30];
	(erf) = vpow2.f32 v3  }
0x3a: {  	v3 =	vld [tilespmem:s0+$0x7640];
	(erf) = vpow2.f32 v1  }
0x3b: {  	v0 =	vadd.f32 v0, v7;
	v1 =	vld [tilespmem:s0+$0x4E40];
	_ =	sdelay $0x1  }
0x3c: {  	s16 =	simm.s32 $0x80;
	v0 =	vmul.f32 $1.442695020e+00, v0  }
0x3d: {  	v4 =	vadd.f32 v5, v4;
	v7 =	vld [tilespmem:s16+$0x7650];
	v5 =	vpop (erf)  }
0x3e: {  	v2 =	vadd.f32 v2, v6;
	(erf) = vpow2.f32 v0;
	v0 =	vadd.f32 $1.000000000e+00, v5;
	v5 =	vld [tilespmem:s16+$0x4E50]  }
0x3f: {  	v4 =	vmul.f32 $1.442695020e+00, v4;
	v1 =	vadd.f32 v1, v3  }
0x40: {  	v10 =	vld [tilespmem:s16+$0x7640];
	v2 =	vmul.f32 $1.442695020e+00, v2;
	v3 =	vpop (erf);
	(erf) = vrcp.f32 v0  }
0x41: {  	v6 =	vld [tilespmem:s16+$0x7620];
	v8 =	vpop (erf);
	v1 =	vmul.f32 $1.442695020e+00, v1;
	(erf) = vpow2.f32 v4  }
0x42: {  	v3 =	vadd.f32 $1.000000000e+00, v3;
	v0 =	vld [tilespmem:s16+$0x4E20];
	(erf) = vpow2.f32 v2;
	v2 =	vadd.f32 $1.000000000e+00, v8;
	v8 =	vpop (erf)  }
0x43: {  	v5 =	vadd.f32 v5, v7;
	(erf) = vpow2.f32 v1;
	v1 =	vadd.f32 $1.000000000e+00, v8;
	v7 =	vld [tilespmem:s16+$0x4E40]  }
0x44: {  	v9 =	vld [tilespmem:s16+$0x4E30]  }
0x45: {  	v4 =	vld [tilespmem:s16+$0x7630];
	(erf) = vrcp.f32 v3  }
0x46: {  	(erf) = vrcp.f32 v2  }
0x47: {  	s7 =	simm.s32 $0xC0;
	v3 =	vmul.f32 $1.442695020e+00, v5;
	v0 =	vadd.f32 v0, v6;
	(erf) = vrcp.f32 v1;
	v1 =	vpop (erf)  }
0x48: {  	v2 =	vld [tilespmem:s7+$0x7650];
	v1 =	vadd.f32 $1.000000000e+00, v1;
	v7 =	vadd.f32 v7, v10  }
0x49: {  	v6 =	vld [tilespmem:s7+$0x7620];
	(erf) = vpow2.f32 v3;
	v0 =	vmul.f32 $1.442695020e+00, v0;
	v5 =	vpop (erf)  }
0x4a: {  	v3 =	vadd.f32 v9, v4;
	v4 =	vld [tilespmem:s7+$0x4E50];
	(erf) = vrcp.f32 v1;
	v1 =	vadd.f32 v5, v5  }
0x4b: {  	v8 =	vpop (erf);
	v5 =	vld [tilespmem:s7+$0x4E20];
	(erf) = vpow2.f32 v0;
	v0 =	vmul.f32 $1.442695020e+00, v7  }
0x4c: {  	v3 =	vmul.f32 $1.442695020e+00, v3;
	v7 =	vpop (erf)  }
0x4d: {  	v11 =	vld [tilespmem:s7+$0x4E30];
	v7 =	vadd.f32 $1.000000000e+00, v7  }
0x4e: {  	v9 =	vld [tilespmem:s7+$0x7630];
	v8 =	vadd.f32 $1.000000000e+00, v8;
	v10 =	vsub.f32 $1.000000000e+00, v1;
	(erf) = vpow2.f32 v3;
	v1 =	vpop (erf)  }
0x4f: {  	v2 =	vadd.f32 v4, v2;
	v3 =	vld [tilespmem:s7+$0x7640];
	(erf) = vpow2.f32 v0;
	v0 =	vpop (erf);
	v4 =	vadd.f32 $1.000000000e+00, v1  }
0x50: {  	(erf) = vrcp.f32 v8;
	v6 =	vadd.f32 v5, v6;
	v5 =	vld [tilespmem:s7+$0x4E40];
	v1 =	vadd.f32 v0, v0;
	v0 =	vpop (erf)  }
0x51: {  	v8 =	vmul.f32 $1.442695020e+00, v2;
	(erf) = vrcp.f32 v7;
	v7 =	vpop (erf)  }
0x52: {  	s9 =	simm.s32 $0x100;
	(erf) = vrcp.f32 v4;
	v2 =	vadd.f32 v0, v0;
	v12 =	vpop (erf);
	v0 =	vadd.f32 v7, v7  }
0x53: {  	s10 =	simm.s32 $0x500;
	[tilespmem:s1+$0x7650] =	vst v10;
	v4 =	vld [tilespmem:s9+$0x7650];
	v7 =	vadd.f32 v11, v9;
	(erf) = vpow2.f32 v8;
	v8 =	vadd.f32 $1.000000000e+00, v12  }
.LBB2_3:
0x54: {  	p0 =	sne.s32 s10, $0x4F00;
	v9 =	vld [tilespmem:s9+$0x4E50];
	v6 =	vmul.f32 $1.442695020e+00, v6;
	v10 =	vpop (erf);
	v1 =	vsub.f32 $1.000000000e+00, v1;
	v2 =	vsub.f32 $1.000000000e+00, v2  }
0x55: {  	v11 =	vld [tilespmem:s9+$0x7620];
	v13 =	vadd.f32 v5, v3;
	v5 =	vpop (erf);
	(erf) = vrcp.f32 v8;
	v8 =	vadd.f32 v10, v10  }
0x56: {  	v14 =	vmul.f32 $1.442695020e+00, v7;
	v10 =	vld [tilespmem:s9+$0x4E20];
	(erf) = vpow2.f32 v6;
	v6 =	vadd.f32 $1.000000000e+00, v5;
	[tilespmem:s1+$0x7620] =	vst v1  }
0x57: {  	v0 =	vsub.f32 $1.000000000e+00, v0;
	v12 =	vld [tilespmem:s9+$0x7630];
	v13 =	vmul.f32 $1.442695020e+00, v13;
	v3 =	vpop (erf);
	v5 =	vsub.f32 $1.000000000e+00, v8;
	[tilespmem:s1+$0x7630] =	vst v2  }
0x58: {  	v8 =	vld [tilespmem:s9+$0x4E30];
	(erf) = vpow2.f32 v14;
	v2 =	vadd.f32 $1.000000000e+00, v3;
	v7 =	vpop (erf)  }
.Ltmp0:
0x59: {  	v3 =	vld [tilespmem:s9+$0x7640];
	v4 =	vadd.f32 v9, v4;
	(erf) = vpow2.f32 v13;
	v7 =	vadd.f32 $1.000000000e+00, v7;
	[tilespmem:s0+$0x7650] =	vst v5;
	v1 =	vpop (erf);
	(pc) =	sbr.rel @p0 .LBB2_3-.Ltmp0, $4  }
0x5a: {  	v5 =	vld [tilespmem:s9+$0x4E40];
	(erf) = vrcp.f32 v6;
	v1 =	vadd.f32 v1, v1;
	v9 =	vpop (erf);
	[tilespmem:s1+$0x7640] =	vst v0;
	s1 =	smov.u32 s0;
	s0 =	smov.u32 s16;
	s16 =	smov.u32 s7  }
0x5b: {  	s7 =	smov.u32 s9;
	v6 =	vadd.f32 v10, v11;
	v10 =	vmul.f32 $1.442695020e+00, v4;
	(erf) = vrcp.f32 v2;
	v0 =	vpop (erf)  }
0x5c: {  	s9 =	sshra.s32 s10, $0x2;
	v2 =	vadd.f32 v9, v9;
	v11 =	vpop (erf);
	(erf) = vrcp.f32 v7;
	v0 =	vadd.f32 v0, v0  }
0x5d: {  	s10 =	sadd.s32 $0x100, s10;
	v4 =	vld [tilespmem:s9+$0x7650];
	v7 =	vadd.f32 v8, v12;
	(erf) = vpow2.f32 v10;
	v8 =	vadd.f32 $1.000000000e+00, v11  }
0x5e: {  	_ = 	snop  }
0x5f: {  	v9 =	vld [tilespmem:s9+$0x4E50];
	v6 =	vmul.f32 $1.442695020e+00, v6;
	v3 =	vadd.f32 v5, v3  }
0x60: {  	v10 =	vld [tilespmem:s9+$0x7620];
	v11 =	vpop (erf);
	v7 =	vmul.f32 $1.442695020e+00, v7  }
0x61: {  	v12 =	vld [tilespmem:s9+$0x4E20];
	v5 =	vpop (erf);
	v3 =	vmul.f32 $1.442695020e+00, v3  }
0x62: {  	v13 =	vld [tilespmem:s9+$0x7630];
	(erf) = vrcp.f32 v8;
	v5 =	vadd.f32 $1.000000000e+00, v5;
	v8 =	vpop (erf)  }
0x63: {  	v14 =	vld [tilespmem:s9+$0x4E30];
	(erf) = vpow2.f32 v6;
	v6 =	vpop (erf);
	v8 =	vadd.f32 $1.000000000e+00, v8  }
0x64: {  	v15 =	vld [tilespmem:s9+$0x7640];
	(erf) = vpow2.f32 v7;
	v7 =	vpop (erf)  }
0x65: {  	v16 =	vld [tilespmem:s9+$0x4E40];
	(erf) = vpow2.f32 v3;
	v3 =	vpop (erf)  }
0x66: {  	v4 =	vadd.f32 v9, v4;
	(erf) = vrcp.f32 v5;
	v5 =	vpop (erf)  }
0x67: {  	v6 =	vadd.f32 $1.000000000e+00, v6;
	(erf) = vrcp.f32 v8;
	v8 =	vpop (erf)  }
0x68: {  	v9 =	vadd.f32 v12, v10;
	v4 =	vmul.f32 $1.442695020e+00, v4;
	v8 =	vadd.f32 $1.000000000e+00, v8  }
0x69: {  	(erf) = vrcp.f32 v6;
	v6 =	vadd.f32 v14, v13  }
0x6a: {  	(erf) = vpow2.f32 v4;
	v4 =	vmul.f32 $1.442695020e+00, v9;
	v9 =	vadd.f32 v16, v15  }
0x6b: {  	v6 =	vmul.f32 $1.442695020e+00, v6;
	(erf) = vrcp.f32 v8  }
0x6c: {  	v8 =	vpop (erf);
	(erf) = vpow2.f32 v4;
	v4 =	vmul.f32 $1.442695020e+00, v9;
	_ =	sdelay $0x1  }
0x6d: {  	v9 =	vpop (erf)  }
0x6e: {  	(erf) = vpow2.f32 v6;
	v6 =	vpop (erf)  }
0x6f: {  	(erf) = vpow2.f32 v4;
	v9 =	vadd.f32 $1.000000000e+00, v9;
	v4 =	vpop (erf)  }
0x70: {  	v10 =	vpop (erf)  }
0x71: {  	v61 =	vpop (erf)  }
0x72: {  	v6 =	vadd.f32 $1.000000000e+00, v6;
	v4 =	vadd.f32 $1.000000000e+00, v4;
	v62 =	vpop (erf)  }
0x73: {  	v1 =	vsub.f32 $1.000000000e+00, v1;
	v2 =	vsub.f32 $1.000000000e+00, v2;
	(erf) = vrcp.f32 v9;
	v9 =	vpop (erf)  }
0x74: {  	v7 =	vadd.f32 v7, v7;
	(erf) = vrcp.f32 v6;
	v6 =	vadd.f32 $1.000000000e+00, v9  }
0x75: {  	v0 =	vsub.f32 $1.000000000e+00, v0;
	v11 =	vadd.f32 v11, v11;
	[tilespmem:s1+$0x7620] =	vst v1;
	v9 =	vpop (erf)  }
0x76: {  	[tilespmem:s1+$0x7630] =	vst v2;
	v1 =	vadd.f32 v3, v3;
	v2 =	vsub.f32 $1.000000000e+00, v7;
	(erf) = vrcp.f32 v4;
	v4 =	vpop (erf)  }
0x77: {  	[tilespmem:s1+$0x7640] =	vst v0;
	v0 =	vadd.f32 v5, v5;
	(erf) = vrcp.f32 v6;
	v3 =	vadd.f32 $1.000000000e+00, v4;
	v4 =	vpop (erf)  }
0x78: {  	v1 =	vsub.f32 $1.000000000e+00, v1;
	v4 =	vadd.f32 $1.000000000e+00, v4;
	v6 =	vpop (erf)  }
0x79: {  	v7 =	vadd.f32 v8, v8;
	(erf) = vrcp.f32 v3;
	v6 =	vadd.f32 $1.000000000e+00, v6  }
0x7a: {  	v0 =	vsub.f32 $1.000000000e+00, v0;
	[tilespmem:s0+$0x7630] =	vst v1;
	v1 =	vadd.f32 v61, v61;
	(erf) = vrcp.f32 v4  }
0x7b: {  	[tilespmem:s0+$0x7620] =	vst v2;
	v2 =	vsub.f32 $1.000000000e+00, v7;
	v3 =	vadd.f32 v10, v10;
	(erf) = vrcp.f32 v6  }
0x7c: {  	v11 =	vsub.f32 $1.000000000e+00, v11;
	[tilespmem:s0+$0x7640] =	vst v0;
	v1 =	vsub.f32 $1.000000000e+00, v1;
	v4 =	vpop (erf)  }
0x7d: {  	[tilespmem:s16+$0x7650] =	vst v2;
	v2 =	vsub.f32 $1.000000000e+00, v3;
	v3 =	vadd.f32 v9, v9;
	v5 =	vpop (erf)  }
0x7e: {  	v0 =	vadd.f32 v62, v62;
	[tilespmem:s16+$0x7630] =	vst v1;
	v1 =	vadd.f32 v5, v5  }
0x7f: {  	[tilespmem:s16+$0x7620] =	vst v2;
	v2 =	vsub.f32 $1.000000000e+00, v3;
	v3 =	vadd.f32 v4, v4;
	v4 =	vpop (erf)  }
0x80: {  	[tilespmem:s0+$0x7650] =	vst v11;
	v0 =	vsub.f32 $1.000000000e+00, v0;
	v5 =	vpop (erf);
	v1 =	vsub.f32 $1.000000000e+00, v1  }
0x81: {  	[tilespmem:s7+$0x7650] =	vst v2;
	v2 =	vsub.f32 $1.000000000e+00, v3;
	v3 =	vadd.f32 v5, v5  }
0x82: {  	[tilespmem:s16+$0x7640] =	vst v0;
	v0 =	vadd.f32 v4, v4;
	v4 =	vpop (erf)  }
0x83: {  	[tilespmem:s7+$0x7620] =	vst v2;
	v2 =	vsub.f32 $1.000000000e+00, v3;
	v3 =	vadd.f32 v4, v4;
	v4 =	vpop (erf)  }
0x84: {  	v0 =	vsub.f32 $1.000000000e+00, v0;
	[tilespmem:s7+$0x7630] =	vst v1;
	v4 =	vadd.f32 v4, v4;
	v1 =	vpop (erf)  }
0x85: {  	[tilespmem:s9+$0x7650] =	vst v2;
	v2 =	vsub.f32 $1.000000000e+00, v3;
	v1 =	vadd.f32 v1, v1  }
0x86: {  	[tilespmem:s7+$0x7640] =	vst v0;
	s7 =	smul.u32 $0x280, s31;
	v0 =	vsub.f32 $1.000000000e+00, v4  }
0x87: {  	[tilespmem:s9+$0x7620] =	vst v2;
	v1 =	vsub.f32 $1.000000000e+00, v1  }
0x88: {  	s0 =	sshra.s32 s7, $0x2;
	[tilespmem:s9+$0x7630] =	vst v0  }
0x89: {  	s1 =	smul.u32 $0xA0, s31;
	s0 =	sadd.s32 $0x2710, s0;
	[tilespmem:s9+$0x7640] =	vst v1  }
0x8a: {  	[spmem:s2] =	stream.indirect.scatter.add.f32 [tilespmem:s19], [sflag:$0x5], $0x40, s0, s18, $0xb8;
	[tilespmem:$0x13E20] =	vst v63  }
0x8b: {  	p0 =	seq.s32 s31, $0x0;
	s0 =	sadd.s32 $0x50, s1  }
0x8c: {  	s7 =	simm.s32 @!p0 $0x6;
	s10 =	sadd.s32 s3, s0  }
0x8d: {  	_ =	swait.ge @!p0 [sflag:s7], $0x1400;
	s9 =	sshll.u32 s10, $0x3  }
0x8e: {  	[sflag:s7] =	ssyncset.done @!p0 $0x0;
	s9 =	sand.u32 $0x1FFFFF80, s9  }
0x8f: {  	s16 =	simm.s32 $0x0;
	[sflag:s7] =	ssyncadd.s32 @!p0 $0xFFFFEC00;
	s11 =	sadd.s32 s6, s9  }
0x90: {  	[tilespmem:s22], [sflag:$0x2] =	stream.linear.gather [hbm4b:s11+s16], $0x1400, $0x38;
	[tilespmem:$0x13E20] =	vst v63  }
0x91: {  	_ = 	snop  }
0x92: {  	[tilespmem:s23], [sflag:$0x4] =	stream.indirect.gather [hbm4b:s5+s18], $0x40, s0, s18, $0xb8;
	[tilespmem:$0x13E20] =	vst v63  }
0x93: {  	_ =	swait.ge [sflag:s24], $0x1400  }
0x94: {  	[sflag:s24] =	ssyncset.done $0x0  }
0x95: {  	[sflag:s24] =	ssyncadd.s32 $0xFFFFEC00  }
0x96: {  	_ =	swait.ge [sflag:s25], $0x1400  }
0x97: {  	[sflag:s25] =	ssyncset.done $0x0  }
0x98: {  	s28 =	simm.s32 $0x0;
	[sflag:s25] =	ssyncadd.s32 $0xFFFFEC00  }
0x99: {  	v0 =	vld [tilespmem:s28+$0x8A50]  }
0x9a: {  	v1 =	vld [tilespmem:s28+$0x6250]  }
0x9b: {  	v2 =	vld [tilespmem:s28+$0x8A20]  }
0x9c: {  	v3 =	vld [tilespmem:s28+$0x6220]  }
0x9d: {  	v4 =	vld [tilespmem:s28+$0x8A30]  }
0x9e: {  	v5 =	vld [tilespmem:s28+$0x6230]  }
0x9f: {  	v6 =	vld [tilespmem:s28+$0x8A40]  }
0xa0: {  	v0 =	vadd.f32 v1, v0;
	v1 =	vld [tilespmem:s28+$0x6240];
	_ =	sdelay $0x1  }
0xa1: {  	s16 =	simm.s32 $0x40;
	v0 =	vmul.f32 $1.442695020e+00, v0  }
0xa2: {  	v7 =	vld [tilespmem:s16+$0x8A50];
	v2 =	vadd.f32 v3, v2  }
0xa3: {  	v3 =	vadd.f32 v5, v4;
	v4 =	vld [tilespmem:s16+$0x8A20];
	(erf) = vpow2.f32 v0  }
0xa4: {  	v2 =	vmul.f32 $1.442695020e+00, v2;
	v0 =	vld [tilespmem:s16+$0x6250];
	v1 =	vadd.f32 v1, v6  }
0xa5: {  	v5 =	vld [tilespmem:s16+$0x6220];
	v3 =	vmul.f32 $1.442695020e+00, v3  }
0xa6: {  	v6 =	vld [tilespmem:s16+$0x8A30];
	(erf) = vpow2.f32 v2;
	v1 =	vmul.f32 $1.442695020e+00, v1  }
0xa7: {  	v2 =	vld [tilespmem:s16+$0x6230];
	(erf) = vpow2.f32 v3  }
0xa8: {  	v3 =	vld [tilespmem:s16+$0x8A40];
	(erf) = vpow2.f32 v1  }
0xa9: {  	v0 =	vadd.f32 v0, v7;
	v1 =	vld [tilespmem:s16+$0x6240];
	_ =	sdelay $0x1  }
0xaa: {  	s7 =	simm.s32 $0x80;
	v0 =	vmul.f32 $1.442695020e+00, v0  }
0xab: {  	v4 =	vadd.f32 v5, v4;
	v7 =	vld [tilespmem:s7+$0x8A50];
	v5 =	vpop (erf)  }
0xac: {  	v2 =	vadd.f32 v2, v6;
	(erf) = vpow2.f32 v0;
	v0 =	vadd.f32 $1.000000000e+00, v5;
	v5 =	vld [tilespmem:s7+$0x6250]  }
0xad: {  	v4 =	vmul.f32 $1.442695020e+00, v4;
	v1 =	vadd.f32 v1, v3  }
0xae: {  	v10 =	vld [tilespmem:s7+$0x8A40];
	v2 =	vmul.f32 $1.442695020e+00, v2;
	v3 =	vpop (erf);
	(erf) = vrcp.f32 v0  }
0xaf: {  	v6 =	vld [tilespmem:s7+$0x8A20];
	v8 =	vpop (erf);
	v1 =	vmul.f32 $1.442695020e+00, v1;
	(erf) = vpow2.f32 v4  }
0xb0: {  	v3 =	vadd.f32 $1.000000000e+00, v3;
	v0 =	vld [tilespmem:s7+$0x6220];
	(erf) = vpow2.f32 v2;
	v2 =	vadd.f32 $1.000000000e+00, v8;
	v8 =	vpop (erf)  }
0xb1: {  	v5 =	vadd.f32 v5, v7;
	(erf) = vpow2.f32 v1;
	v1 =	vadd.f32 $1.000000000e+00, v8;
	v7 =	vld [tilespmem:s7+$0x6240]  }
0xb2: {  	v9 =	vld [tilespmem:s7+$0x6230]  }
0xb3: {  	v4 =	vld [tilespmem:s7+$0x8A30];
	(erf) = vrcp.f32 v3  }
0xb4: {  	(erf) = vrcp.f32 v2  }
0xb5: {  	s9 =	simm.s32 $0xC0;
	v3 =	vmul.f32 $1.442695020e+00, v5;
	v0 =	vadd.f32 v0, v6;
	(erf) = vrcp.f32 v1;
	v1 =	vpop (erf)  }
0xb6: {  	v2 =	vld [tilespmem:s9+$0x8A50];
	v1 =	vadd.f32 $1.000000000e+00, v1;
	v7 =	vadd.f32 v7, v10  }
0xb7: {  	v6 =	vld [tilespmem:s9+$0x8A20];
	(erf) = vpow2.f32 v3;
	v0 =	vmul.f32 $1.442695020e+00, v0;
	v5 =	vpop (erf)  }
0xb8: {  	v3 =	vadd.f32 v9, v4;
	v4 =	vld [tilespmem:s9+$0x6250];
	(erf) = vrcp.f32 v1;
	v1 =	vadd.f32 v5, v5  }
0xb9: {  	v8 =	vpop (erf);
	v5 =	vld [tilespmem:s9+$0x6220];
	(erf) = vpow2.f32 v0;
	v0 =	vmul.f32 $1.442695020e+00, v7  }
0xba: {  	v3 =	vmul.f32 $1.442695020e+00, v3;
	v7 =	vpop (erf)  }
0xbb: {  	v11 =	vld [tilespmem:s9+$0x6230];
	v7 =	vadd.f32 $1.000000000e+00, v7  }
0xbc: {  	v9 =	vld [tilespmem:s9+$0x8A30];
	v8 =	vadd.f32 $1.000000000e+00, v8;
	v10 =	vsub.f32 $1.000000000e+00, v1;
	(erf) = vpow2.f32 v3;
	v1 =	vpop (erf)  }
0xbd: {  	v2 =	vadd.f32 v4, v2;
	v3 =	vld [tilespmem:s9+$0x8A40];
	(erf) = vpow2.f32 v0;
	v0 =	vpop (erf);
	v4 =	vadd.f32 $1.000000000e+00, v1  }
0xbe: {  	(erf) = vrcp.f32 v8;
	v6 =	vadd.f32 v5, v6;
	v5 =	vld [tilespmem:s9+$0x6240];
	v1 =	vadd.f32 v0, v0;
	v0 =	vpop (erf)  }
0xbf: {  	v8 =	vmul.f32 $1.442695020e+00, v2;
	(erf) = vrcp.f32 v7;
	v7 =	vpop (erf)  }
0xc0: {  	s10 =	simm.s32 $0x100;
	(erf) = vrcp.f32 v4;
	v2 =	vadd.f32 v0, v0;
	v63 =	vpop (erf);
	v0 =	vadd.f32 v7, v7  }
0xc1: {  	s11 =	simm.s32 $0x500;
	[tilespmem:s28+$0x8A50] =	vst v10;
	v4 =	vld [tilespmem:s10+$0x8A50];
	v7 =	vadd.f32 v11, v9;
	(erf) = vpow2.f32 v8;
	v8 =	vadd.f32 $1.000000000e+00, v63  }
.LBB2_5:
0xc2: {  	p0 =	sne.s32 s11, $0x4F00;
	v9 =	vld [tilespmem:s10+$0x6250];
	v6 =	vmul.f32 $1.442695020e+00, v6;
	v10 =	vpop (erf);
	v1 =	vsub.f32 $1.000000000e+00, v1;
	v2 =	vsub.f32 $1.000000000e+00, v2  }
0xc3: {  	v11 =	vld [tilespmem:s10+$0x8A20];
	v13 =	vadd.f32 v5, v3;
	v5 =	vpop (erf);
	(erf) = vrcp.f32 v8;
	v8 =	vadd.f32 v10, v10  }
0xc4: {  	v14 =	vmul.f32 $1.442695020e+00, v7;
	v10 =	vld [tilespmem:s10+$0x6220];
	(erf) = vpow2.f32 v6;
	v6 =	vadd.f32 $1.000000000e+00, v5;
	[tilespmem:s28+$0x8A20] =	vst v1  }
0xc5: {  	v0 =	vsub.f32 $1.000000000e+00, v0;
	v12 =	vld [tilespmem:s10+$0x8A30];
	v13 =	vmul.f32 $1.442695020e+00, v13;
	v3 =	vpop (erf);
	v5 =	vsub.f32 $1.000000000e+00, v8;
	[tilespmem:s28+$0x8A30] =	vst v2  }
0xc6: {  	v8 =	vld [tilespmem:s10+$0x6230];
	(erf) = vpow2.f32 v14;
	v2 =	vadd.f32 $1.000000000e+00, v3;
	v7 =	vpop (erf)  }
.Ltmp1:
0xc7: {  	v3 =	vld [tilespmem:s10+$0x8A40];
	v4 =	vadd.f32 v9, v4;
	(erf) = vpow2.f32 v13;
	v7 =	vadd.f32 $1.000000000e+00, v7;
	[tilespmem:s16+$0x8A50] =	vst v5;
	v1 =	vpop (erf);
	(pc) =	sbr.rel @p0 .LBB2_5-.Ltmp1, $4  }
0xc8: {  	v5 =	vld [tilespmem:s10+$0x6240];
	(erf) = vrcp.f32 v6;
	v1 =	vadd.f32 v1, v1;
	v9 =	vpop (erf);
	[tilespmem:s28+$0x8A40] =	vst v0;
	s28 =	smov.u32 s16;
	s16 =	smov.u32 s7;
	s7 =	smov.u32 s9  }
0xc9: {  	s9 =	smov.u32 s10;
	v6 =	vadd.f32 v10, v11;
	v10 =	vmul.f32 $1.442695020e+00, v4;
	(erf) = vrcp.f32 v2;
	v0 =	vpop (erf)  }
0xca: {  	s10 =	sshra.s32 s11, $0x2;
	v2 =	vadd.f32 v9, v9;
	v11 =	vpop (erf);
	(erf) = vrcp.f32 v7;
	v0 =	vadd.f32 v0, v0  }
0xcb: {  	s11 =	sadd.s32 $0x100, s11;
	v4 =	vld [tilespmem:s10+$0x8A50];
	v7 =	vadd.f32 v8, v12;
	(erf) = vpow2.f32 v10;
	v8 =	vadd.f32 $1.000000000e+00, v11  }
0xcc: {  	v9 =	vld [tilespmem:s10+$0x6250]  }
0xcd: {  	v10 =	vld [tilespmem:s10+$0x8A20]  }
0xce: {  	v11 =	vpop (erf);
	v12 =	vld [tilespmem:s10+$0x6220]  }
0xcf: {  	v6 =	vmul.f32 $1.442695020e+00, v6;
	v13 =	vld [tilespmem:s10+$0x8A30];
	v3 =	vadd.f32 v5, v3;
	v58 =	vpop (erf)  }
0xd0: {  	v14 =	vld [tilespmem:s10+$0x6230];
	(erf) = vrcp.f32 v8;
	v7 =	vmul.f32 $1.442695020e+00, v7;
	v59 =	vpop (erf)  }
0xd1: {  	v15 =	vld [tilespmem:s10+$0x8A40];
	(erf) = vpow2.f32 v6;
	v3 =	vmul.f32 $1.442695020e+00, v3;
	v60 =	vpop (erf)  }
0xd2: {  	v16 =	vld [tilespmem:s10+$0x6240];
	v5 =	vadd.f32 $1.000000000e+00, v58;
	(erf) = vpow2.f32 v7;
	v61 =	vpop (erf)  }
0xd3: {  	v8 =	vadd.f32 $1.000000000e+00, v59;
	v4 =	vadd.f32 v9, v4;
	(erf) = vpow2.f32 v3;
	v62 =	vpop (erf)  }
0xd4: {  	v6 =	vadd.f32 $1.000000000e+00, v60;
	(erf) = vrcp.f32 v5;
	v63 =	vpop (erf)  }
0xd5: {  	v17 =	vadd.f32 v12, v10;
	v4 =	vmul.f32 $1.442695020e+00, v4;
	(erf) = vrcp.f32 v8;
	v18 =	vpop (erf)  }
0xd6: {  	v19 =	vadd.f32 v14, v13;
	(erf) = vrcp.f32 v6;
	v8 =	vadd.f32 $1.000000000e+00, v18  }
0xd7: {  	v21 =	vadd.f32 v16, v15;
	v20 =	vmul.f32 $1.442695020e+00, v17;
	(erf) = vpow2.f32 v4  }
0xd8: {  	v6 =	vmul.f32 $1.442695020e+00, v19;
	(erf) = vrcp.f32 v8  }
0xd9: {  	v23 =	vmul.f32 $1.442695020e+00, v21;
	v22 =	vpop (erf);
	(erf) = vpow2.f32 v20  }
0xda: {  	v24 =	vpop (erf);
	(erf) = vpow2.f32 v6  }
0xdb: {  	v25 =	vpop (erf);
	(erf) = vpow2.f32 v23  }
0xdc: {  	v26 =	vpop (erf)  }
0xdd: {  	v27 =	vpop (erf)  }
0xde: {  	v1 =	vsub.f32 $1.000000000e+00, v1;
	v2 =	vsub.f32 $1.000000000e+00, v2;
	v28 =	vpop (erf)  }
0xdf: {  	v11 =	vadd.f32 v11, v11;
	v9 =	vadd.f32 $1.000000000e+00, v24;
	v29 =	vpop (erf)  }
0xe0: {  	v0 =	vsub.f32 $1.000000000e+00, v0;
	v6 =	vadd.f32 $1.000000000e+00, v25;
	v30 =	vpop (erf)  }
0xe1: {  	v11 =	vsub.f32 $1.000000000e+00, v11;
	v4 =	vadd.f32 $1.000000000e+00, v26;
	(erf) = vrcp.f32 v9;
	v32 =	vpop (erf)  }
0xe2: {  	v7 =	vadd.f32 v61, v61;
	(erf) = vrcp.f32 v6;
	v31 =	vadd.f32 $1.000000000e+00, v30;
	v33 =	vpop (erf)  }
0xe3: {  	[tilespmem:s28+$0x8A20] =	vst v1;
	v34 =	vadd.f32 v62, v62;
	(erf) = vrcp.f32 v4;
	v35 =	vadd.f32 $1.000000000e+00, v33;
	v36 =	vpop (erf)  }
0xe4: {  	[tilespmem:s28+$0x8A30] =	vst v2;
	v37 =	vsub.f32 $1.000000000e+00, v7;
	(erf) = vrcp.f32 v31;
	v4 =	vadd.f32 $1.000000000e+00, v36;
	v38 =	vpop (erf)  }
0xe5: {  	[tilespmem:s28+$0x8A40] =	vst v0;
	v40 =	vadd.f32 v63, v63;
	v6 =	vadd.f32 $1.000000000e+00, v38;
	(erf) = vrcp.f32 v35  }
0xe6: {  	[tilespmem:s16+$0x8A50] =	vst v11;
	v1 =	vsub.f32 $1.000000000e+00, v34;
	v39 =	vadd.f32 v22, v22;
	(erf) = vrcp.f32 v4  }
0xe7: {  	[tilespmem:s16+$0x8A20] =	vst v37;
	v0 =	vsub.f32 $1.000000000e+00, v40;
	v42 =	vadd.f32 v27, v27;
	(erf) = vrcp.f32 v6  }
0xe8: {  	[tilespmem:s16+$0x8A30] =	vst v1;
	v41 =	vsub.f32 $1.000000000e+00, v39;
	v43 =	vadd.f32 v28, v28  }
0xe9: {  	[tilespmem:s16+$0x8A40] =	vst v0;
	v44 =	vsub.f32 $1.000000000e+00, v42;
	v47 =	vadd.f32 v29, v29  }
0xea: {  	[tilespmem:s7+$0x8A50] =	vst v41;
	v1 =	vsub.f32 $1.000000000e+00, v43;
	v45 =	vadd.f32 v32, v32;
	v46 =	vpop (erf)  }
0xeb: {  	[tilespmem:s7+$0x8A20] =	vst v44;
	v0 =	vsub.f32 $1.000000000e+00, v47;
	v48 =	vpop (erf);
	v50 =	vadd.f32 v46, v46  }
0xec: {  	[tilespmem:s7+$0x8A30] =	vst v1;
	v49 =	vsub.f32 $1.000000000e+00, v45;
	v51 =	vpop (erf);
	v52 =	vadd.f32 v48, v48  }
0xed: {  	[tilespmem:s7+$0x8A40] =	vst v0;
	v54 =	vsub.f32 $1.000000000e+00, v50;
	v56 =	vadd.f32 v51, v51;
	v53 =	vpop (erf)  }
0xee: {  	[tilespmem:s9+$0x8A50] =	vst v49;
	v1 =	vsub.f32 $1.000000000e+00, v52;
	v55 =	vadd.f32 v53, v53;
	v57 =	vpop (erf)  }
0xef: {  	[tilespmem:s9+$0x8A20] =	vst v54;
	v0 =	vsub.f32 $1.000000000e+00, v56;
	v59 =	vadd.f32 v57, v57;
	v60 =	vpop (erf)  }
0xf0: {  	[tilespmem:s9+$0x8A30] =	vst v1;
	v58 =	vsub.f32 $1.000000000e+00, v55;
	v61 =	vpop (erf);
	v4 =	vadd.f32 v60, v60  }
0xf1: {  	[tilespmem:s9+$0x8A40] =	vst v0;
	v1 =	vadd.f32 v61, v61;
	v62 =	vsub.f32 $1.000000000e+00, v59  }
0xf2: {  	[tilespmem:s10+$0x8A50] =	vst v58;
	v63 =	vsub.f32 $1.000000000e+00, v4  }
0xf3: {  	[tilespmem:s10+$0x8A20] =	vst v62;
	v1 =	vsub.f32 $1.000000000e+00, v1  }
0xf4: {  	s28 =	sadd.s32 $0xA0, s1;
	[tilespmem:s10+$0x8A30] =	vst v63  }
0xf5: {  	s0 =	sadd.s32 $0x2710, s0;
	s31 =	sadd.s32 $0x1, s31;
	s1 =	sadd.s32 s3, s28;
	[tilespmem:s10+$0x8A40] =	vst v1  }
0xf6: {  	[spmem:s2] =	stream.indirect.scatter.add.f32 [tilespmem:s23], [sflag:$0x6], $0x40, s0, s18, $0xb8;
	[tilespmem:$0x13E20] =	vst v63  }
0xf7: {  	p0 =	sne.s32 s31, $0x3E;
	s1 =	sshll.u32 s1, $0x3;
	_ =	swait.ge [sflag:s26], $0x1400  }
.Ltmp2:
0xf8: {  	s1 =	sand.u32 $0x1FFFFF80, s1;
	[sflag:s26] =	ssyncset.done $0x0;
	(pc) =	sbr.rel @p0 .LBB2_2-.Ltmp2, $4  }
0xf9: {  	s1 =	sadd.s32 s6, s1;
	[sflag:s26] =	ssyncadd.s32 $0xFFFFEC00  }
0xfa: {  	[tilespmem:s17], [sflag:$0x1] =	stream.linear.gather [hbm4b:s1+s4], $0x1400, $0x38;
	[tilespmem:$0x13E20] =	vst v63  }
0xfb: {  	_ = 	snop  }
0xfc: {  	[tilespmem:s19], [sflag:$0x3] =	stream.indirect.gather [hbm4b:s5+s18], $0x40, s28, s18, $0xb8;
	[tilespmem:$0x13E20] =	vst v63  }
0xfd: {  	_ =	swait.ge [sflag:s20], $0x1400  }
0xfe: {  	[sflag:s20] =	ssyncset.done $0x0  }
0xff: {  	[sflag:s20] =	ssyncadd.s32 $0xFFFFEC00  }
0x100: {  	_ =	swait.ge [sflag:s21], $0x1400  }
0x101: {  	[sflag:s21] =	ssyncset.done $0x0  }
0x102: {  	s1 =	simm.s32 $0x0;
	[sflag:s21] =	ssyncadd.s32 $0xFFFFEC00  }
0x103: {  	v0 =	vld [tilespmem:s1+$0x7650]  }
0x104: {  	v1 =	vld [tilespmem:s1+$0x4E50]  }
0x105: {  	v2 =	vld [tilespmem:s1+$0x7620]  }
0x106: {  	v3 =	vld [tilespmem:s1+$0x4E20]  }
0x107: {  	v4 =	vld [tilespmem:s1+$0x7630]  }
0x108: {  	v5 =	vld [tilespmem:s1+$0x4E30]  }
0x109: {  	v6 =	vld [tilespmem:s1+$0x7640]  }
0x10a: {  	v0 =	vadd.f32 v1, v0;
	v1 =	vld [tilespmem:s1+$0x4E40];
	_ =	sdelay $0x1  }
0x10b: {  	s0 =	simm.s32 $0x40;
	v0 =	vmul.f32 $1.442695020e+00, v0  }
0x10c: {  	v7 =	vld [tilespmem:s0+$0x7650];
	v2 =	vadd.f32 v3, v2  }
0x10d: {  	v3 =	vadd.f32 v5, v4;
	v4 =	vld [tilespmem:s0+$0x7620];
	(erf) = vpow2.f32 v0  }
0x10e: {  	v2 =	vmul.f32 $1.442695020e+00, v2;
	v0 =	vld [tilespmem:s0+$0x4E50];
	v1 =	vadd.f32 v1, v6  }
0x10f: {  	v5 =	vld [tilespmem:s0+$0x4E20];
	v3 =	vmul.f32 $1.442695020e+00, v3  }
0x110: {  	v6 =	vld [tilespmem:s0+$0x7630];
	(erf) = vpow2.f32 v2;
	v1 =	vmul.f32 $1.442695020e+00, v1  }
0x111: {  	v2 =	vld [tilespmem:s0+$0x4E30];
	(erf) = vpow2.f32 v3  }
0x112: {  	v3 =	vld [tilespmem:s0+$0x7640];
	(erf) = vpow2.f32 v1  }
0x113: {  	v0 =	vadd.f32 v0, v7;
	v1 =	vld [tilespmem:s0+$0x4E40];
	_ =	sdelay $0x1  }
0x114: {  	s7 =	simm.s32 $0x80;
	v0 =	vmul.f32 $1.442695020e+00, v0  }
0x115: {  	v4 =	vadd.f32 v5, v4;
	v7 =	vld [tilespmem:s7+$0x7650];
	v5 =	vpop (erf)  }
0x116: {  	v2 =	vadd.f32 v2, v6;
	(erf) = vpow2.f32 v0;
	v0 =	vadd.f32 $1.000000000e+00, v5;
	v5 =	vld [tilespmem:s7+$0x4E50]  }
0x117: {  	v4 =	vmul.f32 $1.442695020e+00, v4;
	v1 =	vadd.f32 v1, v3  }
0x118: {  	v10 =	vld [tilespmem:s7+$0x7640];
	v2 =	vmul.f32 $1.442695020e+00, v2;
	v3 =	vpop (erf);
	(erf) = vrcp.f32 v0  }
0x119: {  	v6 =	vld [tilespmem:s7+$0x7620];
	v8 =	vpop (erf);
	v1 =	vmul.f32 $1.442695020e+00, v1;
	(erf) = vpow2.f32 v4  }
0x11a: {  	v3 =	vadd.f32 $1.000000000e+00, v3;
	v0 =	vld [tilespmem:s7+$0x4E20];
	(erf) = vpow2.f32 v2;
	v2 =	vadd.f32 $1.000000000e+00, v8;
	v8 =	vpop (erf)  }
0x11b: {  	v5 =	vadd.f32 v5, v7;
	(erf) = vpow2.f32 v1;
	v1 =	vadd.f32 $1.000000000e+00, v8;
	v7 =	vld [tilespmem:s7+$0x4E40]  }
0x11c: {  	v9 =	vld [tilespmem:s7+$0x4E30]  }
0x11d: {  	v4 =	vld [tilespmem:s7+$0x7630];
	(erf) = vrcp.f32 v3  }
0x11e: {  	(erf) = vrcp.f32 v2  }
0x11f: {  	s9 =	simm.s32 $0xC0;
	v3 =	vmul.f32 $1.442695020e+00, v5;
	v0 =	vadd.f32 v0, v6;
	(erf) = vrcp.f32 v1;
	v1 =	vpop (erf)  }
0x120: {  	v2 =	vld [tilespmem:s9+$0x7650];
	v1 =	vadd.f32 $1.000000000e+00, v1;
	v7 =	vadd.f32 v7, v10  }
0x121: {  	v6 =	vld [tilespmem:s9+$0x7620];
	(erf) = vpow2.f32 v3;
	v0 =	vmul.f32 $1.442695020e+00, v0;
	v5 =	vpop (erf)  }
0x122: {  	v3 =	vadd.f32 v9, v4;
	v4 =	vld [tilespmem:s9+$0x4E50];
	(erf) = vrcp.f32 v1;
	v1 =	vadd.f32 v5, v5  }
0x123: {  	v8 =	vpop (erf);
	v5 =	vld [tilespmem:s9+$0x4E20];
	(erf) = vpow2.f32 v0;
	v0 =	vmul.f32 $1.442695020e+00, v7  }
0x124: {  	v3 =	vmul.f32 $1.442695020e+00, v3;
	v7 =	vpop (erf)  }
0x125: {  	v11 =	vld [tilespmem:s9+$0x4E30];
	v7 =	vadd.f32 $1.000000000e+00, v7  }
0x126: {  	v9 =	vld [tilespmem:s9+$0x7630];
	v8 =	vadd.f32 $1.000000000e+00, v8;
	v10 =	vsub.f32 $1.000000000e+00, v1;
	(erf) = vpow2.f32 v3;
	v1 =	vpop (erf)  }
0x127: {  	v2 =	vadd.f32 v4, v2;
	v3 =	vld [tilespmem:s9+$0x7640];
	(erf) = vpow2.f32 v0;
	v0 =	vpop (erf);
	v4 =	vadd.f32 $1.000000000e+00, v1  }
0x128: {  	(erf) = vrcp.f32 v8;
	v6 =	vadd.f32 v5, v6;
	v5 =	vld [tilespmem:s9+$0x4E40];
	v1 =	vadd.f32 v0, v0;
	v0 =	vpop (erf)  }
0x129: {  	v8 =	vmul.f32 $1.442695020e+00, v2;
	(erf) = vrcp.f32 v7;
	v7 =	vpop (erf)  }
0x12a: {  	s10 =	simm.s32 $0x100;
	(erf) = vrcp.f32 v4;
	v2 =	vadd.f32 v0, v0;
	v12 =	vpop (erf);
	v0 =	vadd.f32 v7, v7  }
0x12b: {  	s11 =	simm.s32 $0x500;
	[tilespmem:s1+$0x7650] =	vst v10;
	v4 =	vld [tilespmem:s10+$0x7650];
	v7 =	vadd.f32 v11, v9;
	(erf) = vpow2.f32 v8;
	v8 =	vadd.f32 $1.000000000e+00, v12  }
.LBB2_8:
0x12c: {  	p0 =	sne.s32 s11, $0x4F00;
	v9 =	vld [tilespmem:s10+$0x4E50];
	v6 =	vmul.f32 $1.442695020e+00, v6;
	v10 =	vpop (erf);
	v1 =	vsub.f32 $1.000000000e+00, v1;
	v2 =	vsub.f32 $1.000000000e+00, v2  }
0x12d: {  	v11 =	vld [tilespmem:s10+$0x7620];
	v13 =	vadd.f32 v5, v3;
	v5 =	vpop (erf);
	(erf) = vrcp.f32 v8;
	v8 =	vadd.f32 v10, v10  }
0x12e: {  	v14 =	vmul.f32 $1.442695020e+00, v7;
	v10 =	vld [tilespmem:s10+$0x4E20];
	(erf) = vpow2.f32 v6;
	v6 =	vadd.f32 $1.000000000e+00, v5;
	[tilespmem:s1+$0x7620] =	vst v1  }
0x12f: {  	v0 =	vsub.f32 $1.000000000e+00, v0;
	v12 =	vld [tilespmem:s10+$0x7630];
	v13 =	vmul.f32 $1.442695020e+00, v13;
	v3 =	vpop (erf);
	v5 =	vsub.f32 $1.000000000e+00, v8;
	[tilespmem:s1+$0x7630] =	vst v2  }
0x130: {  	v8 =	vld [tilespmem:s10+$0x4E30];
	(erf) = vpow2.f32 v14;
	v2 =	vadd.f32 $1.000000000e+00, v3;
	v7 =	vpop (erf)  }
.Ltmp3:
0x131: {  	v3 =	vld [tilespmem:s10+$0x7640];
	v4 =	vadd.f32 v9, v4;
	(erf) = vpow2.f32 v13;
	v7 =	vadd.f32 $1.000000000e+00, v7;
	[tilespmem:s0+$0x7650] =	vst v5;
	v1 =	vpop (erf);
	(pc) =	sbr.rel @p0 .LBB2_8-.Ltmp3, $4  }
0x132: {  	v5 =	vld [tilespmem:s10+$0x4E40];
	(erf) = vrcp.f32 v6;
	v1 =	vadd.f32 v1, v1;
	v9 =	vpop (erf);
	[tilespmem:s1+$0x7640] =	vst v0;
	s1 =	smov.u32 s0;
	s0 =	smov.u32 s7;
	s7 =	smov.u32 s9  }
0x133: {  	s9 =	smov.u32 s10;
	v6 =	vadd.f32 v10, v11;
	v10 =	vmul.f32 $1.442695020e+00, v4;
	(erf) = vrcp.f32 v2;
	v0 =	vpop (erf)  }
0x134: {  	s10 =	sshra.s32 s11, $0x2;
	v2 =	vadd.f32 v9, v9;
	v11 =	vpop (erf);
	(erf) = vrcp.f32 v7;
	v0 =	vadd.f32 v0, v0  }
0x135: {  	s11 =	sadd.s32 $0x100, s11;
	v4 =	vld [tilespmem:s10+$0x7650];
	v7 =	vadd.f32 v8, v12;
	(erf) = vpow2.f32 v10;
	v8 =	vadd.f32 $1.000000000e+00, v11  }
0x136: {  	v9 =	vld [tilespmem:s10+$0x4E50]  }
0x137: {  	v10 =	vld [tilespmem:s10+$0x7620]  }
0x138: {  	v11 =	vpop (erf);
	v12 =	vld [tilespmem:s10+$0x4E20]  }
0x139: {  	v6 =	vmul.f32 $1.442695020e+00, v6;
	v13 =	vld [tilespmem:s10+$0x7630];
	v3 =	vadd.f32 v5, v3;
	v58 =	vpop (erf)  }
0x13a: {  	v14 =	vld [tilespmem:s10+$0x4E30];
	(erf) = vrcp.f32 v8;
	v7 =	vmul.f32 $1.442695020e+00, v7;
	v59 =	vpop (erf)  }
0x13b: {  	v15 =	vld [tilespmem:s10+$0x7640];
	(erf) = vpow2.f32 v6;
	v3 =	vmul.f32 $1.442695020e+00, v3;
	v60 =	vpop (erf)  }
0x13c: {  	v16 =	vld [tilespmem:s10+$0x4E40];
	v5 =	vadd.f32 $1.000000000e+00, v58;
	(erf) = vpow2.f32 v7;
	v61 =	vpop (erf)  }
0x13d: {  	v8 =	vadd.f32 $1.000000000e+00, v59;
	v4 =	vadd.f32 v9, v4;
	(erf) = vpow2.f32 v3;
	v62 =	vpop (erf)  }
0x13e: {  	v6 =	vadd.f32 $1.000000000e+00, v60;
	(erf) = vrcp.f32 v5;
	v63 =	vpop (erf)  }
0x13f: {  	v17 =	vadd.f32 v12, v10;
	v4 =	vmul.f32 $1.442695020e+00, v4;
	(erf) = vrcp.f32 v8;
	v18 =	vpop (erf)  }
0x140: {  	v19 =	vadd.f32 v14, v13;
	(erf) = vrcp.f32 v6;
	v8 =	vadd.f32 $1.000000000e+00, v18  }
0x141: {  	v21 =	vadd.f32 v16, v15;
	v20 =	vmul.f32 $1.442695020e+00, v17;
	(erf) = vpow2.f32 v4  }
0x142: {  	v6 =	vmul.f32 $1.442695020e+00, v19;
	(erf) = vrcp.f32 v8  }
0x143: {  	v23 =	vmul.f32 $1.442695020e+00, v21;
	v22 =	vpop (erf);
	(erf) = vpow2.f32 v20  }
0x144: {  	v24 =	vpop (erf);
	(erf) = vpow2.f32 v6  }
0x145: {  	v25 =	vpop (erf);
	(erf) = vpow2.f32 v23  }
0x146: {  	v26 =	vpop (erf)  }
0x147: {  	v27 =	vpop (erf)  }
0x148: {  	v1 =	vsub.f32 $1.000000000e+00, v1;
	v2 =	vsub.f32 $1.000000000e+00, v2;
	v28 =	vpop (erf)  }
0x149: {  	v11 =	vadd.f32 v11, v11;
	v9 =	vadd.f32 $1.000000000e+00, v24;
	v29 =	vpop (erf)  }
0x14a: {  	v0 =	vsub.f32 $1.000000000e+00, v0;
	v6 =	vadd.f32 $1.000000000e+00, v25;
	v30 =	vpop (erf)  }
0x14b: {  	v11 =	vsub.f32 $1.000000000e+00, v11;
	v4 =	vadd.f32 $1.000000000e+00, v26;
	(erf) = vrcp.f32 v9;
	v32 =	vpop (erf)  }
0x14c: {  	v7 =	vadd.f32 v61, v61;
	(erf) = vrcp.f32 v6;
	v31 =	vadd.f32 $1.000000000e+00, v30;
	v33 =	vpop (erf)  }
0x14d: {  	[tilespmem:s1+$0x7620] =	vst v1;
	v34 =	vadd.f32 v62, v62;
	(erf) = vrcp.f32 v4;
	v35 =	vadd.f32 $1.000000000e+00, v33;
	v36 =	vpop (erf)  }
0x14e: {  	[tilespmem:s1+$0x7630] =	vst v2;
	v37 =	vsub.f32 $1.000000000e+00, v7;
	(erf) = vrcp.f32 v31;
	v4 =	vadd.f32 $1.000000000e+00, v36;
	v38 =	vpop (erf)  }
0x14f: {  	[tilespmem:s1+$0x7640] =	vst v0;
	v40 =	vadd.f32 v63, v63;
	v6 =	vadd.f32 $1.000000000e+00, v38;
	(erf) = vrcp.f32 v35  }
0x150: {  	[tilespmem:s0+$0x7650] =	vst v11;
	v1 =	vsub.f32 $1.000000000e+00, v34;
	v39 =	vadd.f32 v22, v22;
	(erf) = vrcp.f32 v4  }
0x151: {  	[tilespmem:s0+$0x7620] =	vst v37;
	v0 =	vsub.f32 $1.000000000e+00, v40;
	v42 =	vadd.f32 v27, v27;
	(erf) = vrcp.f32 v6  }
0x152: {  	[tilespmem:s0+$0x7630] =	vst v1;
	v41 =	vsub.f32 $1.000000000e+00, v39;
	v43 =	vadd.f32 v28, v28  }
0x153: {  	[tilespmem:s0+$0x7640] =	vst v0;
	v44 =	vsub.f32 $1.000000000e+00, v42;
	v47 =	vadd.f32 v29, v29  }
0x154: {  	[tilespmem:s7+$0x7650] =	vst v41;
	v1 =	vsub.f32 $1.000000000e+00, v43;
	v45 =	vadd.f32 v32, v32;
	v46 =	vpop (erf)  }
0x155: {  	[tilespmem:s7+$0x7620] =	vst v44;
	v0 =	vsub.f32 $1.000000000e+00, v47;
	v48 =	vpop (erf);
	v50 =	vadd.f32 v46, v46  }
0x156: {  	[tilespmem:s7+$0x7630] =	vst v1;
	v49 =	vsub.f32 $1.000000000e+00, v45;
	v51 =	vpop (erf);
	v52 =	vadd.f32 v48, v48  }
0x157: {  	[tilespmem:s7+$0x7640] =	vst v0;
	v54 =	vsub.f32 $1.000000000e+00, v50;
	v56 =	vadd.f32 v51, v51;
	v53 =	vpop (erf)  }
0x158: {  	[tilespmem:s9+$0x7650] =	vst v49;
	v1 =	vsub.f32 $1.000000000e+00, v52;
	v55 =	vadd.f32 v53, v53;
	v57 =	vpop (erf)  }
0x159: {  	[tilespmem:s9+$0x7620] =	vst v54;
	v0 =	vsub.f32 $1.000000000e+00, v56;
	v59 =	vadd.f32 v57, v57;
	v60 =	vpop (erf)  }
0x15a: {  	[tilespmem:s9+$0x7630] =	vst v1;
	v58 =	vsub.f32 $1.000000000e+00, v55;
	v61 =	vpop (erf);
	v4 =	vadd.f32 v60, v60  }
0x15b: {  	[tilespmem:s9+$0x7640] =	vst v0;
	v1 =	vadd.f32 v61, v61;
	v62 =	vsub.f32 $1.000000000e+00, v59  }
0x15c: {  	[tilespmem:s10+$0x7650] =	vst v58;
	v63 =	vsub.f32 $1.000000000e+00, v4  }
0x15d: {  	[tilespmem:s10+$0x7620] =	vst v62;
	v1 =	vsub.f32 $1.000000000e+00, v1  }
0x15e: {  	[tilespmem:s10+$0x7630] =	vst v63  }
0x15f: {  	s31 =	simm.s32 $0x4DD0;
	[tilespmem:s10+$0x7640] =	vst v1  }
0x160: {  	[spmem:s2] =	stream.indirect.scatter.add.f32 [tilespmem:s19], [sflag:$0x5], $0x40, s31, s18, $0xb8;
	[tilespmem:$0x13E20] =	vst v63  }
0x161: {  	_ =	swait.ge [sflag:s29], $0x1400  }
0x162: {  	[sflag:s29] =	ssyncset.done $0x0  }
0x163: {  	[sflag:s29] =	ssyncadd.s32 $0xFFFFEC00  }
0x164: {  	_ =	swait.ge [sflag:s26], $0x1400  }
0x165: {  	s30 =	sadd.s32 $0x1, s30;
	[sflag:s26] =	ssyncset.done $0x0  }
0x166: {  	p0 =	sne.s32 s30, s13;
	[sflag:s26] =	ssyncadd.s32 $0xFFFFEC00  }
.Ltmp4:
0x167: {  	[bflag:$0x0] =	sbarrier.arrive $0xFFFF;
	(pc) =	sbr.rel @p0 .LBB2_1-.Ltmp4, $4  }
0x168: {  	[hbm:s12], [sflag:s8] =	dma.local [spmem:s14], $0x1400  }
0x169: {  	_ =	swait.ge [sflag:s15], $0x1400  }
0x16a: {  	[sflag:s15] =	ssyncset.done $0x0  }
0x16b: {  	[sflag:s15] =	ssyncadd.s32 $0xFFFFEC00  }
0x16c: {  	_ =	sfence.sel $0x180000  }
0x16d: {  	[bflag:$0x0] =	sbarrier.arrive $0xFFFF  }
0x16e: {  	_ =	strace $0x9000004A  }
0x16f: {  	s0 =	stileid.u32;
	[bflag:$0x2] =	sbarrier.arrive $0xFFFF  }
0x170: {  	p0 =	sne.s32 s0, $0x0;
	s0 =	rddreg [dreg:$0x2]  }
0x171: {  	s0 =	sadd.s32 @!p0 $0x100000, s0  }
0x172: {  	[sflag:s0] =	ssyncadd.tile.s32 @!p0 $0x1;
	_ =	shalt  }
.Lfunc_end2:
_tile_overlayer_lowered:
.L_overlay_start_2:
0x173: {  	(tag) =	ssettag $0x2  }
0x174: {  	s0 =	rddreg [dreg:$0x0];
	s2 =	stileid.u32  }
0x175: {  	s1 =	rddreg [dreg:$0x1];
	p0 =	sne.s32 s2, $0x0  }
0x176: {  	s3 =	rddreg [dreg:$0x2];
	[bflag:$0x3] =	sbarrier.arrive $0xFFFF;
	s2 =	simm.s32 @!p0 $0x1C07  }
0x177: {  	[timem:s3], [sflag:s2] =	dma.local @!p0 [hbm:s0], s1  }
0x178: {  	s0 =	simm.s32 @!p0 $0x7  }
0x179: {  	_ =	swait.ge @!p0 [sflag:s0], s1  }
0x17a: {  	s1 =	ssub.s32 @!p0 $0x0, s1;
	[sflag:s0] =	ssyncset.done @!p0 $0x0  }
0x17b: {  	[sflag:s0] =	ssyncadd.s32 @!p0 s1  }
0x17c: {  	[bflag:$0x3] =	sbarrier.arrive $0xFFFF  }
0x17d: {  	_ =	shalt  }

// kernel: kernel.8.cloned.1.call-start
scs
__scs_entry_jumppad:
0x0: {  	(pc) =	sbr.rel $0x88, $3  }
0x1: {  	(tag) =	ssettag $0x0;
	lr =	simm.s32 $0x1  }
0x2: {  	[smem:$0x3F94] =	sst lr;
	_ =	strace $0xD0000000  }
0x3: {  	_ = 	snop  }
0x4: {  	_ = 	snop  }
0x5: {  	_ = 	snop  }
0x6: {  	_ = 	snop  }
0x7: {  	_ = 	snop  }
__scs_overlays_trampoline_lowered:
0x8: {  	[smem:$0x3FA3] =	sst s0  }
0x9: {  	[smem:$0x3FA4] =	sst s1  }
0xa: {  	[smem:$0x3FA5] =	sst s2  }
0xb: {  	[smem:$0x3FA6] =	sst s3  }
0xc: {  	[smem:$0x3FA7] =	sst s4  }
0xd: {  	[smem:$0x3FA8] =	sst s5  }
0xe: {  	[smem:$0x3FA9] =	sst s6  }
0xf: {  	[smem:$0x3FAA] =	sst s7  }
0x10: {  	[smem:$0x3FAB] =	sst s8  }
0x11: {  	[smem:$0x3FAC] =	sst s9;
	s0 =	simm.s32 @!p0 $0x0  }
0x12: {  	s1 =	sld [smem:$0x3F92];
	s0 =	simm.s32 @p0 $0x1  }
0x13: {  	[smem:$0x3FAD] =	sst s0;
	s0 =	simm.s32 @!p1 $0x0  }
0x14: {  	s2 =	sld [smem:$0x3F91];
	s0 =	simm.s32 @p1 $0x1  }
0x15: {  	[smem:$0x3FAE] =	sst s0;
	s0 =	simm.s32 @!p2 $0x0  }
0x16: {  	s3 =	sld [smem:$0x3FDB];
	s0 =	simm.s32 @p2 $0x1  }
0x17: {  	s4 =	simm.s32 $0x1BF5;
	[smem:$0x3FB0] =	sst s0  }
0x18: {  	s0 =	sld [smem:$0x3F93];
	_ =	swait.ge [sflag:s4], $0x0  }
0x19: {  	s7 =	sld [smem:$0x3F94]  }
0x1a: {  	s8 =	sadd.s32 $0xFFFFE003, lr  }
0x1b: {  	s9 =	sadd.s32 $0xFFFFFEF7, lr;
	s5 =	simm.s32 $0xFFFFFFFF;
	p2 =	slt.u32 s8, $0xFFFFF086  }
0x1c: {  	p1 =	slt.u32 s9, $0xF7A;
	s5 =	simm.s32 @!p2 $0x0  }
0x1d: {  	s5 =	simm.s32 @p1 $0x1;
	p0 =	seq.s32 s7, s2  }
0x1e: {  	s7 =	smul.u32 @!p0 $0xF7A, s2;
	p2 =	seq.s32 @!p0 s5, $0x0  }
0x1f: {  	s9 =	smul.u32 $0xF7A, s1;
	s8 =	simm.s32 @!p0 $0x1BF5;
	p2 =	por !p2, p0  }
0x20: {  	[sflag:s8] =	ssyncset.s32 @!p0 $0xFFFFF086;
	s6 =	sadd.s32 @!p0 s3, s7;
	s7 =	simm.s32 @!p0 $0x108  }
0x21: {  	s3 =	sadd.s32 s3, s9;
	s6 =	sadd.s32 @!p0 $0x88, s6;
	s7 =	simm.s32 @p2 $0x1082  }
0x22: {  	[simem:s7], [sflag:s8] =	dma.local @!p0 [hbm:s6], $0xF7A  }
0x23: {  	s9 =	sor.u32 $0xD0000000, s2;
	s6 =	simm.s32 $0x108;
	_ =	swait.ge @!p0 [sflag:s8], $0x0  }
0x24: {  	s3 =	sadd.s32 $0x88, s3;
	s6 =	simm.s32 @!p1 $0x1082;
	[sflag:s4] =	ssyncset.s32 $0xFFFFF086  }
0x25: {  	[simem:s6], [sflag:s4] =	dma.local [hbm:s3], $0xF7A  }
0x26: {  	[smem:$0x3F94] =	sst s1;
	(tag) =	ssettag s2;
	_ =	strace s9  }
0x27: {  	s1 =	sld [smem:$0x3FA4]  }
0x28: {  	s2 =	sld [smem:$0x3FA5]  }
0x29: {  	s4 =	sld [smem:$0x3FA7]  }
0x2a: {  	p0 =	seq.s32 s5, $0x0;
	s5 =	sld [smem:$0x3FA8]  }
0x2b: {  	s6 =	sld [smem:$0x3FA9]  }
0x2c: {  	s7 =	sld [smem:$0x3FAA]  }
0x2d: {  	s3 =	simm.s32 $0x108;
	s8 =	sld [smem:$0x3FAB]  }
0x2e: {  	s3 =	simm.s32 @!p0 $0x1082;
	s9 =	sld [smem:$0x3FAC]  }
0x2f: {  	lr =	sadd.s32 s0, s3;
	s0 =	sld [smem:$0x3FA3]  }
0x30: {  	s3 =	sld [smem:$0x3FA6]  }
0x31: {  	[smem:$0x3FAF] =	sst s10  }
0x32: {  	s10 =	sld [smem:$0x3FAD];
	_ =	sdelay $0x3  }
0x33: {  	p0 =	seq.s32 s10, $0x1;
	s10 =	sld [smem:$0x3FAF];
	_ =	sdelay $0x3  }
0x34: {  	[smem:$0x3FAF] =	sst s10  }
0x35: {  	s10 =	sld [smem:$0x3FAE];
	_ =	sdelay $0x3  }
0x36: {  	p1 =	seq.s32 s10, $0x1;
	s10 =	sld [smem:$0x3FAF];
	_ =	sdelay $0x3  }
0x37: {  	[smem:$0x3FAF] =	sst s10  }
0x38: {  	s10 =	sld [smem:$0x3FB0]  }
0x39: {  	_ = 	snop;
	(pc) =	sbr.ind lr, $3  }
0x3a: {  	_ = 	snop  }
0x3b: {  	_ = 	snop  }
0x3c: {  	p2 =	seq.s32 s10, $0x1;
	s10 =	sld [smem:$0x3FAF]  }
0x3d: {  	_ =	shalt  }
0x3e: {  	_ =	shalt  }
0x3f: {  	_ =	shalt  }
0x40: {  	_ =	shalt  }
0x41: {  	_ =	shalt  }
0x42: {  	_ =	shalt  }
0x43: {  	_ =	shalt  }
0x44: {  	_ =	shalt  }
0x45: {  	_ =	shalt  }
0x46: {  	_ =	shalt  }
0x47: {  	_ =	shalt  }
0x48: {  	_ =	shalt  }
0x49: {  	_ =	shalt  }
0x4a: {  	_ =	shalt  }
0x4b: {  	_ =	shalt  }
0x4c: {  	_ =	shalt  }
0x4d: {  	_ =	shalt  }
0x4e: {  	_ =	shalt  }
0x4f: {  	_ =	shalt  }
0x50: {  	_ =	shalt  }
0x51: {  	_ =	shalt  }
0x52: {  	_ =	shalt  }
0x53: {  	_ =	shalt  }
0x54: {  	_ =	shalt  }
0x55: {  	_ =	shalt  }
0x56: {  	_ =	shalt  }
0x57: {  	_ =	shalt  }
0x58: {  	_ =	shalt  }
0x59: {  	_ =	shalt  }
0x5a: {  	_ =	shalt  }
0x5b: {  	_ =	shalt  }
0x5c: {  	_ =	shalt  }
0x5d: {  	_ =	shalt  }
0x5e: {  	_ =	shalt  }
0x5f: {  	_ =	shalt  }
0x60: {  	_ =	shalt  }
0x61: {  	_ =	shalt  }
0x62: {  	_ =	shalt  }
0x63: {  	_ =	shalt  }
0x64: {  	_ =	shalt  }
0x65: {  	_ =	shalt  }
0x66: {  	_ =	shalt  }
0x67: {  	_ =	shalt  }
0x68: {  	_ =	shalt  }
0x69: {  	_ =	shalt  }
0x6a: {  	_ =	shalt  }
0x6b: {  	_ =	shalt  }
0x6c: {  	_ =	shalt  }
0x6d: {  	_ =	shalt  }
0x6e: {  	_ =	shalt  }
0x6f: {  	_ =	shalt  }
0x70: {  	_ =	shalt  }
0x71: {  	_ =	shalt  }
0x72: {  	_ =	shalt  }
0x73: {  	_ =	shalt  }
0x74: {  	_ =	shalt  }
0x75: {  	_ =	shalt  }
0x76: {  	_ =	shalt  }
0x77: {  	_ =	shalt  }
0x78: {  	_ =	shalt  }
0x79: {  	_ =	shalt  }
0x7a: {  	_ =	shalt  }
0x7b: {  	_ =	shalt  }
0x7c: {  	_ =	shalt  }
0x7d: {  	_ =	shalt  }
0x7e: {  	_ =	shalt  }
0x7f: {  	_ =	shalt  }
0x80: {  	_ =	shalt  }
0x81: {  	_ =	shalt  }
0x82: {  	_ =	shalt  }
0x83: {  	_ =	shalt  }
0x84: {  	_ =	shalt  }
0x85: {  	_ =	shalt  }
0x86: {  	_ =	shalt  }
0x87: {  	_ =	shalt  }
.Lfunc_end0:
.L_simem_size_0:
called_computation_lowered:
.L_overlay_start_0:
0x88: {  	s2 =	sld [smem:$0x3FD9]  }
0x89: {  	s3 =	sld [smem:$0x3FFE];
	_ =	sdelay $0x1  }
0x8a: {  	s1 =	srdreg.scid  }
0x8b: {  	s0 =	sand.u32 $0x1, s1  }
0x8c: {  	s16 =	sshll.u32 s0, $0xA;
	s2 =	sadd.s32 s3, s2  }
0x8d: {  	s2 =	sadd.s32 s2, s16  }
0x8e: {  	[smem:$0x3FBB] =	sst s2  }
0x8f: {  	_ = 	snop  }
0x90: {  	(tm) =	ssettm $0x1  }
0x91: {  	s17 =	sld [smem:$0x3FFB];
	_ =	sdelay $0x3  }
0x92: {  	_ =	strace s17  }
0x93: {  	s2 =	sld [smem:$0x3FFC];
	_ =	sdelay $0x3  }
0x94: {  	_ =	strace s2  }
0x95: {  	s2 =	sld [smem:$0x3FFD];
	_ =	sdelay $0x3  }
0x96: {  	_ =	strace s2  }
0x97: {  	_ =	strace $0x8FFFFFFF  }
0x98: {  	s18 =	sld [smem:$0x3FDB];
	_ =	sdelay $0x1  }
0x99: {  	s19 =	simm.s32 $_scs_section_size  }
0x9a: {  	s4 =	simm.s32 $_size__tile_overlayer_lowered;
	s5 =	simm.s32 $_tile_overlayer_lowered  }
0x9b: {  	s22 =	simm.s32 $0x1BFF;
	s21 =	sshll.u32 s5, $0x1;
	s2 =	sadd.s32 s19, s18  }
0x9c: {  	s6 =	simm.s32 $0x0;
	s20 =	sshll.u32 s4, $0x1;
	s4 =	sadd.s32 s21, s2  }
0x9d: {  	[timem:s6], [sflag:s22] =	dma.local [hbm:s4], s20  }
0x9e: {  	_ =	swait.ge [sflag:s22], s20  }
0x9f: {  	s3 =	ssub.s32 $0x0, s20;
	[sflag:s22] =	ssyncset.done $0x0  }
0xa0: {  	[sflag:s22] =	ssyncadd.s32 s3;
	_ =	sdelay $0x1  }
0xa1: {  	s23 =	simm.s32 $0x1B8B  }
0xa2: {  	_ =	swait.ge [sflag:s23], $0x1  }
0xa3: {  	[sflag:s23] =	ssyncset.done $0x0  }
0xa4: {  	s25 =	simm.s32 $0x1B8E;
	s24 =	sld [smem:$0x3FFE];
	[sflag:s23] =	ssyncadd.s32 $0xFFFFFFFF  }
0xa5: {  	s26 =	simm.s32 $execute0_lowered;
	[smem:$0x3FD2] =	sst s25  }
0xa6: {  	s4 =	sshll.u32 s26, $0x1;
	_ =	strace $0x80000046;
	[dreg:$0x1] =	wrdreg $0xFFFFFFFF  }
0xa7: {  	s28 =	simm.s32 $_size_execute0_lowered;
	s2 =	sadd.s32 s2, s4;
	[dreg:$0x0] =	wrdreg $0x0  }
0xa8: {  	s4 =	sshll.u32 s28, $0x1;
	[dreg:$0x2] =	wrdreg s2  }
0xa9: {  	[dreg:$0x3] =	wrdreg s4  }
0xaa: {  	[dreg:$0x4] =	wrdreg $0xC0  }
0xab: {  	_ =	task [dreg:s6], $0x5FFFF  }
0xac: {  	[dreg:$0x1] =	wrdreg $0xFFFFFFFF  }
0xad: {  	[dreg:$0x0] =	wrdreg $0x60  }
0xae: {  	[dreg:$0x2] =	wrdreg s24  }
0xaf: {  	[dreg:$0x3] =	wrdreg $0x9E200  }
0xb0: {  	[dreg:$0x4] =	wrdreg $0x9  }
0xb1: {  	_ =	task.clear_ibuf [dreg:s6], $0x5FFFF;
	_ =	strace $0x90000046  }
0xb2: {  	s29 =	simm.s32 $0x9;
	_ =	strace $0x80000048  }
0xb3: {  	_ =	swait.ge [sflag:s29], $0x1  }
0xb4: {  	[sflag:s29] =	ssyncadd.s32 $0xFFFFFFFF  }
0xb5: {  	_ =	strace $0x90000048  }
0xb6: {  	_ =	sfence  }
0xb7: {  	s30 =	sld [smem:$0x0];
	_ =	sdelay $0x2  }
0xb8: {  	s31 =	sshll.u32 s1, $0xD;
	s1 =	sshrl.u32 s1, $0x2  }
0xb9: {  	s3 =	sand.u32 $0x4000, s31;
	s1 =	sadd.s32 s1, s30  }
0xba: {  	s0 =	sor.u32 s3, s0;
	s1 =	sshll.u32 s1, $0x11  }
0xbb: {  	s0 =	sor.u32 s1, s0  }
0xbc: {  	s0 =	sadd.s32 $0x8F2B, s0  }
0xbd: {  	[sflag:s0] =	ssyncadd.remote.s32 $0x1  }
0xbe: {  	_ =	sfence.sel $0xFFFF  }
0xbf: {  	[dreg:$0x0] =	wrdreg $0xFFFFFFFF;
	(pc) =	sbr.abs _section_cstart, $3  }
0xc0: {  	[dreg:$0x1] =	wrdreg $0xFFFFFFFF  }
0xc1: {  	_ =	task.clear_ibuf [dreg:s6], $0x2FFFF;
	_ =	strace $0x9FFFFFFF  }
0xc2: {  	(tm) =	ssettm $0x7FFFFFFF  }
0xc3: {  	_ =	shalt  }
tec
execute0_lowered:
.L_overlay_start_1:
0x0: {  	(tag) =	ssettag $0x1  }
0x1: {  	s0 =	srdreg.scid;
	s7 =	rddreg [dreg:$0x0]  }
0x2: {  	s12 =	stileid.u32;
	s2 =	rddreg [dreg:$0x1];
	s4 =	simm.s32 $0x0  }
0x3: {  	s15 =	simm.s32 $0x7;
	s17 =	simm.s32 $0x4E20;
	s18 =	simm.s32 $0x50  }
0x4: {  	s19 =	simm.s32 $0x7620;
	s20 =	simm.s32 $0x1;
	s21 =	simm.s32 $0x3  }
0x5: {  	s22 =	simm.s32 $0x6220;
	s23 =	simm.s32 $0x8A20;
	s29 =	simm.s32 $0x6  }
0x6: {  	s30 =	simm.s32 $0x0;
	s0 =	sand.u32 $0x1, s0;
	s1 =	sshll.u32 s12, $0x1  }
0x7: {  	s8 =	smul.u32 $0xA000, s12;
	[smem:$0x7FF] =	sst s4;
	s5 =	sadd.s32 $0x9C7000, s7  }
0x8: {  	s6 =	sadd.s32 $0x9DAA00, s7;
	s25 =	sshll.u32 s12, $0x6;
	s1 =	sor.u32 s0, s1  }
0x9: {  	s9 =	smul.u32 $0xA0000, s0;
	_ =	strace $0x80000047;
	s0 =	ssub.s32 $0x2, s0  }
0xa: {  	s3 =	smul.u32 $0x2710, s1;
	s11 =	sshrl.u32 s8, $0x3;
	s24 =	sshrl.u32 s0, $0x1  }
0xb: {  	s1 =	smul.u32 $0x13880, s1;
	s14 =	sadd.s32 s8, s2;
	s9 =	sadd.s32 s8, s9  }
0xc: {  	s11 =	sadd.s32 s11, s7;
	s0 =	ssub.s32 s0, s24;
	s8 =	sor.u32 $0x1C07, s25  }
0xd: {  	s14 =	sshrl.u32 s14, $0x3;
	s24 =	simm.s32 $0x2;
	s25 =	simm.s32 $0x4  }
0xe: {  	s10 =	sshrl.u32 s3, $0x3;
	s9 =	sshrl.u32 s9, $0x3;
	s26 =	sadd.s32 $0x4F8C00, s11  }
0xf: {  	s1 =	sadd.s32 s6, s1;
	s10 =	sadd.s32 s10, s7;
	[dreg:$0x3] =	wrdreg s26  }
0x10: {  	s13 =	smax.u32 s0, $0x1;
	[dreg:$0x6] =	wrdreg s1;
	s28 =	sadd.s32 $0x4EEE00, s10  }
0x11: {  	s7 =	sadd.s32 s9, s7;
	s31 =	sadd.s32 $0x4E5000, s10;
	[dreg:$0x4] =	wrdreg s28  }
0x12: {  	s26 =	simm.s32 $0x5;
	s12 =	sadd.s32 $0x50CC00, s7;
	[dreg:$0x5] =	wrdreg s31  }
.LBB2_1:
0x13: {  	s0 =	rddreg [dreg:$0x3]  }
0x14: {  	[spmem:s14], [sflag:s8] =	dma.local [hbm:s0], $0x1400  }
0x15: {  	_ =	swait.ge [sflag:s15], $0x1400  }
0x16: {  	[sflag:s15] =	ssyncset.done $0x0  }
0x17: {  	s11 =	rddreg [dreg:$0x4];
	[sflag:s15] =	ssyncadd.s32 $0xFFFFEC00  }
0x18: {  	[tilespmem:s4], [sflag:$0x7] =	stream.linear.gather [hbm4b:s11+s4], $0x2710, $0x38;
	[tilespmem:$0x13E20] =	vst v63  }
0x19: {  	_ =	swait.ge [sflag:s15], $0x2710  }
0x1a: {  	[sflag:s15] =	ssyncset.done $0x0  }
0x1b: {  	s1 =	simm.s32 $0x2710;
	s16 =	rddreg [dreg:$0x5];
	[sflag:s15] =	ssyncadd.s32 $0xFFFFD8F0  }
0x1c: {  	[tilespmem:s1], [sflag:$0x7] =	stream.linear.gather [hbm4b:s16+s4], $0x2710, $0x38;
	[tilespmem:$0x13E20] =	vst v63  }
0x1d: {  	_ =	swait.ge [sflag:s15], $0x2710  }
0x1e: {  	[sflag:s15] =	ssyncset.done $0x0  }
0x1f: {  	[sflag:s15] =	ssyncadd.s32 $0xFFFFD8F0  }
0x20: {  	[bflag:$0x0] =	sbarrier.arrive $0xFFFF  }
0x21: {  	s28 =	rddreg [dreg:$0x6]  }
0x22: {  	[tilespmem:s17], [sflag:$0x1] =	stream.linear.gather [hbm4b:s28+s4], $0x1400, $0x38;
	[tilespmem:$0x13E20] =	vst v63  }
0x23: {  	s31 =	simm.s32 $0x0  }
0x24: {  	[tilespmem:s19], [sflag:$0x3] =	stream.indirect.gather [hbm4b:s5+s18], $0x40, s4, s18, $0xb8;
	[tilespmem:$0x13E20] =	vst v63  }
.LBB2_2:
0x25: {  	_ =	swait.ge [sflag:s20], $0x1400  }
0x26: {  	[sflag:s20] =	ssyncset.done $0x0  }
0x27: {  	[sflag:s20] =	ssyncadd.s32 $0xFFFFEC00  }
0x28: {  	_ =	swait.ge [sflag:s21], $0x1400  }
0x29: {  	[sflag:s21] =	ssyncset.done $0x0  }
0x2a: {  	s1 =	simm.s32 $0x0;
	[sflag:s21] =	ssyncadd.s32 $0xFFFFEC00  }
0x2b: {  	v0 =	vld [tilespmem:s1+$0x7650]  }
0x2c: {  	v1 =	vld [tilespmem:s1+$0x4E50]  }
0x2d: {  	v2 =	vld [tilespmem:s1+$0x7620]  }
0x2e: {  	v3 =	vld [tilespmem:s1+$0x4E20]  }
0x2f: {  	v4 =	vld [tilespmem:s1+$0x7630]  }
0x30: {  	v5 =	vld [tilespmem:s1+$0x4E30]  }
0x31: {  	v6 =	vld [tilespmem:s1+$0x7640]  }
0x32: {  	v0 =	vadd.f32 v1, v0;
	v1 =	vld [tilespmem:s1+$0x4E40];
	_ =	sdelay $0x1  }
0x33: {  	s0 =	simm.s32 $0x40;
	v0 =	vmul.f32 $1.442695020e+00, v0  }
0x34: {  	v7 =	vld [tilespmem:s0+$0x7650];
	v2 =	vadd.f32 v3, v2  }
0x35: {  	v3 =	vadd.f32 v5, v4;
	v4 =	vld [tilespmem:s0+$0x7620];
	(erf) = vpow2.f32 v0  }
0x36: {  	v2 =	vmul.f32 $1.442695020e+00, v2;
	v0 =	vld [tilespmem:s0+$0x4E50];
	v1 =	vadd.f32 v1, v6  }
0x37: {  	v5 =	vld [tilespmem:s0+$0x4E20];
	v3 =	vmul.f32 $1.442695020e+00, v3  }
0x38: {  	v6 =	vld [tilespmem:s0+$0x7630];
	(erf) = vpow2.f32 v2;
	v1 =	vmul.f32 $1.442695020e+00, v1  }
0x39: {  	v2 =	vld [tilespmem:s0+$0x4E30];
	(erf) = vpow2.f32 v3  }
0x3a: {  	v3 =	vld [tilespmem:s0+$0x7640];
	(erf) = vpow2.f32 v1  }
0x3b: {  	v0 =	vadd.f32 v0, v7;
	v1 =	vld [tilespmem:s0+$0x4E40];
	_ =	sdelay $0x1  }
0x3c: {  	s16 =	simm.s32 $0x80;
	v0 =	vmul.f32 $1.442695020e+00, v0  }
0x3d: {  	v4 =	vadd.f32 v5, v4;
	v7 =	vld [tilespmem:s16+$0x7650];
	v5 =	vpop (erf)  }
0x3e: {  	v2 =	vadd.f32 v2, v6;
	(erf) = vpow2.f32 v0;
	v0 =	vadd.f32 $1.000000000e+00, v5;
	v5 =	vld [tilespmem:s16+$0x4E50]  }
0x3f: {  	v4 =	vmul.f32 $1.442695020e+00, v4;
	v1 =	vadd.f32 v1, v3  }
0x40: {  	v10 =	vld [tilespmem:s16+$0x7640];
	v2 =	vmul.f32 $1.442695020e+00, v2;
	v3 =	vpop (erf);
	(erf) = vrcp.f32 v0  }
0x41: {  	v6 =	vld [tilespmem:s16+$0x7620];
	v8 =	vpop (erf);
	v1 =	vmul.f32 $1.442695020e+00, v1;
	(erf) = vpow2.f32 v4  }
0x42: {  	v3 =	vadd.f32 $1.000000000e+00, v3;
	v0 =	vld [tilespmem:s16+$0x4E20];
	(erf) = vpow2.f32 v2;
	v2 =	vadd.f32 $1.000000000e+00, v8;
	v8 =	vpop (erf)  }
0x43: {  	v5 =	vadd.f32 v5, v7;
	(erf) = vpow2.f32 v1;
	v1 =	vadd.f32 $1.000000000e+00, v8;
	v7 =	vld [tilespmem:s16+$0x4E40]  }
0x44: {  	v9 =	vld [tilespmem:s16+$0x4E30]  }
0x45: {  	v4 =	vld [tilespmem:s16+$0x7630];
	(erf) = vrcp.f32 v3  }
0x46: {  	(erf) = vrcp.f32 v2  }
0x47: {  	s7 =	simm.s32 $0xC0;
	v3 =	vmul.f32 $1.442695020e+00, v5;
	v0 =	vadd.f32 v0, v6;
	(erf) = vrcp.f32 v1;
	v1 =	vpop (erf)  }
0x48: {  	v2 =	vld [tilespmem:s7+$0x7650];
	v1 =	vadd.f32 $1.000000000e+00, v1;
	v7 =	vadd.f32 v7, v10  }
0x49: {  	v6 =	vld [tilespmem:s7+$0x7620];
	(erf) = vpow2.f32 v3;
	v0 =	vmul.f32 $1.442695020e+00, v0;
	v5 =	vpop (erf)  }
0x4a: {  	v3 =	vadd.f32 v9, v4;
	v4 =	vld [tilespmem:s7+$0x4E50];
	(erf) = vrcp.f32 v1;
	v1 =	vadd.f32 v5, v5  }
0x4b: {  	v8 =	vpop (erf);
	v5 =	vld [tilespmem:s7+$0x4E20];
	(erf) = vpow2.f32 v0;
	v0 =	vmul.f32 $1.442695020e+00, v7  }
0x4c: {  	v3 =	vmul.f32 $1.442695020e+00, v3;
	v7 =	vpop (erf)  }
0x4d: {  	v11 =	vld [tilespmem:s7+$0x4E30];
	v7 =	vadd.f32 $1.000000000e+00, v7  }
0x4e: {  	v9 =	vld [tilespmem:s7+$0x7630];
	v8 =	vadd.f32 $1.000000000e+00, v8;
	v10 =	vsub.f32 $1.000000000e+00, v1;
	(erf) = vpow2.f32 v3;
	v1 =	vpop (erf)  }
0x4f: {  	v2 =	vadd.f32 v4, v2;
	v3 =	vld [tilespmem:s7+$0x7640];
	(erf) = vpow2.f32 v0;
	v0 =	vpop (erf);
	v4 =	vadd.f32 $1.000000000e+00, v1  }
0x50: {  	(erf) = vrcp.f32 v8;
	v6 =	vadd.f32 v5, v6;
	v5 =	vld [tilespmem:s7+$0x4E40];
	v1 =	vadd.f32 v0, v0;
	v0 =	vpop (erf)  }
0x51: {  	v8 =	vmul.f32 $1.442695020e+00, v2;
	(erf) = vrcp.f32 v7;
	v7 =	vpop (erf)  }
0x52: {  	s9 =	simm.s32 $0x100;
	(erf) = vrcp.f32 v4;
	v2 =	vadd.f32 v0, v0;
	v12 =	vpop (erf);
	v0 =	vadd.f32 v7, v7  }
0x53: {  	s10 =	simm.s32 $0x500;
	[tilespmem:s1+$0x7650] =	vst v10;
	v4 =	vld [tilespmem:s9+$0x7650];
	v7 =	vadd.f32 v11, v9;
	(erf) = vpow2.f32 v8;
	v8 =	vadd.f32 $1.000000000e+00, v12  }
.LBB2_3:
0x54: {  	p0 =	sne.s32 s10, $0x4F00;
	v9 =	vld [tilespmem:s9+$0x4E50];
	v6 =	vmul.f32 $1.442695020e+00, v6;
	v10 =	vpop (erf);
	v1 =	vsub.f32 $1.000000000e+00, v1;
	v2 =	vsub.f32 $1.000000000e+00, v2  }
0x55: {  	v11 =	vld [tilespmem:s9+$0x7620];
	v13 =	vadd.f32 v5, v3;
	v5 =	vpop (erf);
	(erf) = vrcp.f32 v8;
	v8 =	vadd.f32 v10, v10  }
0x56: {  	v14 =	vmul.f32 $1.442695020e+00, v7;
	v10 =	vld [tilespmem:s9+$0x4E20];
	(erf) = vpow2.f32 v6;
	v6 =	vadd.f32 $1.000000000e+00, v5;
	[tilespmem:s1+$0x7620] =	vst v1  }
0x57: {  	v0 =	vsub.f32 $1.000000000e+00, v0;
	v12 =	vld [tilespmem:s9+$0x7630];
	v13 =	vmul.f32 $1.442695020e+00, v13;
	v3 =	vpop (erf);
	v5 =	vsub.f32 $1.000000000e+00, v8;
	[tilespmem:s1+$0x7630] =	vst v2  }
0x58: {  	v8 =	vld [tilespmem:s9+$0x4E30];
	(erf) = vpow2.f32 v14;
	v2 =	vadd.f32 $1.000000000e+00, v3;
	v7 =	vpop (erf)  }
.Ltmp0:
0x59: {  	v3 =	vld [tilespmem:s9+$0x7640];
	v4 =	vadd.f32 v9, v4;
	(erf) = vpow2.f32 v13;
	v7 =	vadd.f32 $1.000000000e+00, v7;
	[tilespmem:s0+$0x7650] =	vst v5;
	v1 =	vpop (erf);
	(pc) =	sbr.rel @p0 .LBB2_3-.Ltmp0, $4  }
0x5a: {  	v5 =	vld [tilespmem:s9+$0x4E40];
	(erf) = vrcp.f32 v6;
	v1 =	vadd.f32 v1, v1;
	v9 =	vpop (erf);
	[tilespmem:s1+$0x7640] =	vst v0;
	s1 =	smov.u32 s0;
	s0 =	smov.u32 s16;
	s16 =	smov.u32 s7  }
0x5b: {  	s7 =	smov.u32 s9;
	v6 =	vadd.f32 v10, v11;
	v10 =	vmul.f32 $1.442695020e+00, v4;
	(erf) = vrcp.f32 v2;
	v0 =	vpop (erf)  }
0x5c: {  	s9 =	sshra.s32 s10, $0x2;
	v2 =	vadd.f32 v9, v9;
	v11 =	vpop (erf);
	(erf) = vrcp.f32 v7;
	v0 =	vadd.f32 v0, v0  }
0x5d: {  	s10 =	sadd.s32 $0x100, s10;
	v4 =	vld [tilespmem:s9+$0x7650];
	v7 =	vadd.f32 v8, v12;
	(erf) = vpow2.f32 v10;
	v8 =	vadd.f32 $1.000000000e+00, v11  }
0x5e: {  	_ = 	snop  }
0x5f: {  	v9 =	vld [tilespmem:s9+$0x4E50];
	v6 =	vmul.f32 $1.442695020e+00, v6;
	v3 =	vadd.f32 v5, v3  }
0x60: {  	v10 =	vld [tilespmem:s9+$0x7620];
	v11 =	vpop (erf);
	v7 =	vmul.f32 $1.442695020e+00, v7  }
0x61: {  	v12 =	vld [tilespmem:s9+$0x4E20];
	v5 =	vpop (erf);
	v3 =	vmul.f32 $1.442695020e+00, v3  }
0x62: {  	v13 =	vld [tilespmem:s9+$0x7630];
	(erf) = vrcp.f32 v8;
	v5 =	vadd.f32 $1.000000000e+00, v5;
	v8 =	vpop (erf)  }
0x63: {  	v14 =	vld [tilespmem:s9+$0x4E30];
	(erf) = vpow2.f32 v6;
	v6 =	vpop (erf);
	v8 =	vadd.f32 $1.000000000e+00, v8  }
0x64: {  	v15 =	vld [tilespmem:s9+$0x7640];
	(erf) = vpow2.f32 v7;
	v7 =	vpop (erf)  }
0x65: {  	v16 =	vld [tilespmem:s9+$0x4E40];
	(erf) = vpow2.f32 v3;
	v3 =	vpop (erf)  }
0x66: {  	v4 =	vadd.f32 v9, v4;
	(erf) = vrcp.f32 v5;
	v5 =	vpop (erf)  }
0x67: {  	v6 =	vadd.f32 $1.000000000e+00, v6;
	(erf) = vrcp.f32 v8;
	v8 =	vpop (erf)  }
0x68: {  	v9 =	vadd.f32 v12, v10;
	v4 =	vmul.f32 $1.442695020e+00, v4;
	v8 =	vadd.f32 $1.000000000e+00, v8  }
0x69: {  	(erf) = vrcp.f32 v6;
	v6 =	vadd.f32 v14, v13  }
0x6a: {  	(erf) = vpow2.f32 v4;
	v4 =	vmul.f32 $1.442695020e+00, v9;
	v9 =	vadd.f32 v16, v15  }
0x6b: {  	v6 =	vmul.f32 $1.442695020e+00, v6;
	(erf) = vrcp.f32 v8  }
0x6c: {  	v8 =	vpop (erf);
	(erf) = vpow2.f32 v4;
	v4 =	vmul.f32 $1.442695020e+00, v9;
	_ =	sdelay $0x1  }
0x6d: {  	v9 =	vpop (erf)  }
0x6e: {  	(erf) = vpow2.f32 v6;
	v6 =	vpop (erf)  }
0x6f: {  	(erf) = vpow2.f32 v4;
	v9 =	vadd.f32 $1.000000000e+00, v9;
	v4 =	vpop (erf)  }
0x70: {  	v10 =	vpop (erf)  }
0x71: {  	v61 =	vpop (erf)  }
0x72: {  	v6 =	vadd.f32 $1.000000000e+00, v6;
	v4 =	vadd.f32 $1.000000000e+00, v4;
	v62 =	vpop (erf)  }
0x73: {  	v1 =	vsub.f32 $1.000000000e+00, v1;
	v2 =	vsub.f32 $1.000000000e+00, v2;
	(erf) = vrcp.f32 v9;
	v9 =	vpop (erf)  }
0x74: {  	v7 =	vadd.f32 v7, v7;
	(erf) = vrcp.f32 v6;
	v6 =	vadd.f32 $1.000000000e+00, v9  }
0x75: {  	v0 =	vsub.f32 $1.000000000e+00, v0;
	v11 =	vadd.f32 v11, v11;
	[tilespmem:s1+$0x7620] =	vst v1;
	v9 =	vpop (erf)  }
0x76: {  	[tilespmem:s1+$0x7630] =	vst v2;
	v1 =	vadd.f32 v3, v3;
	v2 =	vsub.f32 $1.000000000e+00, v7;
	(erf) = vrcp.f32 v4;
	v4 =	vpop (erf)  }
0x77: {  	[tilespmem:s1+$0x7640] =	vst v0;
	v0 =	vadd.f32 v5, v5;
	(erf) = vrcp.f32 v6;
	v3 =	vadd.f32 $1.000000000e+00, v4;
	v4 =	vpop (erf)  }
0x78: {  	v1 =	vsub.f32 $1.000000000e+00, v1;
	v4 =	vadd.f32 $1.000000000e+00, v4;
	v6 =	vpop (erf)  }
0x79: {  	v7 =	vadd.f32 v8, v8;
	(erf) = vrcp.f32 v3;
	v6 =	vadd.f32 $1.000000000e+00, v6  }
0x7a: {  	v0 =	vsub.f32 $1.000000000e+00, v0;
	[tilespmem:s0+$0x7630] =	vst v1;
	v1 =	vadd.f32 v61, v61;
	(erf) = vrcp.f32 v4  }
0x7b: {  	[tilespmem:s0+$0x7620] =	vst v2;
	v2 =	vsub.f32 $1.000000000e+00, v7;
	v3 =	vadd.f32 v10, v10;
	(erf) = vrcp.f32 v6  }
0x7c: {  	v11 =	vsub.f32 $1.000000000e+00, v11;
	[tilespmem:s0+$0x7640] =	vst v0;
	v1 =	vsub.f32 $1.000000000e+00, v1;
	v4 =	vpop (erf)  }
0x7d: {  	[tilespmem:s16+$0x7650] =	vst v2;
	v2 =	vsub.f32 $1.000000000e+00, v3;
	v3 =	vadd.f32 v9, v9;
	v5 =	vpop (erf)  }
0x7e: {  	v0 =	vadd.f32 v62, v62;
	[tilespmem:s16+$0x7630] =	vst v1;
	v1 =	vadd.f32 v5, v5  }
0x7f: {  	[tilespmem:s16+$0x7620] =	vst v2;
	v2 =	vsub.f32 $1.000000000e+00, v3;
	v3 =	vadd.f32 v4, v4;
	v4 =	vpop (erf)  }
0x80: {  	[tilespmem:s0+$0x7650] =	vst v11;
	v0 =	vsub.f32 $1.000000000e+00, v0;
	v5 =	vpop (erf);
	v1 =	vsub.f32 $1.000000000e+00, v1  }
0x81: {  	[tilespmem:s7+$0x7650] =	vst v2;
	v2 =	vsub.f32 $1.000000000e+00, v3;
	v3 =	vadd.f32 v5, v5  }
0x82: {  	[tilespmem:s16+$0x7640] =	vst v0;
	v0 =	vadd.f32 v4, v4;
	v4 =	vpop (erf)  }
0x83: {  	[tilespmem:s7+$0x7620] =	vst v2;
	v2 =	vsub.f32 $1.000000000e+00, v3;
	v3 =	vadd.f32 v4, v4;
	v4 =	vpop (erf)  }
0x84: {  	v0 =	vsub.f32 $1.000000000e+00, v0;
	[tilespmem:s7+$0x7630] =	vst v1;
	v4 =	vadd.f32 v4, v4;
	v1 =	vpop (erf)  }
0x85: {  	[tilespmem:s9+$0x7650] =	vst v2;
	v2 =	vsub.f32 $1.000000000e+00, v3;
	v1 =	vadd.f32 v1, v1  }
0x86: {  	[tilespmem:s7+$0x7640] =	vst v0;
	s7 =	smul.u32 $0x280, s31;
	v0 =	vsub.f32 $1.000000000e+00, v4  }
0x87: {  	[tilespmem:s9+$0x7620] =	vst v2;
	v1 =	vsub.f32 $1.000000000e+00, v1  }
0x88: {  	s0 =	sshra.s32 s7, $0x2;
	[tilespmem:s9+$0x7630] =	vst v0  }
0x89: {  	s1 =	smul.u32 $0xA0, s31;
	s0 =	sadd.s32 $0x2710, s0;
	[tilespmem:s9+$0x7640] =	vst v1  }
0x8a: {  	[spmem:s2] =	stream.indirect.scatter.add.f32 [tilespmem:s19], [sflag:$0x5], $0x40, s0, s18, $0xb8;
	[tilespmem:$0x13E20] =	vst v63  }
0x8b: {  	p0 =	seq.s32 s31, $0x0;
	s0 =	sadd.s32 $0x50, s1  }
0x8c: {  	s7 =	simm.s32 @!p0 $0x6;
	s10 =	sadd.s32 s3, s0  }
0x8d: {  	_ =	swait.ge @!p0 [sflag:s7], $0x1400;
	s9 =	sshll.u32 s10, $0x3  }
0x8e: {  	[sflag:s7] =	ssyncset.done @!p0 $0x0;
	s9 =	sand.u32 $0x1FFFFF80, s9  }
0x8f: {  	s16 =	simm.s32 $0x0;
	[sflag:s7] =	ssyncadd.s32 @!p0 $0xFFFFEC00;
	s11 =	sadd.s32 s6, s9  }
0x90: {  	[tilespmem:s22], [sflag:$0x2] =	stream.linear.gather [hbm4b:s11+s16], $0x1400, $0x38;
	[tilespmem:$0x13E20] =	vst v63  }
0x91: {  	_ = 	snop  }
0x92: {  	[tilespmem:s23], [sflag:$0x4] =	stream.indirect.gather [hbm4b:s5+s18], $0x40, s0, s18, $0xb8;
	[tilespmem:$0x13E20] =	vst v63  }
0x93: {  	_ =	swait.ge [sflag:s24], $0x1400  }
0x94: {  	[sflag:s24] =	ssyncset.done $0x0  }
0x95: {  	[sflag:s24] =	ssyncadd.s32 $0xFFFFEC00  }
0x96: {  	_ =	swait.ge [sflag:s25], $0x1400  }
0x97: {  	[sflag:s25] =	ssyncset.done $0x0  }
0x98: {  	s28 =	simm.s32 $0x0;
	[sflag:s25] =	ssyncadd.s32 $0xFFFFEC00  }
0x99: {  	v0 =	vld [tilespmem:s28+$0x8A50]  }
0x9a: {  	v1 =	vld [tilespmem:s28+$0x6250]  }
0x9b: {  	v2 =	vld [tilespmem:s28+$0x8A20]  }
0x9c: {  	v3 =	vld [tilespmem:s28+$0x6220]  }
0x9d: {  	v4 =	vld [tilespmem:s28+$0x8A30]  }
0x9e: {  	v5 =	vld [tilespmem:s28+$0x6230]  }
0x9f: {  	v6 =	vld [tilespmem:s28+$0x8A40]  }
0xa0: {  	v0 =	vadd.f32 v1, v0;
	v1 =	vld [tilespmem:s28+$0x6240];
	_ =	sdelay $0x1  }
0xa1: {  	s16 =	simm.s32 $0x40;
	v0 =	vmul.f32 $1.442695020e+00, v0  }
0xa2: {  	v7 =	vld [tilespmem:s16+$0x8A50];
	v2 =	vadd.f32 v3, v2  }
0xa3: {  	v3 =	vadd.f32 v5, v4;
	v4 =	vld [tilespmem:s16+$0x8A20];
	(erf) = vpow2.f32 v0  }
0xa4: {  	v2 =	vmul.f32 $1.442695020e+00, v2;
	v0 =	vld [tilespmem:s16+$0x6250];
	v1 =	vadd.f32 v1, v6  }
0xa5: {  	v5 =	vld [tilespmem:s16+$0x6220];
	v3 =	vmul.f32 $1.442695020e+00, v3  }
0xa6: {  	v6 =	vld [tilespmem:s16+$0x8A30];
	(erf) = vpow2.f32 v2;
	v1 =	vmul.f32 $1.442695020e+00, v1  }
0xa7: {  	v2 =	vld [tilespmem:s16+$0x6230];
	(erf) = vpow2.f32 v3  }
0xa8: {  	v3 =	vld [tilespmem:s16+$0x8A40];
	(erf) = vpow2.f32 v1  }
0xa9: {  	v0 =	vadd.f32 v0, v7;
	v1 =	vld [tilespmem:s16+$0x6240];
	_ =	sdelay $0x1  }
0xaa: {  	s7 =	simm.s32 $0x80;
	v0 =	vmul.f32 $1.442695020e+00, v0  }
0xab: {  	v4 =	vadd.f32 v5, v4;
	v7 =	vld [tilespmem:s7+$0x8A50];
	v5 =	vpop (erf)  }
0xac: {  	v2 =	vadd.f32 v2, v6;
	(erf) = vpow2.f32 v0;
	v0 =	vadd.f32 $1.000000000e+00, v5;
	v5 =	vld [tilespmem:s7+$0x6250]  }
0xad: {  	v4 =	vmul.f32 $1.442695020e+00, v4;
	v1 =	vadd.f32 v1, v3  }
0xae: {  	v10 =	vld [tilespmem:s7+$0x8A40];
	v2 =	vmul.f32 $1.442695020e+00, v2;
	v3 =	vpop (erf);
	(erf) = vrcp.f32 v0  }
0xaf: {  	v6 =	vld [tilespmem:s7+$0x8A20];
	v8 =	vpop (erf);
	v1 =	vmul.f32 $1.442695020e+00, v1;
	(erf) = vpow2.f32 v4  }
0xb0: {  	v3 =	vadd.f32 $1.000000000e+00, v3;
	v0 =	vld [tilespmem:s7+$0x6220];
	(erf) = vpow2.f32 v2;
	v2 =	vadd.f32 $1.000000000e+00, v8;
	v8 =	vpop (erf)  }
0xb1: {  	v5 =	vadd.f32 v5, v7;
	(erf) = vpow2.f32 v1;
	v1 =	vadd.f32 $1.000000000e+00, v8;
	v7 =	vld [tilespmem:s7+$0x6240]  }
0xb2: {  	v9 =	vld [tilespmem:s7+$0x6230]  }
0xb3: {  	v4 =	vld [tilespmem:s7+$0x8A30];
	(erf) = vrcp.f32 v3  }
0xb4: {  	(erf) = vrcp.f32 v2  }
0xb5: {  	s9 =	simm.s32 $0xC0;
	v3 =	vmul.f32 $1.442695020e+00, v5;
	v0 =	vadd.f32 v0, v6;
	(erf) = vrcp.f32 v1;
	v1 =	vpop (erf)  }
0xb6: {  	v2 =	vld [tilespmem:s9+$0x8A50];
	v1 =	vadd.f32 $1.000000000e+00, v1;
	v7 =	vadd.f32 v7, v10  }
0xb7: {  	v6 =	vld [tilespmem:s9+$0x8A20];
	(erf) = vpow2.f32 v3;
	v0 =	vmul.f32 $1.442695020e+00, v0;
	v5 =	vpop (erf)  }
0xb8: {  	v3 =	vadd.f32 v9, v4;
	v4 =	vld [tilespmem:s9+$0x6250];
	(erf) = vrcp.f32 v1;
	v1 =	vadd.f32 v5, v5  }
0xb9: {  	v8 =	vpop (erf);
	v5 =	vld [tilespmem:s9+$0x6220];
	(erf) = vpow2.f32 v0;
	v0 =	vmul.f32 $1.442695020e+00, v7  }
0xba: {  	v3 =	vmul.f32 $1.442695020e+00, v3;
	v7 =	vpop (erf)  }
0xbb: {  	v11 =	vld [tilespmem:s9+$0x6230];
	v7 =	vadd.f32 $1.000000000e+00, v7  }
0xbc: {  	v9 =	vld [tilespmem:s9+$0x8A30];
	v8 =	vadd.f32 $1.000000000e+00, v8;
	v10 =	vsub.f32 $1.000000000e+00, v1;
	(erf) = vpow2.f32 v3;
	v1 =	vpop (erf)  }
0xbd: {  	v2 =	vadd.f32 v4, v2;
	v3 =	vld [tilespmem:s9+$0x8A40];
	(erf) = vpow2.f32 v0;
	v0 =	vpop (erf);
	v4 =	vadd.f32 $1.000000000e+00, v1  }
0xbe: {  	(erf) = vrcp.f32 v8;
	v6 =	vadd.f32 v5, v6;
	v5 =	vld [tilespmem:s9+$0x6240];
	v1 =	vadd.f32 v0, v0;
	v0 =	vpop (erf)  }
0xbf: {  	v8 =	vmul.f32 $1.442695020e+00, v2;
	(erf) = vrcp.f32 v7;
	v7 =	vpop (erf)  }
0xc0: {  	s10 =	simm.s32 $0x100;
	(erf) = vrcp.f32 v4;
	v2 =	vadd.f32 v0, v0;
	v63 =	vpop (erf);
	v0 =	vadd.f32 v7, v7  }
0xc1: {  	s11 =	simm.s32 $0x500;
	[tilespmem:s28+$0x8A50] =	vst v10;
	v4 =	vld [tilespmem:s10+$0x8A50];
	v7 =	vadd.f32 v11, v9;
	(erf) = vpow2.f32 v8;
	v8 =	vadd.f32 $1.000000000e+00, v63  }
.LBB2_5:
0xc2: {  	p0 =	sne.s32 s11, $0x4F00;
	v9 =	vld [tilespmem:s10+$0x6250];
	v6 =	vmul.f32 $1.442695020e+00, v6;
	v10 =	vpop (erf);
	v1 =	vsub.f32 $1.000000000e+00, v1;
	v2 =	vsub.f32 $1.000000000e+00, v2  }
0xc3: {  	v11 =	vld [tilespmem:s10+$0x8A20];
	v13 =	vadd.f32 v5, v3;
	v5 =	vpop (erf);
	(erf) = vrcp.f32 v8;
	v8 =	vadd.f32 v10, v10  }
0xc4: {  	v14 =	vmul.f32 $1.442695020e+00, v7;
	v10 =	vld [tilespmem:s10+$0x6220];
	(erf) = vpow2.f32 v6;
	v6 =	vadd.f32 $1.000000000e+00, v5;
	[tilespmem:s28+$0x8A20] =	vst v1  }
0xc5: {  	v0 =	vsub.f32 $1.000000000e+00, v0;
	v12 =	vld [tilespmem:s10+$0x8A30];
	v13 =	vmul.f32 $1.442695020e+00, v13;
	v3 =	vpop (erf);
	v5 =	vsub.f32 $1.000000000e+00, v8;
	[tilespmem:s28+$0x8A30] =	vst v2  }
0xc6: {  	v8 =	vld [tilespmem:s10+$0x6230];
	(erf) = vpow2.f32 v14;
	v2 =	vadd.f32 $1.000000000e+00, v3;
	v7 =	vpop (erf)  }
.Ltmp1:
0xc7: {  	v3 =	vld [tilespmem:s10+$0x8A40];
	v4 =	vadd.f32 v9, v4;
	(erf) = vpow2.f32 v13;
	v7 =	vadd.f32 $1.000000000e+00, v7;
	[tilespmem:s16+$0x8A50] =	vst v5;
	v1 =	vpop (erf);
	(pc) =	sbr.rel @p0 .LBB2_5-.Ltmp1, $4  }
0xc8: {  	v5 =	vld [tilespmem:s10+$0x6240];
	(erf) = vrcp.f32 v6;
	v1 =	vadd.f32 v1, v1;
	v9 =	vpop (erf);
	[tilespmem:s28+$0x8A40] =	vst v0;
	s28 =	smov.u32 s16;
	s16 =	smov.u32 s7;
	s7 =	smov.u32 s9  }
0xc9: {  	s9 =	smov.u32 s10;
	v6 =	vadd.f32 v10, v11;
	v10 =	vmul.f32 $1.442695020e+00, v4;
	(erf) = vrcp.f32 v2;
	v0 =	vpop (erf)  }
0xca: {  	s10 =	sshra.s32 s11, $0x2;
	v2 =	vadd.f32 v9, v9;
	v11 =	vpop (erf);
	(erf) = vrcp.f32 v7;
	v0 =	vadd.f32 v0, v0  }
0xcb: {  	s11 =	sadd.s32 $0x100, s11;
	v4 =	vld [tilespmem:s10+$0x8A50];
	v7 =	vadd.f32 v8, v12;
	(erf) = vpow2.f32 v10;
	v8 =	vadd.f32 $1.000000000e+00, v11  }
0xcc: {  	v9 =	vld [tilespmem:s10+$0x6250]  }
0xcd: {  	v10 =	vld [tilespmem:s10+$0x8A20]  }
0xce: {  	v11 =	vpop (erf);
	v12 =	vld [tilespmem:s10+$0x6220]  }
0xcf: {  	v6 =	vmul.f32 $1.442695020e+00, v6;
	v13 =	vld [tilespmem:s10+$0x8A30];
	v3 =	vadd.f32 v5, v3;
	v58 =	vpop (erf)  }
0xd0: {  	v14 =	vld [tilespmem:s10+$0x6230];
	(erf) = vrcp.f32 v8;
	v7 =	vmul.f32 $1.442695020e+00, v7;
	v59 =	vpop (erf)  }
0xd1: {  	v15 =	vld [tilespmem:s10+$0x8A40];
	(erf) = vpow2.f32 v6;
	v3 =	vmul.f32 $1.442695020e+00, v3;
	v60 =	vpop (erf)  }
0xd2: {  	v16 =	vld [tilespmem:s10+$0x6240];
	v5 =	vadd.f32 $1.000000000e+00, v58;
	(erf) = vpow2.f32 v7;
	v61 =	vpop (erf)  }
0xd3: {  	v8 =	vadd.f32 $1.000000000e+00, v59;
	v4 =	vadd.f32 v9, v4;
	(erf) = vpow2.f32 v3;
	v62 =	vpop (erf)  }
0xd4: {  	v6 =	vadd.f32 $1.000000000e+00, v60;
	(erf) = vrcp.f32 v5;
	v63 =	vpop (erf)  }
0xd5: {  	v17 =	vadd.f32 v12, v10;
	v4 =	vmul.f32 $1.442695020e+00, v4;
	(erf) = vrcp.f32 v8;
	v18 =	vpop (erf)  }
0xd6: {  	v19 =	vadd.f32 v14, v13;
	(erf) = vrcp.f32 v6;
	v8 =	vadd.f32 $1.000000000e+00, v18  }
0xd7: {  	v21 =	vadd.f32 v16, v15;
	v20 =	vmul.f32 $1.442695020e+00, v17;
	(erf) = vpow2.f32 v4  }
0xd8: {  	v6 =	vmul.f32 $1.442695020e+00, v19;
	(erf) = vrcp.f32 v8  }
0xd9: {  	v23 =	vmul.f32 $1.442695020e+00, v21;
	v22 =	vpop (erf);
	(erf) = vpow2.f32 v20  }
0xda: {  	v24 =	vpop (erf);
	(erf) = vpow2.f32 v6  }
0xdb: {  	v25 =	vpop (erf);
	(erf) = vpow2.f32 v23  }
0xdc: {  	v26 =	vpop (erf)  }
0xdd: {  	v27 =	vpop (erf)  }
0xde: {  	v1 =	vsub.f32 $1.000000000e+00, v1;
	v2 =	vsub.f32 $1.000000000e+00, v2;
	v28 =	vpop (erf)  }
0xdf: {  	v11 =	vadd.f32 v11, v11;
	v9 =	vadd.f32 $1.000000000e+00, v24;
	v29 =	vpop (erf)  }
0xe0: {  	v0 =	vsub.f32 $1.000000000e+00, v0;
	v6 =	vadd.f32 $1.000000000e+00, v25;
	v30 =	vpop (erf)  }
0xe1: {  	v11 =	vsub.f32 $1.000000000e+00, v11;
	v4 =	vadd.f32 $1.000000000e+00, v26;
	(erf) = vrcp.f32 v9;
	v32 =	vpop (erf)  }
0xe2: {  	v7 =	vadd.f32 v61, v61;
	(erf) = vrcp.f32 v6;
	v31 =	vadd.f32 $1.000000000e+00, v30;
	v33 =	vpop (erf)  }
0xe3: {  	[tilespmem:s28+$0x8A20] =	vst v1;
	v34 =	vadd.f32 v62, v62;
	(erf) = vrcp.f32 v4;
	v35 =	vadd.f32 $1.000000000e+00, v33;
	v36 =	vpop (erf)  }
0xe4: {  	[tilespmem:s28+$0x8A30] =	vst v2;
	v37 =	vsub.f32 $1.000000000e+00, v7;
	(erf) = vrcp.f32 v31;
	v4 =	vadd.f32 $1.000000000e+00, v36;
	v38 =	vpop (erf)  }
0xe5: {  	[tilespmem:s28+$0x8A40] =	vst v0;
	v40 =	vadd.f32 v63, v63;
	v6 =	vadd.f32 $1.000000000e+00, v38;
	(erf) = vrcp.f32 v35  }
0xe6: {  	[tilespmem:s16+$0x8A50] =	vst v11;
	v1 =	vsub.f32 $1.000000000e+00, v34;
	v39 =	vadd.f32 v22, v22;
	(erf) = vrcp.f32 v4  }
0xe7: {  	[tilespmem:s16+$0x8A20] =	vst v37;
	v0 =	vsub.f32 $1.000000000e+00, v40;
	v42 =	vadd.f32 v27, v27;
	(erf) = vrcp.f32 v6  }
0xe8: {  	[tilespmem:s16+$0x8A30] =	vst v1;
	v41 =	vsub.f32 $1.000000000e+00, v39;
	v43 =	vadd.f32 v28, v28  }
0xe9: {  	[tilespmem:s16+$0x8A40] =	vst v0;
	v44 =	vsub.f32 $1.000000000e+00, v42;
	v47 =	vadd.f32 v29, v29  }
0xea: {  	[tilespmem:s7+$0x8A50] =	vst v41;
	v1 =	vsub.f32 $1.000000000e+00, v43;
	v45 =	vadd.f32 v32, v32;
	v46 =	vpop (erf)  }
0xeb: {  	[tilespmem:s7+$0x8A20] =	vst v44;
	v0 =	vsub.f32 $1.000000000e+00, v47;
	v48 =	vpop (erf);
	v50 =	vadd.f32 v46, v46  }
0xec: {  	[tilespmem:s7+$0x8A30] =	vst v1;
	v49 =	vsub.f32 $1.000000000e+00, v45;
	v51 =	vpop (erf);
	v52 =	vadd.f32 v48, v48  }
0xed: {  	[tilespmem:s7+$0x8A40] =	vst v0;
	v54 =	vsub.f32 $1.000000000e+00, v50;
	v56 =	vadd.f32 v51, v51;
	v53 =	vpop (erf)  }
0xee: {  	[tilespmem:s9+$0x8A50] =	vst v49;
	v1 =	vsub.f32 $1.000000000e+00, v52;
	v55 =	vadd.f32 v53, v53;
	v57 =	vpop (erf)  }
0xef: {  	[tilespmem:s9+$0x8A20] =	vst v54;
	v0 =	vsub.f32 $1.000000000e+00, v56;
	v59 =	vadd.f32 v57, v57;
	v60 =	vpop (erf)  }
0xf0: {  	[tilespmem:s9+$0x8A30] =	vst v1;
	v58 =	vsub.f32 $1.000000000e+00, v55;
	v61 =	vpop (erf);
	v4 =	vadd.f32 v60, v60  }
0xf1: {  	[tilespmem:s9+$0x8A40] =	vst v0;
	v1 =	vadd.f32 v61, v61;
	v62 =	vsub.f32 $1.000000000e+00, v59  }
0xf2: {  	[tilespmem:s10+$0x8A50] =	vst v58;
	v63 =	vsub.f32 $1.000000000e+00, v4  }
0xf3: {  	[tilespmem:s10+$0x8A20] =	vst v62;
	v1 =	vsub.f32 $1.000000000e+00, v1  }
0xf4: {  	s28 =	sadd.s32 $0xA0, s1;
	[tilespmem:s10+$0x8A30] =	vst v63  }
0xf5: {  	s0 =	sadd.s32 $0x2710, s0;
	s31 =	sadd.s32 $0x1, s31;
	s1 =	sadd.s32 s3, s28;
	[tilespmem:s10+$0x8A40] =	vst v1  }
0xf6: {  	[spmem:s2] =	stream.indirect.scatter.add.f32 [tilespmem:s23], [sflag:$0x6], $0x40, s0, s18, $0xb8;
	[tilespmem:$0x13E20] =	vst v63  }
0xf7: {  	p0 =	sne.s32 s31, $0x3E;
	s1 =	sshll.u32 s1, $0x3;
	_ =	swait.ge [sflag:s26], $0x1400  }
.Ltmp2:
0xf8: {  	s1 =	sand.u32 $0x1FFFFF80, s1;
	[sflag:s26] =	ssyncset.done $0x0;
	(pc) =	sbr.rel @p0 .LBB2_2-.Ltmp2, $4  }
0xf9: {  	s1 =	sadd.s32 s6, s1;
	[sflag:s26] =	ssyncadd.s32 $0xFFFFEC00  }
0xfa: {  	[tilespmem:s17], [sflag:$0x1] =	stream.linear.gather [hbm4b:s1+s4], $0x1400, $0x38;
	[tilespmem:$0x13E20] =	vst v63  }
0xfb: {  	_ = 	snop  }
0xfc: {  	[tilespmem:s19], [sflag:$0x3] =	stream.indirect.gather [hbm4b:s5+s18], $0x40, s28, s18, $0xb8;
	[tilespmem:$0x13E20] =	vst v63  }
0xfd: {  	_ =	swait.ge [sflag:s20], $0x1400  }
0xfe: {  	[sflag:s20] =	ssyncset.done $0x0  }
0xff: {  	[sflag:s20] =	ssyncadd.s32 $0xFFFFEC00  }
0x100: {  	_ =	swait.ge [sflag:s21], $0x1400  }
0x101: {  	[sflag:s21] =	ssyncset.done $0x0  }
0x102: {  	s1 =	simm.s32 $0x0;
	[sflag:s21] =	ssyncadd.s32 $0xFFFFEC00  }
0x103: {  	v0 =	vld [tilespmem:s1+$0x7650]  }
0x104: {  	v1 =	vld [tilespmem:s1+$0x4E50]  }
0x105: {  	v2 =	vld [tilespmem:s1+$0x7620]  }
0x106: {  	v3 =	vld [tilespmem:s1+$0x4E20]  }
0x107: {  	v4 =	vld [tilespmem:s1+$0x7630]  }
0x108: {  	v5 =	vld [tilespmem:s1+$0x4E30]  }
0x109: {  	v6 =	vld [tilespmem:s1+$0x7640]  }
0x10a: {  	v0 =	vadd.f32 v1, v0;
	v1 =	vld [tilespmem:s1+$0x4E40];
	_ =	sdelay $0x1  }
0x10b: {  	s0 =	simm.s32 $0x40;
	v0 =	vmul.f32 $1.442695020e+00, v0  }
0x10c: {  	v7 =	vld [tilespmem:s0+$0x7650];
	v2 =	vadd.f32 v3, v2  }
0x10d: {  	v3 =	vadd.f32 v5, v4;
	v4 =	vld [tilespmem:s0+$0x7620];
	(erf) = vpow2.f32 v0  }
0x10e: {  	v2 =	vmul.f32 $1.442695020e+00, v2;
	v0 =	vld [tilespmem:s0+$0x4E50];
	v1 =	vadd.f32 v1, v6  }
0x10f: {  	v5 =	vld [tilespmem:s0+$0x4E20];
	v3 =	vmul.f32 $1.442695020e+00, v3  }
0x110: {  	v6 =	vld [tilespmem:s0+$0x7630];
	(erf) = vpow2.f32 v2;
	v1 =	vmul.f32 $1.442695020e+00, v1  }
0x111: {  	v2 =	vld [tilespmem:s0+$0x4E30];
	(erf) = vpow2.f32 v3  }
0x112: {  	v3 =	vld [tilespmem:s0+$0x7640];
	(erf) = vpow2.f32 v1  }
0x113: {  	v0 =	vadd.f32 v0, v7;
	v1 =	vld [tilespmem:s0+$0x4E40];
	_ =	sdelay $0x1  }
0x114: {  	s7 =	simm.s32 $0x80;
	v0 =	vmul.f32 $1.442695020e+00, v0  }
0x115: {  	v4 =	vadd.f32 v5, v4;
	v7 =	vld [tilespmem:s7+$0x7650];
	v5 =	vpop (erf)  }
0x116: {  	v2 =	vadd.f32 v2, v6;
	(erf) = vpow2.f32 v0;
	v0 =	vadd.f32 $1.000000000e+00, v5;
	v5 =	vld [tilespmem:s7+$0x4E50]  }
0x117: {  	v4 =	vmul.f32 $1.442695020e+00, v4;
	v1 =	vadd.f32 v1, v3  }
0x118: {  	v10 =	vld [tilespmem:s7+$0x7640];
	v2 =	vmul.f32 $1.442695020e+00, v2;
	v3 =	vpop (erf);
	(erf) = vrcp.f32 v0  }
0x119: {  	v6 =	vld [tilespmem:s7+$0x7620];
	v8 =	vpop (erf);
	v1 =	vmul.f32 $1.442695020e+00, v1;
	(erf) = vpow2.f32 v4  }
0x11a: {  	v3 =	vadd.f32 $1.000000000e+00, v3;
	v0 =	vld [tilespmem:s7+$0x4E20];
	(erf) = vpow2.f32 v2;
	v2 =	vadd.f32 $1.000000000e+00, v8;
	v8 =	vpop (erf)  }
0x11b: {  	v5 =	vadd.f32 v5, v7;
	(erf) = vpow2.f32 v1;
	v1 =	vadd.f32 $1.000000000e+00, v8;
	v7 =	vld [tilespmem:s7+$0x4E40]  }
0x11c: {  	v9 =	vld [tilespmem:s7+$0x4E30]  }
0x11d: {  	v4 =	vld [tilespmem:s7+$0x7630];
	(erf) = vrcp.f32 v3  }
0x11e: {  	(erf) = vrcp.f32 v2  }
0x11f: {  	s9 =	simm.s32 $0xC0;
	v3 =	vmul.f32 $1.442695020e+00, v5;
	v0 =	vadd.f32 v0, v6;
	(erf) = vrcp.f32 v1;
	v1 =	vpop (erf)  }
0x120: {  	v2 =	vld [tilespmem:s9+$0x7650];
	v1 =	vadd.f32 $1.000000000e+00, v1;
	v7 =	vadd.f32 v7, v10  }
0x121: {  	v6 =	vld [tilespmem:s9+$0x7620];
	(erf) = vpow2.f32 v3;
	v0 =	vmul.f32 $1.442695020e+00, v0;
	v5 =	vpop (erf)  }
0x122: {  	v3 =	vadd.f32 v9, v4;
	v4 =	vld [tilespmem:s9+$0x4E50];
	(erf) = vrcp.f32 v1;
	v1 =	vadd.f32 v5, v5  }
0x123: {  	v8 =	vpop (erf);
	v5 =	vld [tilespmem:s9+$0x4E20];
	(erf) = vpow2.f32 v0;
	v0 =	vmul.f32 $1.442695020e+00, v7  }
0x124: {  	v3 =	vmul.f32 $1.442695020e+00, v3;
	v7 =	vpop (erf)  }
0x125: {  	v11 =	vld [tilespmem:s9+$0x4E30];
	v7 =	vadd.f32 $1.000000000e+00, v7  }
0x126: {  	v9 =	vld [tilespmem:s9+$0x7630];
	v8 =	vadd.f32 $1.000000000e+00, v8;
	v10 =	vsub.f32 $1.000000000e+00, v1;
	(erf) = vpow2.f32 v3;
	v1 =	vpop (erf)  }
0x127: {  	v2 =	vadd.f32 v4, v2;
	v3 =	vld [tilespmem:s9+$0x7640];
	(erf) = vpow2.f32 v0;
	v0 =	vpop (erf);
	v4 =	vadd.f32 $1.000000000e+00, v1  }
0x128: {  	(erf) = vrcp.f32 v8;
	v6 =	vadd.f32 v5, v6;
	v5 =	vld [tilespmem:s9+$0x4E40];
	v1 =	vadd.f32 v0, v0;
	v0 =	vpop (erf)  }
0x129: {  	v8 =	vmul.f32 $1.442695020e+00, v2;
	(erf) = vrcp.f32 v7;
	v7 =	vpop (erf)  }
0x12a: {  	s10 =	simm.s32 $0x100;
	(erf) = vrcp.f32 v4;
	v2 =	vadd.f32 v0, v0;
	v12 =	vpop (erf);
	v0 =	vadd.f32 v7, v7  }
0x12b: {  	s11 =	simm.s32 $0x500;
	[tilespmem:s1+$0x7650] =	vst v10;
	v4 =	vld [tilespmem:s10+$0x7650];
	v7 =	vadd.f32 v11, v9;
	(erf) = vpow2.f32 v8;
	v8 =	vadd.f32 $1.000000000e+00, v12  }
.LBB2_8:
0x12c: {  	p0 =	sne.s32 s11, $0x4F00;
	v9 =	vld [tilespmem:s10+$0x4E50];
	v6 =	vmul.f32 $1.442695020e+00, v6;
	v10 =	vpop (erf);
	v1 =	vsub.f32 $1.000000000e+00, v1;
	v2 =	vsub.f32 $1.000000000e+00, v2  }
0x12d: {  	v11 =	vld [tilespmem:s10+$0x7620];
	v13 =	vadd.f32 v5, v3;
	v5 =	vpop (erf);
	(erf) = vrcp.f32 v8;
	v8 =	vadd.f32 v10, v10  }
0x12e: {  	v14 =	vmul.f32 $1.442695020e+00, v7;
	v10 =	vld [tilespmem:s10+$0x4E20];
	(erf) = vpow2.f32 v6;
	v6 =	vadd.f32 $1.000000000e+00, v5;
	[tilespmem:s1+$0x7620] =	vst v1  }
0x12f: {  	v0 =	vsub.f32 $1.000000000e+00, v0;
	v12 =	vld [tilespmem:s10+$0x7630];
	v13 =	vmul.f32 $1.442695020e+00, v13;
	v3 =	vpop (erf);
	v5 =	vsub.f32 $1.000000000e+00, v8;
	[tilespmem:s1+$0x7630] =	vst v2  }
0x130: {  	v8 =	vld [tilespmem:s10+$0x4E30];
	(erf) = vpow2.f32 v14;
	v2 =	vadd.f32 $1.000000000e+00, v3;
	v7 =	vpop (erf)  }
.Ltmp3:
0x131: {  	v3 =	vld [tilespmem:s10+$0x7640];
	v4 =	vadd.f32 v9, v4;
	(erf) = vpow2.f32 v13;
	v7 =	vadd.f32 $1.000000000e+00, v7;
	[tilespmem:s0+$0x7650] =	vst v5;
	v1 =	vpop (erf);
	(pc) =	sbr.rel @p0 .LBB2_8-.Ltmp3, $4  }
0x132: {  	v5 =	vld [tilespmem:s10+$0x4E40];
	(erf) = vrcp.f32 v6;
	v1 =	vadd.f32 v1, v1;
	v9 =	vpop (erf);
	[tilespmem:s1+$0x7640] =	vst v0;
	s1 =	smov.u32 s0;
	s0 =	smov.u32 s7;
	s7 =	smov.u32 s9  }
0x133: {  	s9 =	smov.u32 s10;
	v6 =	vadd.f32 v10, v11;
	v10 =	vmul.f32 $1.442695020e+00, v4;
	(erf) = vrcp.f32 v2;
	v0 =	vpop (erf)  }
0x134: {  	s10 =	sshra.s32 s11, $0x2;
	v2 =	vadd.f32 v9, v9;
	v11 =	vpop (erf);
	(erf) = vrcp.f32 v7;
	v0 =	vadd.f32 v0, v0  }
0x135: {  	s11 =	sadd.s32 $0x100, s11;
	v4 =	vld [tilespmem:s10+$0x7650];
	v7 =	vadd.f32 v8, v12;
	(erf) = vpow2.f32 v10;
	v8 =	vadd.f32 $1.000000000e+00, v11  }
0x136: {  	v9 =	vld [tilespmem:s10+$0x4E50]  }
0x137: {  	v10 =	vld [tilespmem:s10+$0x7620]  }
0x138: {  	v11 =	vpop (erf);
	v12 =	vld [tilespmem:s10+$0x4E20]  }
0x139: {  	v6 =	vmul.f32 $1.442695020e+00, v6;
	v13 =	vld [tilespmem:s10+$0x7630];
	v3 =	vadd.f32 v5, v3;
	v58 =	vpop (erf)  }
0x13a: {  	v14 =	vld [tilespmem:s10+$0x4E30];
	(erf) = vrcp.f32 v8;
	v7 =	vmul.f32 $1.442695020e+00, v7;
	v59 =	vpop (erf)  }
0x13b: {  	v15 =	vld [tilespmem:s10+$0x7640];
	(erf) = vpow2.f32 v6;
	v3 =	vmul.f32 $1.442695020e+00, v3;
	v60 =	vpop (erf)  }
0x13c: {  	v16 =	vld [tilespmem:s10+$0x4E40];
	v5 =	vadd.f32 $1.000000000e+00, v58;
	(erf) = vpow2.f32 v7;
	v61 =	vpop (erf)  }
0x13d: {  	v8 =	vadd.f32 $1.000000000e+00, v59;
	v4 =	vadd.f32 v9, v4;
	(erf) = vpow2.f32 v3;
	v62 =	vpop (erf)  }
0x13e: {  	v6 =	vadd.f32 $1.000000000e+00, v60;
	(erf) = vrcp.f32 v5;
	v63 =	vpop (erf)  }
0x13f: {  	v17 =	vadd.f32 v12, v10;
	v4 =	vmul.f32 $1.442695020e+00, v4;
	(erf) = vrcp.f32 v8;
	v18 =	vpop (erf)  }
0x140: {  	v19 =	vadd.f32 v14, v13;
	(erf) = vrcp.f32 v6;
	v8 =	vadd.f32 $1.000000000e+00, v18  }
0x141: {  	v21 =	vadd.f32 v16, v15;
	v20 =	vmul.f32 $1.442695020e+00, v17;
	(erf) = vpow2.f32 v4  }
0x142: {  	v6 =	vmul.f32 $1.442695020e+00, v19;
	(erf) = vrcp.f32 v8  }
0x143: {  	v23 =	vmul.f32 $1.442695020e+00, v21;
	v22 =	vpop (erf);
	(erf) = vpow2.f32 v20  }
0x144: {  	v24 =	vpop (erf);
	(erf) = vpow2.f32 v6  }
0x145: {  	v25 =	vpop (erf);
	(erf) = vpow2.f32 v23  }
0x146: {  	v26 =	vpop (erf)  }
0x147: {  	v27 =	vpop (erf)  }
0x148: {  	v1 =	vsub.f32 $1.000000000e+00, v1;
	v2 =	vsub.f32 $1.000000000e+00, v2;
	v28 =	vpop (erf)  }
0x149: {  	v11 =	vadd.f32 v11, v11;
	v9 =	vadd.f32 $1.000000000e+00, v24;
	v29 =	vpop (erf)  }
0x14a: {  	v0 =	vsub.f32 $1.000000000e+00, v0;
	v6 =	vadd.f32 $1.000000000e+00, v25;
	v30 =	vpop (erf)  }
0x14b: {  	v11 =	vsub.f32 $1.000000000e+00, v11;
	v4 =	vadd.f32 $1.000000000e+00, v26;
	(erf) = vrcp.f32 v9;
	v32 =	vpop (erf)  }
0x14c: {  	v7 =	vadd.f32 v61, v61;
	(erf) = vrcp.f32 v6;
	v31 =	vadd.f32 $1.000000000e+00, v30;
	v33 =	vpop (erf)  }
0x14d: {  	[tilespmem:s1+$0x7620] =	vst v1;
	v34 =	vadd.f32 v62, v62;
	(erf) = vrcp.f32 v4;
	v35 =	vadd.f32 $1.000000000e+00, v33;
	v36 =	vpop (erf)  }
0x14e: {  	[tilespmem:s1+$0x7630] =	vst v2;
	v37 =	vsub.f32 $1.000000000e+00, v7;
	(erf) = vrcp.f32 v31;
	v4 =	vadd.f32 $1.000000000e+00, v36;
	v38 =	vpop (erf)  }
0x14f: {  	[tilespmem:s1+$0x7640] =	vst v0;
	v40 =	vadd.f32 v63, v63;
	v6 =	vadd.f32 $1.000000000e+00, v38;
	(erf) = vrcp.f32 v35  }
0x150: {  	[tilespmem:s0+$0x7650] =	vst v11;
	v1 =	vsub.f32 $1.000000000e+00, v34;
	v39 =	vadd.f32 v22, v22;
	(erf) = vrcp.f32 v4  }
0x151: {  	[tilespmem:s0+$0x7620] =	vst v37;
	v0 =	vsub.f32 $1.000000000e+00, v40;
	v42 =	vadd.f32 v27, v27;
	(erf) = vrcp.f32 v6  }
0x152: {  	[tilespmem:s0+$0x7630] =	vst v1;
	v41 =	vsub.f32 $1.000000000e+00, v39;
	v43 =	vadd.f32 v28, v28  }
0x153: {  	[tilespmem:s0+$0x7640] =	vst v0;
	v44 =	vsub.f32 $1.000000000e+00, v42;
	v47 =	vadd.f32 v29, v29  }
0x154: {  	[tilespmem:s7+$0x7650] =	vst v41;
	v1 =	vsub.f32 $1.000000000e+00, v43;
	v45 =	vadd.f32 v32, v32;
	v46 =	vpop (erf)  }
0x155: {  	[tilespmem:s7+$0x7620] =	vst v44;
	v0 =	vsub.f32 $1.000000000e+00, v47;
	v48 =	vpop (erf);
	v50 =	vadd.f32 v46, v46  }
0x156: {  	[tilespmem:s7+$0x7630] =	vst v1;
	v49 =	vsub.f32 $1.000000000e+00, v45;
	v51 =	vpop (erf);
	v52 =	vadd.f32 v48, v48  }
0x157: {  	[tilespmem:s7+$0x7640] =	vst v0;
	v54 =	vsub.f32 $1.000000000e+00, v50;
	v56 =	vadd.f32 v51, v51;
	v53 =	vpop (erf)  }
0x158: {  	[tilespmem:s9+$0x7650] =	vst v49;
	v1 =	vsub.f32 $1.000000000e+00, v52;
	v55 =	vadd.f32 v53, v53;
	v57 =	vpop (erf)  }
0x159: {  	[tilespmem:s9+$0x7620] =	vst v54;
	v0 =	vsub.f32 $1.000000000e+00, v56;
	v59 =	vadd.f32 v57, v57;
	v60 =	vpop (erf)  }
0x15a: {  	[tilespmem:s9+$0x7630] =	vst v1;
	v58 =	vsub.f32 $1.000000000e+00, v55;
	v61 =	vpop (erf);
	v4 =	vadd.f32 v60, v60  }
0x15b: {  	[tilespmem:s9+$0x7640] =	vst v0;
	v1 =	vadd.f32 v61, v61;
	v62 =	vsub.f32 $1.000000000e+00, v59  }
0x15c: {  	[tilespmem:s10+$0x7650] =	vst v58;
	v63 =	vsub.f32 $1.000000000e+00, v4  }
0x15d: {  	[tilespmem:s10+$0x7620] =	vst v62;
	v1 =	vsub.f32 $1.000000000e+00, v1  }
0x15e: {  	[tilespmem:s10+$0x7630] =	vst v63  }
0x15f: {  	s31 =	simm.s32 $0x4DD0;
	[tilespmem:s10+$0x7640] =	vst v1  }
0x160: {  	[spmem:s2] =	stream.indirect.scatter.add.f32 [tilespmem:s19], [sflag:$0x5], $0x40, s31, s18, $0xb8;
	[tilespmem:$0x13E20] =	vst v63  }
0x161: {  	_ =	swait.ge [sflag:s29], $0x1400  }
0x162: {  	[sflag:s29] =	ssyncset.done $0x0  }
0x163: {  	[sflag:s29] =	ssyncadd.s32 $0xFFFFEC00  }
0x164: {  	_ =	swait.ge [sflag:s26], $0x1400  }
0x165: {  	s30 =	sadd.s32 $0x1, s30;
	[sflag:s26] =	ssyncset.done $0x0  }
0x166: {  	p0 =	sne.s32 s30, s13;
	[sflag:s26] =	ssyncadd.s32 $0xFFFFEC00  }
.Ltmp4:
0x167: {  	[bflag:$0x0] =	sbarrier.arrive $0xFFFF;
	(pc) =	sbr.rel @p0 .LBB2_1-.Ltmp4, $4  }
0x168: {  	[hbm:s12], [sflag:s8] =	dma.local [spmem:s14], $0x1400  }
0x169: {  	_ =	swait.ge [sflag:s15], $0x1400  }
0x16a: {  	[sflag:s15] =	ssyncset.done $0x0  }
0x16b: {  	[sflag:s15] =	ssyncadd.s32 $0xFFFFEC00  }
0x16c: {  	_ =	sfence.sel $0x180000  }
0x16d: {  	[bflag:$0x0] =	sbarrier.arrive $0xFFFF  }
0x16e: {  	_ =	strace $0x90000047  }
0x16f: {  	s0 =	stileid.u32;
	[bflag:$0x2] =	sbarrier.arrive $0xFFFF  }
0x170: {  	p0 =	sne.s32 s0, $0x0;
	s0 =	rddreg [dreg:$0x2]  }
0x171: {  	s0 =	sadd.s32 @!p0 $0x100000, s0  }
0x172: {  	[sflag:s0] =	ssyncadd.tile.s32 @!p0 $0x1;
	_ =	shalt  }
.Lfunc_end2:
_tile_overlayer_lowered:
.L_overlay_start_2:
0x173: {  	(tag) =	ssettag $0x2  }
0x174: {  	s0 =	rddreg [dreg:$0x0];
	s2 =	stileid.u32  }
0x175: {  	s1 =	rddreg [dreg:$0x1];
	p0 =	sne.s32 s2, $0x0  }
0x176: {  	s3 =	rddreg [dreg:$0x2];
	[bflag:$0x3] =	sbarrier.arrive $0xFFFF;
	s2 =	simm.s32 @!p0 $0x1C07  }
0x177: {  	[timem:s3], [sflag:s2] =	dma.local @!p0 [hbm:s0], s1  }
0x178: {  	s0 =	simm.s32 @!p0 $0x7  }
0x179: {  	_ =	swait.ge @!p0 [sflag:s0], s1  }
0x17a: {  	s1 =	ssub.s32 @!p0 $0x0, s1;
	[sflag:s0] =	ssyncset.done @!p0 $0x0  }
0x17b: {  	[sflag:s0] =	ssyncadd.s32 @!p0 s1  }
0x17c: {  	[bflag:$0x3] =	sbarrier.arrive $0xFFFF  }
0x17d: {  	_ =	shalt  }

</sc_bundles>
